<compile_context>
chip_gen: v7x
topology: tpu7x:2x2x1
jax: 0.10.2.dev20260603
libtpu: 0.0.44.dev20260713+nightly
codegen_flags: <defaults>
</compile_context>

<pallas_src>
import functools

import jax
import jax.numpy as jnp
from jax import lax
from jax.experimental import pallas as pl
from jax.experimental.pallas import tpu as pltpu
from jax.experimental.pallas import tpu_sc as plsc

_B = 128
_N = 32768
_L = 16
_NSLICES = _N // _L
_NWORKERS = 32
_ROWS_PER_WORKER = _B // _NWORKERS
_CAPL = 1024
_CAP2 = 128

_mesh = plsc.VectorSubcoreMesh(core_axis_name="c", subcore_axis_name="s")


@functools.partial(
    pl.kernel,
    out_type=jax.ShapeDtypeStruct((_B, _N), jnp.float32),
    mesh=_mesh,
    scratch_types=[
        pltpu.VMEM((_N,), jnp.float32),
        pltpu.VMEM((_N,), jnp.float32),
        pltpu.VMEM((_N,), jnp.float32),
        pltpu.VMEM((_CAPL * _L,), jnp.float32),
        pltpu.VMEM((_CAP2 * _L,), jnp.float32),
        pltpu.SemaphoreType.DMA,
        pltpu.SemaphoreType.DMA,
        pltpu.SemaphoreType.DMA,
        pltpu.SemaphoreType.DMA,
        pltpu.SemaphoreType.DMA,
        pltpu.SemaphoreType.DMA,
    ],
    compiler_params=pltpu.CompilerParams(needs_layout_passes=False),
)
def _sparsemax_sc(x_hbm, out_hbm, row0_v, row1_v, row2_v, cval_v, c2val_v,
                  isem0, isem1, isem2, osem0, osem1, osem2):
    wid = lax.axis_index("s") * 2 + lax.axis_index("c")
    iota = lax.broadcasted_iota(jnp.int32, (_L,), 0)
    zf = jnp.zeros((_L,), jnp.float32)
    wrap = jnp.int32(_CAPL * _L - 1)
    wrap2 = jnp.int32(_CAP2 * _L - 1)

    bufs = [row0_v, row1_v, row2_v]
    isems = [isem0, isem1, isem2]
    osems = [osem0, osem1, osem2]
    in_h = {r: pltpu.async_copy(x_hbm.at[wid * _ROWS_PER_WORKER + r],
                                bufs[r], isems[r])
            for r in range(3)}
    out_h = {}

    for r in range(_ROWS_PER_WORKER):
        row = wid * _ROWS_PER_WORKER + r
        row_v = bufs[r % 3]
        in_h[r].wait()

        def _fuse(i, carry):
            vmax_m1, pos = carry
            v = row_v[pl.ds(i * _L, _L)]
            msk = v > vmax_m1
            vmax_m1 = jnp.maximum(vmax_m1, v - 1.0)
            plsc.store_scatter(cval_v, [pos & wrap], v, mask=msk)
            pos = pos + jnp.where(msk, _L, 0)
            return (vmax_m1, pos)

        vmax_m1, pos = plsc.parallel_loop(
            0, _NSLICES, unroll=16,
            carry=(jnp.full((_L,), -3.0e38, jnp.float32), iota))(_fuse)

        nxt = r + 2
        if 3 <= nxt < _ROWS_PER_WORKER:
            out_h[nxt - 3].wait()
            in_h[nxt] = pltpu.async_copy(
                x_hbm.at[wid * _ROWS_PER_WORKER + nxt], bufs[nxt % 3],
                isems[nxt % 3])
        lane_cnt = (pos - iota) // _L
        maxcnt = jnp.max(lane_cnt)
        ok1 = maxcnt <= _CAPL
        m = jnp.max(vmax_m1) + 1.0
        t0 = m - 1.0

        def _fk0(j, carry):
            s_acc, k_acc, pos2 = carry
            v = cval_v[pl.ds(j * _L, _L)]
            msk = (v > t0) & (j < lane_cnt)
            plsc.store_scatter(c2val_v, [pos2 & wrap2], v, mask=msk)
            pos2 = pos2 + jnp.where(msk, _L, 0)
            return (s_acc + jnp.where(msk, v, 0.0),
                    k_acc + jnp.where(msk, 1.0, 0.0), pos2)

        bound0 = jnp.where(ok1, maxcnt, 0)
        s_acc, k_acc, pos2 = lax.fori_loop(0, bound0, _fk0, (zf, zf, iota))
        lane_cnt2 = (pos2 - iota) // _L
        maxcnt2 = jnp.max(lane_cnt2)
        ok = ok1 & (maxcnt2 <= _CAP2)
        s0, k0 = jnp.sum(s_acc), jnp.sum(k_acc)
        t1 = jnp.maximum(
            t0, ((jnp.full((_L,), s0) - 1.0) / jnp.full((_L,), k0))[0])

        def michelot(fk, t_from, t_prev0):
            def cond(carry):
                t_prev, t = carry
                return t > t_prev

            def body(carry):
                _, t = carry
                s, k = fk(t)
                t_new = ((jnp.full((_L,), s) - 1.0) / jnp.full((_L,), k))[0]
                return (t, jnp.maximum(t, t_new))

            return lax.while_loop(cond, body, (t_prev0, t_from))[1]

        def fast_tau(_):
            def fk(t):
                def b(j, acc):
                    s_acc, k_acc = acc
                    v = c2val_v[pl.ds(j * _L, _L)]
                    msk = (v > t) & (j < lane_cnt2)
                    return (s_acc + jnp.where(msk, v, 0.0),
                            k_acc + jnp.where(msk, 1.0, 0.0))

                s_acc, k_acc = lax.fori_loop(0, maxcnt2, b, (zf, zf))
                return jnp.sum(s_acc), jnp.sum(k_acc)

            return michelot(fk, t1, t0)

        def slow_tau(_):
            def fk(t):
                def b(j, acc):
                    s_acc, k_acc = acc
                    v = row_v[pl.ds(j * _L, _L)]
                    msk = v > t
                    return (s_acc + jnp.where(msk, v, 0.0),
                            k_acc + jnp.where(msk, 1.0, 0.0))

                s_acc, k_acc = lax.fori_loop(0, _NSLICES, b, (zf, zf))
                return jnp.sum(s_acc), jnp.sum(k_acc)

            return michelot(fk, t0, t0 - 1.0)

        tau = lax.cond(ok, fast_tau, slow_tau, 0)

        def _out(i):
            v = row_v[pl.ds(i * _L, _L)]
            row_v[pl.ds(i * _L, _L)] = jnp.maximum(v - tau, 0.0)

        plsc.parallel_loop(0, _NSLICES, unroll=16)(_out)

        out_h[r] = pltpu.async_copy(row_v, out_hbm.at[row], osems[r % 3])

    for r in range(max(0, _ROWS_PER_WORKER - 3), _ROWS_PER_WORKER):
        out_h[r].wait()


def kernel(input):
    return _sparsemax_sc(input)

# --- scband reference (transcript-rebuilt; emitter-appended) ---
"""Pipeline reference for scband-sparsemax-171798691846 (READ-ONLY COPY).

The authoritative reference and input builder live on the scoring server;
editing this copy changes nothing except your own understanding.
"""

import jax, jax.numpy as jnp
import numpy as np


def _sparsemax_last_axis(x):
    # shift for numerical stability (matches torch: input - max)
    x = x - jnp.max(x, axis=-1, keepdims=True)
    n = x.shape[-1]
    # descending sort
    zs = -jnp.sort(-x, axis=-1)
    r = jnp.arange(1, n + 1, dtype=x.dtype)
    r = jnp.broadcast_to(r, zs.shape)
    bound = 1.0 + r * zs
    cumulative_sum_zs = jnp.cumsum(zs, axis=-1)
    is_gt = (bound > cumulative_sum_zs).astype(x.dtype)
    k = jnp.max(is_gt * r, axis=-1, keepdims=True)
    zs_sparse = is_gt * zs
    taus = (jnp.sum(zs_sparse, axis=-1, keepdims=True) - 1.0) / k
    return jnp.maximum(jnp.zeros_like(x), x - taus)


def setup_inputs(seed: int = 0) -> dict:
    key = jax.random.key(seed)
    inp = jax.random.normal(key, (128, 32768), dtype=jnp.float32)
    return {"input": inp}


def reference(input):
    # dim=-1 on a 2D [B, N] tensor: the torch module's transpose/reshape dance
    # ([B,N] -> [N,B] -> [B,N] per-row sparsemax -> [N,B] -> [B,N]) is equivalent
    # to applying sparsemax along the last axis.
    return _sparsemax_last_axis(input)

if __name__ == "__main__":
    import jax
    _d = setup_inputs()
    print(jax.jit(kernel)(*tuple(_d.values())))

</pallas_src>

<mosaic_0001>
#map = affine_map<(d0, d1) -> (0, 0)>
module attributes {stable_mosaic.version = 14 : i64} {
  func.func @_sparsemax_sc(%arg0: i32, %arg1: i32, %arg2: memref<128x32768xf32, #tpu.memory_space<hbm>>, %arg3: memref<128x32768xf32, #tpu.memory_space<hbm>>, %arg4: memref<32768xf32, #tpu.memory_space<vmem>>, %arg5: memref<32768xf32, #tpu.memory_space<vmem>>, %arg6: memref<32768xf32, #tpu.memory_space<vmem>>, %arg7: memref<16384xf32, #tpu.memory_space<vmem>>, %arg8: memref<2048xf32, #tpu.memory_space<vmem>>, %arg9: memref<!tpu.dma_semaphore, #tpu.memory_space<semaphore_mem>>, %arg10: memref<!tpu.dma_semaphore, #tpu.memory_space<semaphore_mem>>, %arg11: memref<!tpu.dma_semaphore, #tpu.memory_space<semaphore_mem>>, %arg12: memref<!tpu.dma_semaphore, #tpu.memory_space<semaphore_mem>>, %arg13: memref<!tpu.dma_semaphore, #tpu.memory_space<semaphore_mem>>, %arg14: memref<!tpu.dma_semaphore, #tpu.memory_space<semaphore_mem>>) attributes {dimension_semantics = [#tpu.dimension_semantics<core_parallel>, #tpu.dimension_semantics<subcore_parallel>], iteration_bounds = array<i64: 2, 16>, scalar_prefetch = 0 : i64, scratch_operands = 11 : i64, tpu.core_type = #tpu.core_type<sc_vector_subcore>, window_params = [{transform_indices = #map}, {transform_indices = #map}]} {
    %mul3A = arith.constant 2 : i32
    %mul3A_0 = arith.muli %arg1, %mul3A : i32
    %add3A = arith.addi %mul3A_0, %arg0 : i32
    %iota3A = tpu.iota {dimensions = array<i32: 0>} : vector<16xi32>
    %broadcast_in_dim3A = arith.constant 0.000000e+00 : f32
    %broadcast_in_dim3A_1 = vector.broadcast %broadcast_in_dim3A : f32 to vector<16xf32>
    %mul3A_2 = arith.constant 4 : i32
    %mul3A_3 = arith.muli %add3A, %mul3A_2 : i32
    %add3A_4 = arith.constant 0 : i32
    %add3A_5 = arith.addi %mul3A_3, %add3A_4 : i32
    %dma_start3A = arith.constant 0 : i32
    %dma_start3A_6 = tpu.memref_slice %arg2[%add3A_5, %dma_start3A] : memref<128x32768xf32, #tpu.memory_space<hbm>> -> memref<1x32768xf32, #tpu.memory_space<hbm>>
    %dma_start3A_7 = tpu.memref_squeeze %dma_start3A_6 : memref<1x32768xf32, #tpu.memory_space<hbm>> -> memref<32768xf32, #tpu.memory_space<hbm>>
    %dma_start3A_8 = arith.constant 0 : i32
    %dma_start3A_9 = tpu.memref_slice %arg2[%add3A_5, %dma_start3A_8] : memref<128x32768xf32, #tpu.memory_space<hbm>> -> memref<1x32768xf32, #tpu.memory_space<hbm>>
    %dma_start3A_10 = tpu.memref_squeeze %dma_start3A_9 : memref<1x32768xf32, #tpu.memory_space<hbm>> -> memref<32768xf32, #tpu.memory_space<hbm>>
    tpu.enqueue_dma source(%dma_start3A_10 : memref<32768xf32, #tpu.memory_space<hbm>>) target(%arg4 : memref<32768xf32, #tpu.memory_space<vmem>>) target_semaphore(%arg9 : memref<!tpu.dma_semaphore, #tpu.memory_space<semaphore_mem>>)
    %mul3A_11 = arith.constant 4 : i32
    %mul3A_12 = arith.muli %add3A, %mul3A_11 : i32
    %add3A_13 = arith.constant 1 : i32
    %add3A_14 = arith.addi %mul3A_12, %add3A_13 : i32
    %dma_start3A_15 = arith.constant 0 : i32
    %dma_start3A_16 = tpu.memref_slice %arg2[%add3A_14, %dma_start3A_15] : memref<128x32768xf32, #tpu.memory_space<hbm>> -> memref<1x32768xf32, #tpu.memory_space<hbm>>
    %dma_start3A_17 = tpu.memref_squeeze %dma_start3A_16 : memref<1x32768xf32, #tpu.memory_space<hbm>> -> memref<32768xf32, #tpu.memory_space<hbm>>
    %dma_start3A_18 = arith.constant 0 : i32
    %dma_start3A_19 = tpu.memref_slice %arg2[%add3A_14, %dma_start3A_18] : memref<128x32768xf32, #tpu.memory_space<hbm>> -> memref<1x32768xf32, #tpu.memory_space<hbm>>
    %dma_start3A_20 = tpu.memref_squeeze %dma_start3A_19 : memref<1x32768xf32, #tpu.memory_space<hbm>> -> memref<32768xf32, #tpu.memory_space<hbm>>
    tpu.enqueue_dma source(%dma_start3A_20 : memref<32768xf32, #tpu.memory_space<hbm>>) target(%arg5 : memref<32768xf32, #tpu.memory_space<vmem>>) target_semaphore(%arg10 : memref<!tpu.dma_semaphore, #tpu.memory_space<semaphore_mem>>)
    %mul3A_21 = arith.constant 4 : i32
    %mul3A_22 = arith.muli %add3A, %mul3A_21 : i32
    %add3A_23 = arith.constant 2 : i32
    %add3A_24 = arith.addi %mul3A_22, %add3A_23 : i32
    %dma_start3A_25 = arith.constant 0 : i32
    %dma_start3A_26 = tpu.memref_slice %arg2[%add3A_24, %dma_start3A_25] : memref<128x32768xf32, #tpu.memory_space<hbm>> -> memref<1x32768xf32, #tpu.memory_space<hbm>>
    %dma_start3A_27 = tpu.memref_squeeze %dma_start3A_26 : memref<1x32768xf32, #tpu.memory_space<hbm>> -> memref<32768xf32, #tpu.memory_space<hbm>>
    %dma_start3A_28 = arith.constant 0 : i32
    %dma_start3A_29 = tpu.memref_slice %arg2[%add3A_24, %dma_start3A_28] : memref<128x32768xf32, #tpu.memory_space<hbm>> -> memref<1x32768xf32, #tpu.memory_space<hbm>>
    %dma_start3A_30 = tpu.memref_squeeze %dma_start3A_29 : memref<1x32768xf32, #tpu.memory_space<hbm>> -> memref<32768xf32, #tpu.memory_space<hbm>>
    tpu.enqueue_dma source(%dma_start3A_30 : memref<32768xf32, #tpu.memory_space<hbm>>) target(%arg6 : memref<32768xf32, #tpu.memory_space<vmem>>) target_semaphore(%arg11 : memref<!tpu.dma_semaphore, #tpu.memory_space<semaphore_mem>>)
    %mul3A_31 = arith.constant 4 : i32
    %mul3A_32 = arith.muli %add3A, %mul3A_31 : i32
    %add3A_33 = arith.constant 0 : i32
    %add3A_34 = arith.addi %mul3A_32, %add3A_33 : i32
    %dma_wait3A = arith.constant 0 : i32
    %dma_wait3A_35 = tpu.memref_slice %arg2[%add3A_5, %dma_wait3A] : memref<128x32768xf32, #tpu.memory_space<hbm>> -> memref<1x32768xf32, #tpu.memory_space<hbm>>
    %dma_wait3A_36 = tpu.memref_squeeze %dma_wait3A_35 : memref<1x32768xf32, #tpu.memory_space<hbm>> -> memref<32768xf32, #tpu.memory_space<hbm>>
    %dma_wait3A_37 = arith.constant 0 : i32
    %dma_wait3A_38 = tpu.memref_slice %arg2[%add3A_5, %dma_wait3A_37] : memref<128x32768xf32, #tpu.memory_space<hbm>> -> memref<1x32768xf32, #tpu.memory_space<hbm>>
    %dma_wait3A_39 = tpu.memref_squeeze %dma_wait3A_38 : memref<1x32768xf32, #tpu.memory_space<hbm>> -> memref<32768xf32, #tpu.memory_space<hbm>>
    tpu.wait_dma2 semaphore(%arg9 : memref<!tpu.dma_semaphore, #tpu.memory_space<semaphore_mem>>) src(%dma_wait3A_39 : memref<32768xf32, #tpu.memory_space<hbm>>) dst(%arg4 : memref<32768xf32, #tpu.memory_space<vmem>>)
    %broadcast_in_dim3A_40 = arith.constant -3.000000e+38 : f32
    %broadcast_in_dim3A_41 = vector.broadcast %broadcast_in_dim3A_40 : f32 to vector<16xf32>
    %parallel_loop3A = arith.constant 0 : i32
    %parallel_loop3A_42 = arith.constant 2048 : i32
    %parallel_loop3A_43 = arith.constant 1 : i32
    %parallel_loop3A_44 = arith.constant 16383 : i32
    %parallel_loop3A_45:2 = scf.for %parallel_loop3A_666 = %parallel_loop3A to %parallel_loop3A_42 step %parallel_loop3A_43 iter_args(%parallel_loop3A_667 = %broadcast_in_dim3A_41, %parallel_loop3A_668 = %iota3A) -> (vector<16xf32>, vector<16xi32>)  : i32 {
      %parallel_loop3A_669 = arith.constant 16 : i32
      %parallel_loop3A_670 = arith.muli %parallel_loop3A_666, %parallel_loop3A_669 : i32
      %parallel_loop3A_671 = arith.index_cast %parallel_loop3A_670 : i32 to index
      %parallel_loop3A_672 = tpu.vector_load %arg4[%parallel_loop3A_671] {strides = array<i32>} : memref<32768xf32, #tpu.memory_space<vmem>>, vector<16xf32>,
      %parallel_loop3A_673 = arith.cmpf ogt, %parallel_loop3A_672, %parallel_loop3A_667 : vector<16xf32>
      %parallel_loop3A_674 = arith.constant 1.000000e+00 : f32
      %parallel_loop3A_675 = vector.broadcast %parallel_loop3A_674 : f32 to vector<16xf32>
      %parallel_loop3A_676 = arith.subf %parallel_loop3A_672, %parallel_loop3A_675 : vector<16xf32>
      %parallel_loop3A_677 = arith.maximumf %parallel_loop3A_667, %parallel_loop3A_676 : vector<16xf32>
      %parallel_loop3A_678 = vector.broadcast %parallel_loop3A_44 : i32 to vector<16xi32>
      %parallel_loop3A_679 = arith.andi %parallel_loop3A_668, %parallel_loop3A_678 : vector<16xi32>
      tpu.vector_store_idx %arg7[%parallel_loop3A_679], %parallel_loop3A_672 masked %parallel_loop3A_673 : memref<16384xf32, #tpu.memory_space<vmem>>[vector<16xi32>], vector<16xf32>, vector<16xi1>
      %parallel_loop3A_680 = arith.constant 16 : i32
      %parallel_loop3A_681 = arith.constant 0 : i32
      %parallel_loop3A_682 = vector.broadcast %parallel_loop3A_680 : i32 to vector<16xi32>
      %parallel_loop3A_683 = vector.broadcast %parallel_loop3A_681 : i32 to vector<16xi32>
      %parallel_loop3A_684 = arith.select %parallel_loop3A_673, %parallel_loop3A_682, %parallel_loop3A_683 : vector<16xi1>, vector<16xi32>
      %parallel_loop3A_685 = arith.addi %parallel_loop3A_668, %parallel_loop3A_684 : vector<16xi32>
      scf.yield %parallel_loop3A_677, %parallel_loop3A_685 : vector<16xf32>, vector<16xi32>
    } {sc.loop_unroll_factor = 16 : i64, sc.parallel_access}
    %sub3A = arith.subi %parallel_loop3A_45#1, %iota3A : vector<16xi32>
    %jit3A = arith.constant 16 : i32
    %div3A = vector.broadcast %jit3A : i32 to vector<16xi32>
    %div3A_46 = arith.divsi %sub3A, %div3A : vector<16xi32>
    %sign3A = arith.constant 0 : i32
    %sign3A_47 = vector.broadcast %sign3A : i32 to vector<16xi32>
    %sign3A_48 = arith.cmpi sgt, %sub3A, %sign3A_47 : vector<16xi32>
    %sign3A_49 = arith.extui %sign3A_48 : vector<16xi1> to vector<16xi32>
    %sign3A_50 = arith.constant 0 : i32
    %sign3A_51 = vector.broadcast %sign3A_50 : i32 to vector<16xi32>
    %sign3A_52 = arith.cmpi slt, %sub3A, %sign3A_51 : vector<16xi32>
    %sign3A_53 = arith.extui %sign3A_52 : vector<16xi1> to vector<16xi32>
    %sign3A_54 = arith.subi %sign3A_49, %sign3A_53 : vector<16xi32>
    %sign3A_55 = arith.constant 0 : i32
    %sign3A_56 = arith.cmpi sgt, %jit3A, %sign3A_55 : i32
    %sign3A_57 = arith.extui %sign3A_56 : i1 to i32
    %sign3A_58 = arith.constant 0 : i32
    %sign3A_59 = arith.cmpi slt, %jit3A, %sign3A_58 : i32
    %sign3A_60 = arith.extui %sign3A_59 : i1 to i32
    %sign3A_61 = arith.subi %sign3A_57, %sign3A_60 : i32
    %ne3A = vector.broadcast %sign3A_61 : i32 to vector<16xi32>
    %ne3A_62 = arith.cmpi ne, %sign3A_54, %ne3A : vector<16xi32>
    %rem3A = vector.broadcast %jit3A : i32 to vector<16xi32>
    %rem3A_63 = arith.remsi %sub3A, %rem3A : vector<16xi32>
    %ne3A_64 = arith.constant 0 : i32
    %ne3A_65 = vector.broadcast %ne3A_64 : i32 to vector<16xi32>
    %ne3A_66 = arith.cmpi ne, %rem3A_63, %ne3A_65 : vector<16xi32>
    %and3A = arith.andi %ne3A_62, %ne3A_66 : vector<16xi1>
    %sub3A_67 = arith.constant 1 : i32
    %sub3A_68 = vector.broadcast %sub3A_67 : i32 to vector<16xi32>
    %sub3A_69 = arith.subi %div3A_46, %sub3A_68 : vector<16xi32>
    %select_n3A = arith.select %and3A, %sub3A_69, %div3A_46 : vector<16xi1>, vector<16xi32>
    %reduce_max3A = arith.constant true
    %reduce_max3A_70 = vector.broadcast %reduce_max3A : i1 to vector<16xi1>
    %reduce_max3A_71 = arith.constant -2147483648 : i32
    %reduce_max3A_72 = vector.broadcast %reduce_max3A_71 : i32 to vector<16xi32>
    %reduce_max3A_73 = arith.xori %select_n3A, %reduce_max3A_72 : vector<16xi32>
    %reduce_max3A_74 = tpu.scan <max>, %reduce_max3A_73 masked %reduce_max3A_70 : vector<16xi32>, vector<16xi1> -> vector<16xi32>
    %reduce_max3A_75 = arith.xori %reduce_max3A_74, %reduce_max3A_72 : vector<16xi32>
    %reduce_max3A_76 = vector.extract %reduce_max3A_75[15] : i32 from vector<16xi32>
    %le3A = arith.constant 1024 : i32
    %le3A_77 = arith.cmpi sle, %reduce_max3A_76, %le3A : i32
    %reduce_max3A_78 = arith.constant true
    %reduce_max3A_79 = vector.broadcast %reduce_max3A_78 : i1 to vector<16xi1>
    %reduce_max3A_80 = tpu.scan <max>, %parallel_loop3A_45#0 masked %reduce_max3A_79 : vector<16xf32>, vector<16xi1> -> vector<16xf32>
    %reduce_max3A_81 = vector.extract %reduce_max3A_80[15] : f32 from vector<16xf32>
    %add3A_82 = arith.constant 1.000000e+00 : f32
    %add3A_83 = arith.addf %reduce_max3A_81, %add3A_82 : f32
    %sub3A_84 = arith.constant 1.000000e+00 : f32
    %sub3A_85 = arith.subf %add3A_83, %sub3A_84 : f32
    %jit3A_86 = arith.constant 0 : i32
    %select_n3A_87 = arith.select %le3A_77, %reduce_max3A_76, %jit3A_86 : i32
    %while3A = arith.constant 2047 : i32
    %while3A_88 = arith.constant 0 : i32
    %while3A_89 = arith.subi %select_n3A_87, %while3A_88 : i32
    %while3A_90 = arith.addi %while3A_88, %while3A_89 : i32
    %while3A_91 = arith.constant 1 : i32
    %while3A_92 = arith.divsi %while3A_89, %while3A_91 : i32
    %while3A_93 = arith.muli %while3A_92, %while3A_91 : i32
    %while3A_94 = arith.addi %while3A_88, %while3A_93 : i32
    %while3A_95 = arith.constant 1 : i32
    %while3A_96:3 = scf.for %while3A_666 = %while3A_88 to %while3A_94 step %while3A_95 iter_args(%while3A_667 = %broadcast_in_dim3A_1, %while3A_668 = %broadcast_in_dim3A_1, %while3A_669 = %iota3A) -> (vector<16xf32>, vector<16xf32>, vector<16xi32>)  : i32 {
      %mul3A_670 = arith.constant 16 : i32
      %mul3A_671 = arith.muli %while3A_666, %mul3A_670 : i32
      %get3A = arith.index_cast %mul3A_671 : i32 to index
      %get3A_672 = tpu.vector_load %arg7[%get3A] {strides = array<i32>} : memref<16384xf32, #tpu.memory_space<vmem>>, vector<16xf32>,
      %gt3A = vector.broadcast %sub3A_85 : f32 to vector<16xf32>
      %gt3A_673 = arith.cmpf ogt, %get3A_672, %gt3A : vector<16xf32>
      %lt3A = vector.broadcast %while3A_666 : i32 to vector<16xi32>
      %lt3A_674 = arith.cmpi slt, %lt3A, %select_n3A : vector<16xi32>
      %and3A_675 = arith.andi %gt3A_673, %lt3A_674 : vector<16xi1>
      %and3A_676 = vector.broadcast %while3A : i32 to vector<16xi32>
      %and3A_677 = arith.andi %while3A_669, %and3A_676 : vector<16xi32>
      tpu.vector_store_idx %arg8[%and3A_677], %get3A_672 masked %and3A_675 : memref<2048xf32, #tpu.memory_space<vmem>>[vector<16xi32>], vector<16xf32>, vector<16xi1>
      %jit3A_678 = arith.constant 16 : i32
      %jit3A_679 = arith.constant 0 : i32
      %broadcast_in_dim3A_680 = vector.broadcast %jit3A_678 : i32 to vector<16xi32>
      %broadcast_in_dim3A_681 = vector.broadcast %jit3A_679 : i32 to vector<16xi32>
      %select_n3A_682 = arith.select %and3A_675, %broadcast_in_dim3A_680, %broadcast_in_dim3A_681 : vector<16xi1>, vector<16xi32>
      %add3A_683 = arith.addi %while3A_669, %select_n3A_682 : vector<16xi32>
      %jit3A_684 = arith.constant 0.000000e+00 : f32
      %broadcast_in_dim3A_685 = vector.broadcast %jit3A_684 : f32 to vector<16xf32>
      %select_n3A_686 = arith.select %and3A_675, %get3A_672, %broadcast_in_dim3A_685 : vector<16xi1>, vector<16xf32>
      %add3A_687 = arith.addf %while3A_667, %select_n3A_686 : vector<16xf32>
      %jit3A_688 = arith.constant 1.000000e+00 : f32
      %jit3A_689 = arith.constant 0.000000e+00 : f32
      %broadcast_in_dim3A_690 = vector.broadcast %jit3A_688 : f32 to vector<16xf32>
      %broadcast_in_dim3A_691 = vector.broadcast %jit3A_689 : f32 to vector<16xf32>
      %select_n3A_692 = arith.select %and3A_675, %broadcast_in_dim3A_690, %broadcast_in_dim3A_691 : vector<16xi1>, vector<16xf32>
      %add3A_693 = arith.addf %while3A_668, %select_n3A_692 : vector<16xf32>
      scf.yield %add3A_687, %add3A_693, %add3A_683 : vector<16xf32>, vector<16xf32>, vector<16xi32>
    }
    %while3A_97 = arith.constant 1 : i32
    %while3A_98:3 = scf.for %while3A_666 = %while3A_94 to %while3A_90 step %while3A_97 iter_args(%while3A_667 = %while3A_96#0, %while3A_668 = %while3A_96#1, %while3A_669 = %while3A_96#2) -> (vector<16xf32>, vector<16xf32>, vector<16xi32>)  : i32 {
      %mul3A_670 = arith.constant 16 : i32
      %mul3A_671 = arith.muli %while3A_666, %mul3A_670 : i32
      %get3A = arith.index_cast %mul3A_671 : i32 to index
      %get3A_672 = tpu.vector_load %arg7[%get3A] {strides = array<i32>} : memref<16384xf32, #tpu.memory_space<vmem>>, vector<16xf32>,
      %gt3A = vector.broadcast %sub3A_85 : f32 to vector<16xf32>
      %gt3A_673 = arith.cmpf ogt, %get3A_672, %gt3A : vector<16xf32>
      %lt3A = vector.broadcast %while3A_666 : i32 to vector<16xi32>
      %lt3A_674 = arith.cmpi slt, %lt3A, %select_n3A : vector<16xi32>
      %and3A_675 = arith.andi %gt3A_673, %lt3A_674 : vector<16xi1>
      %and3A_676 = vector.broadcast %while3A : i32 to vector<16xi32>
      %and3A_677 = arith.andi %while3A_669, %and3A_676 : vector<16xi32>
      tpu.vector_store_idx %arg8[%and3A_677], %get3A_672 masked %and3A_675 : memref<2048xf32, #tpu.memory_space<vmem>>[vector<16xi32>], vector<16xf32>, vector<16xi1>
      %jit3A_678 = arith.constant 16 : i32
      %jit3A_679 = arith.constant 0 : i32
      %broadcast_in_dim3A_680 = vector.broadcast %jit3A_678 : i32 to vector<16xi32>
      %broadcast_in_dim3A_681 = vector.broadcast %jit3A_679 : i32 to vector<16xi32>
      %select_n3A_682 = arith.select %and3A_675, %broadcast_in_dim3A_680, %broadcast_in_dim3A_681 : vector<16xi1>, vector<16xi32>
      %add3A_683 = arith.addi %while3A_669, %select_n3A_682 : vector<16xi32>
      %jit3A_684 = arith.constant 0.000000e+00 : f32
      %broadcast_in_dim3A_685 = vector.broadcast %jit3A_684 : f32 to vector<16xf32>
      %select_n3A_686 = arith.select %and3A_675, %get3A_672, %broadcast_in_dim3A_685 : vector<16xi1>, vector<16xf32>
      %add3A_687 = arith.addf %while3A_667, %select_n3A_686 : vector<16xf32>
      %jit3A_688 = arith.constant 1.000000e+00 : f32
      %jit3A_689 = arith.constant 0.000000e+00 : f32
      %broadcast_in_dim3A_690 = vector.broadcast %jit3A_688 : f32 to vector<16xf32>
      %broadcast_in_dim3A_691 = vector.broadcast %jit3A_689 : f32 to vector<16xf32>
      %select_n3A_692 = arith.select %and3A_675, %broadcast_in_dim3A_690, %broadcast_in_dim3A_691 : vector<16xi1>, vector<16xf32>
      %add3A_693 = arith.addf %while3A_668, %select_n3A_692 : vector<16xf32>
      scf.yield %add3A_687, %add3A_693, %add3A_683 : vector<16xf32>, vector<16xf32>, vector<16xi32>
    }
    %sub3A_99 = arith.subi %while3A_98#2, %iota3A : vector<16xi32>
    %jit3A_100 = arith.constant 16 : i32
    %div3A_101 = vector.broadcast %jit3A_100 : i32 to vector<16xi32>
    %div3A_102 = arith.divsi %sub3A_99, %div3A_101 : vector<16xi32>
    %sign3A_103 = arith.constant 0 : i32
    %sign3A_104 = vector.broadcast %sign3A_103 : i32 to vector<16xi32>
    %sign3A_105 = arith.cmpi sgt, %sub3A_99, %sign3A_104 : vector<16xi32>
    %sign3A_106 = arith.extui %sign3A_105 : vector<16xi1> to vector<16xi32>
    %sign3A_107 = arith.constant 0 : i32
    %sign3A_108 = vector.broadcast %sign3A_107 : i32 to vector<16xi32>
    %sign3A_109 = arith.cmpi slt, %sub3A_99, %sign3A_108 : vector<16xi32>
    %sign3A_110 = arith.extui %sign3A_109 : vector<16xi1> to vector<16xi32>
    %sign3A_111 = arith.subi %sign3A_106, %sign3A_110 : vector<16xi32>
    %sign3A_112 = arith.constant 0 : i32
    %sign3A_113 = arith.cmpi sgt, %jit3A_100, %sign3A_112 : i32
    %sign3A_114 = arith.extui %sign3A_113 : i1 to i32
    %sign3A_115 = arith.constant 0 : i32
    %sign3A_116 = arith.cmpi slt, %jit3A_100, %sign3A_115 : i32
    %sign3A_117 = arith.extui %sign3A_116 : i1 to i32
    %sign3A_118 = arith.subi %sign3A_114, %sign3A_117 : i32
    %ne3A_119 = vector.broadcast %sign3A_118 : i32 to vector<16xi32>
    %ne3A_120 = arith.cmpi ne, %sign3A_111, %ne3A_119 : vector<16xi32>
    %rem3A_121 = vector.broadcast %jit3A_100 : i32 to vector<16xi32>
    %rem3A_122 = arith.remsi %sub3A_99, %rem3A_121 : vector<16xi32>
    %ne3A_123 = arith.constant 0 : i32
    %ne3A_124 = vector.broadcast %ne3A_123 : i32 to vector<16xi32>
    %ne3A_125 = arith.cmpi ne, %rem3A_122, %ne3A_124 : vector<16xi32>
    %and3A_126 = arith.andi %ne3A_120, %ne3A_125 : vector<16xi1>
    %sub3A_127 = arith.constant 1 : i32
    %sub3A_128 = vector.broadcast %sub3A_127 : i32 to vector<16xi32>
    %sub3A_129 = arith.subi %div3A_102, %sub3A_128 : vector<16xi32>
    %select_n3A_130 = arith.select %and3A_126, %sub3A_129, %div3A_102 : vector<16xi1>, vector<16xi32>
    %reduce_max3A_131 = arith.constant true
    %reduce_max3A_132 = vector.broadcast %reduce_max3A_131 : i1 to vector<16xi1>
    %reduce_max3A_133 = arith.constant -2147483648 : i32
    %reduce_max3A_134 = vector.broadcast %reduce_max3A_133 : i32 to vector<16xi32>
    %reduce_max3A_135 = arith.xori %select_n3A_130, %reduce_max3A_134 : vector<16xi32>
    %reduce_max3A_136 = tpu.scan <max>, %reduce_max3A_135 masked %reduce_max3A_132 : vector<16xi32>, vector<16xi1> -> vector<16xi32>
    %reduce_max3A_137 = arith.xori %reduce_max3A_136, %reduce_max3A_134 : vector<16xi32>
    %reduce_max3A_138 = vector.extract %reduce_max3A_137[15] : i32 from vector<16xi32>
    %le3A_139 = arith.constant 128 : i32
    %le3A_140 = arith.cmpi sle, %reduce_max3A_138, %le3A_139 : i32
    %and3A_141 = arith.andi %le3A_77, %le3A_140 : i1
    %reduce_sum3A = arith.constant true
    %reduce_sum3A_142 = vector.broadcast %reduce_sum3A : i1 to vector<16xi1>
    %reduce_sum3A_143 = tpu.scan <sum>, %while3A_98#0 masked %reduce_sum3A_142 : vector<16xf32>, vector<16xi1> -> vector<16xf32>
    %reduce_sum3A_144 = vector.extract %reduce_sum3A_143[15] : f32 from vector<16xf32>
    %reduce_sum3A_145 = arith.constant true
    %reduce_sum3A_146 = vector.broadcast %reduce_sum3A_145 : i1 to vector<16xi1>
    %reduce_sum3A_147 = tpu.scan <sum>, %while3A_98#1 masked %reduce_sum3A_146 : vector<16xf32>, vector<16xi1> -> vector<16xf32>
    %reduce_sum3A_148 = vector.extract %reduce_sum3A_147[15] : f32 from vector<16xf32>
    %broadcast_in_dim3A_149 = vector.broadcast %reduce_sum3A_144 : f32 to vector<16xf32>
    %sub3A_150 = arith.constant 1.000000e+00 : f32
    %sub3A_151 = vector.broadcast %sub3A_150 : f32 to vector<16xf32>
    %sub3A_152 = arith.subf %broadcast_in_dim3A_149, %sub3A_151 : vector<16xf32>
    %broadcast_in_dim3A_153 = vector.broadcast %reduce_sum3A_148 : f32 to vector<16xf32>
    %div3A_154 = arith.divf %sub3A_152, %broadcast_in_dim3A_153 : vector<16xf32>
    %slice3A = vector.extract_strided_slice %div3A_154 {offsets = [0], sizes = [1], strides = [1]} : vector<16xf32> to vector<1xf32>
    %squeeze3A = vector.extract %slice3A[0] : f32 from vector<1xf32>
    %max3A = arith.maximumf %sub3A_85, %squeeze3A : f32
    %convert_element_type3A = arith.extui %and3A_141 : i1 to i32
    %cond3A = arith.constant 0 : i32
    %cond3A_155 = arith.constant 0 : i32
    %cond3A_156 = arith.cmpi ne, %convert_element_type3A, %cond3A_155 : i32
    %cond3A_157 = scf.if %cond3A_156 -> (f32) {
      %while3A_666:2 = scf.while (%while3A_667 = %sub3A_85, %while3A_668 = %max3A) : (f32, f32) -> (f32, f32) {
        %gt3A = arith.cmpf ogt, %while3A_668, %while3A_667 : f32
        scf.condition(%gt3A) %while3A_667, %while3A_668 : f32, f32
      } do {
      ^bb0(%while3A_667: f32, %while3A_668: f32):
        %while3A_669 = arith.constant 0 : i32
        %while3A_670 = arith.subi %reduce_max3A_138, %while3A_669 : i32
        %while3A_671 = arith.addi %while3A_669, %while3A_670 : i32
        %while3A_672 = arith.constant 1 : i32
        %while3A_673 = arith.divsi %while3A_670, %while3A_672 : i32
        %while3A_674 = arith.muli %while3A_673, %while3A_672 : i32
        %while3A_675 = arith.addi %while3A_669, %while3A_674 : i32
        %while3A_676 = arith.constant 1 : i32
        %while3A_677:2 = scf.for %while3A_697 = %while3A_669 to %while3A_675 step %while3A_676 iter_args(%while3A_698 = %broadcast_in_dim3A_1, %while3A_699 = %broadcast_in_dim3A_1) -> (vector<16xf32>, vector<16xf32>)  : i32 {
          %mul3A_700 = arith.constant 16 : i32
          %mul3A_701 = arith.muli %while3A_697, %mul3A_700 : i32
          %get3A = arith.index_cast %mul3A_701 : i32 to index
          %get3A_702 = tpu.vector_load %arg8[%get3A] {strides = array<i32>} : memref<2048xf32, #tpu.memory_space<vmem>>, vector<16xf32>,
          %gt3A = vector.broadcast %while3A_668 : f32 to vector<16xf32>
          %gt3A_703 = arith.cmpf ogt, %get3A_702, %gt3A : vector<16xf32>
          %lt3A = vector.broadcast %while3A_697 : i32 to vector<16xi32>
          %lt3A_704 = arith.cmpi slt, %lt3A, %select_n3A_130 : vector<16xi32>
          %and3A_705 = arith.andi %gt3A_703, %lt3A_704 : vector<16xi1>
          %jit3A_706 = arith.constant 0.000000e+00 : f32
          %broadcast_in_dim3A_707 = vector.broadcast %jit3A_706 : f32 to vector<16xf32>
          %select_n3A_708 = arith.select %and3A_705, %get3A_702, %broadcast_in_dim3A_707 : vector<16xi1>, vector<16xf32>
          %add3A_709 = arith.addf %while3A_698, %select_n3A_708 : vector<16xf32>
          %jit3A_710 = arith.constant 1.000000e+00 : f32
          %jit3A_711 = arith.constant 0.000000e+00 : f32
          %broadcast_in_dim3A_712 = vector.broadcast %jit3A_710 : f32 to vector<16xf32>
          %broadcast_in_dim3A_713 = vector.broadcast %jit3A_711 : f32 to vector<16xf32>
          %select_n3A_714 = arith.select %and3A_705, %broadcast_in_dim3A_712, %broadcast_in_dim3A_713 : vector<16xi1>, vector<16xf32>
          %add3A_715 = arith.addf %while3A_699, %select_n3A_714 : vector<16xf32>
          scf.yield %add3A_709, %add3A_715 : vector<16xf32>, vector<16xf32>
        }
        %while3A_678 = arith.constant 1 : i32
        %while3A_679:2 = scf.for %while3A_697 = %while3A_675 to %while3A_671 step %while3A_678 iter_args(%while3A_698 = %while3A_677#0, %while3A_699 = %while3A_677#1) -> (vector<16xf32>, vector<16xf32>)  : i32 {
          %mul3A_700 = arith.constant 16 : i32
          %mul3A_701 = arith.muli %while3A_697, %mul3A_700 : i32
          %get3A = arith.index_cast %mul3A_701 : i32 to index
          %get3A_702 = tpu.vector_load %arg8[%get3A] {strides = array<i32>} : memref<2048xf32, #tpu.memory_space<vmem>>, vector<16xf32>,
          %gt3A = vector.broadcast %while3A_668 : f32 to vector<16xf32>
          %gt3A_703 = arith.cmpf ogt, %get3A_702, %gt3A : vector<16xf32>
          %lt3A = vector.broadcast %while3A_697 : i32 to vector<16xi32>
          %lt3A_704 = arith.cmpi slt, %lt3A, %select_n3A_130 : vector<16xi32>
          %and3A_705 = arith.andi %gt3A_703, %lt3A_704 : vector<16xi1>
          %jit3A_706 = arith.constant 0.000000e+00 : f32
          %broadcast_in_dim3A_707 = vector.broadcast %jit3A_706 : f32 to vector<16xf32>
          %select_n3A_708 = arith.select %and3A_705, %get3A_702, %broadcast_in_dim3A_707 : vector<16xi1>, vector<16xf32>
          %add3A_709 = arith.addf %while3A_698, %select_n3A_708 : vector<16xf32>
          %jit3A_710 = arith.constant 1.000000e+00 : f32
          %jit3A_711 = arith.constant 0.000000e+00 : f32
          %broadcast_in_dim3A_712 = vector.broadcast %jit3A_710 : f32 to vector<16xf32>
          %broadcast_in_dim3A_713 = vector.broadcast %jit3A_711 : f32 to vector<16xf32>
          %select_n3A_714 = arith.select %and3A_705, %broadcast_in_dim3A_712, %broadcast_in_dim3A_713 : vector<16xi1>, vector<16xf32>
          %add3A_715 = arith.addf %while3A_699, %select_n3A_714 : vector<16xf32>
          scf.yield %add3A_709, %add3A_715 : vector<16xf32>, vector<16xf32>
        }
        %reduce_sum3A_680 = arith.constant true
        %reduce_sum3A_681 = vector.broadcast %reduce_sum3A_680 : i1 to vector<16xi1>
        %reduce_sum3A_682 = tpu.scan <sum>, %while3A_679#0 masked %reduce_sum3A_681 : vector<16xf32>, vector<16xi1> -> vector<16xf32>
        %reduce_sum3A_683 = vector.extract %reduce_sum3A_682[15] : f32 from vector<16xf32>
        %reduce_sum3A_684 = arith.constant true
        %reduce_sum3A_685 = vector.broadcast %reduce_sum3A_684 : i1 to vector<16xi1>
        %reduce_sum3A_686 = tpu.scan <sum>, %while3A_679#1 masked %reduce_sum3A_685 : vector<16xf32>, vector<16xi1> -> vector<16xf32>
        %reduce_sum3A_687 = vector.extract %reduce_sum3A_686[15] : f32 from vector<16xf32>
        %broadcast_in_dim3A_688 = vector.broadcast %reduce_sum3A_683 : f32 to vector<16xf32>
        %sub3A_689 = arith.constant 1.000000e+00 : f32
        %sub3A_690 = vector.broadcast %sub3A_689 : f32 to vector<16xf32>
        %sub3A_691 = arith.subf %broadcast_in_dim3A_688, %sub3A_690 : vector<16xf32>
        %broadcast_in_dim3A_692 = vector.broadcast %reduce_sum3A_687 : f32 to vector<16xf32>
        %div3A_693 = arith.divf %sub3A_691, %broadcast_in_dim3A_692 : vector<16xf32>
        %slice3A_694 = vector.extract_strided_slice %div3A_693 {offsets = [0], sizes = [1], strides = [1]} : vector<16xf32> to vector<1xf32>
        %squeeze3A_695 = vector.extract %slice3A_694[0] : f32 from vector<1xf32>
        %max3A_696 = arith.maximumf %while3A_668, %squeeze3A_695 : f32
        scf.yield %while3A_668, %max3A_696 : f32, f32
      }
      scf.yield %while3A_666#1 : f32
    } else {
      %sub3A_666 = arith.constant 1.000000e+00 : f32
      %sub3A_667 = arith.subf %sub3A_85, %sub3A_666 : f32
      %while3A_668:2 = scf.while (%while3A_669 = %sub3A_667, %while3A_670 = %sub3A_85) : (f32, f32) -> (f32, f32) {
        %gt3A = arith.cmpf ogt, %while3A_670, %while3A_669 : f32
        scf.condition(%gt3A) %while3A_669, %while3A_670 : f32, f32
      } do {
      ^bb0(%while3A_669: f32, %while3A_670: f32):
        %scan3A = arith.constant 0 : i32
        %scan3A_671 = arith.constant 2048 : i32
        %scan3A_672 = arith.addi %scan3A, %scan3A_671 : i32
        %scan3A_673 = arith.constant 1 : i32
        %scan3A_674:2 = scf.for %scan3A_693 = %scan3A to %scan3A_672 step %scan3A_673 iter_args(%scan3A_694 = %broadcast_in_dim3A_1, %scan3A_695 = %broadcast_in_dim3A_1) -> (vector<16xf32>, vector<16xf32>)  : i32 {
          %mul3A_696 = arith.constant 16 : i32
          %mul3A_697 = arith.muli %scan3A_693, %mul3A_696 : i32
          %get3A = arith.index_cast %mul3A_697 : i32 to index
          %get3A_698 = tpu.vector_load %arg4[%get3A] {strides = array<i32>} : memref<32768xf32, #tpu.memory_space<vmem>>, vector<16xf32>,
          %gt3A = vector.broadcast %while3A_670 : f32 to vector<16xf32>
          %gt3A_699 = arith.cmpf ogt, %get3A_698, %gt3A : vector<16xf32>
          %jit3A_700 = arith.constant 0.000000e+00 : f32
          %broadcast_in_dim3A_701 = vector.broadcast %jit3A_700 : f32 to vector<16xf32>
          %select_n3A_702 = arith.select %gt3A_699, %get3A_698, %broadcast_in_dim3A_701 : vector<16xi1>, vector<16xf32>
          %add3A_703 = arith.addf %scan3A_694, %select_n3A_702 : vector<16xf32>
          %jit3A_704 = arith.constant 1.000000e+00 : f32
          %jit3A_705 = arith.constant 0.000000e+00 : f32
          %broadcast_in_dim3A_706 = vector.broadcast %jit3A_704 : f32 to vector<16xf32>
          %broadcast_in_dim3A_707 = vector.broadcast %jit3A_705 : f32 to vector<16xf32>
          %select_n3A_708 = arith.select %gt3A_699, %broadcast_in_dim3A_706, %broadcast_in_dim3A_707 : vector<16xi1>, vector<16xf32>
          %add3A_709 = arith.addf %scan3A_695, %select_n3A_708 : vector<16xf32>
          scf.yield %add3A_703, %add3A_709 : vector<16xf32>, vector<16xf32>
        }
        %scan3A_675 = arith.constant 2048 : i32
        %reduce_sum3A_676 = arith.constant true
        %reduce_sum3A_677 = vector.broadcast %reduce_sum3A_676 : i1 to vector<16xi1>
        %reduce_sum3A_678 = tpu.scan <sum>, %scan3A_674#0 masked %reduce_sum3A_677 : vector<16xf32>, vector<16xi1> -> vector<16xf32>
        %reduce_sum3A_679 = vector.extract %reduce_sum3A_678[15] : f32 from vector<16xf32>
        %reduce_sum3A_680 = arith.constant true
        %reduce_sum3A_681 = vector.broadcast %reduce_sum3A_680 : i1 to vector<16xi1>
        %reduce_sum3A_682 = tpu.scan <sum>, %scan3A_674#1 masked %reduce_sum3A_681 : vector<16xf32>, vector<16xi1> -> vector<16xf32>
        %reduce_sum3A_683 = vector.extract %reduce_sum3A_682[15] : f32 from vector<16xf32>
        %broadcast_in_dim3A_684 = vector.broadcast %reduce_sum3A_679 : f32 to vector<16xf32>
        %sub3A_685 = arith.constant 1.000000e+00 : f32
        %sub3A_686 = vector.broadcast %sub3A_685 : f32 to vector<16xf32>
        %sub3A_687 = arith.subf %broadcast_in_dim3A_684, %sub3A_686 : vector<16xf32>
        %broadcast_in_dim3A_688 = vector.broadcast %reduce_sum3A_683 : f32 to vector<16xf32>
        %div3A_689 = arith.divf %sub3A_687, %broadcast_in_dim3A_688 : vector<16xf32>
        %slice3A_690 = vector.extract_strided_slice %div3A_689 {offsets = [0], sizes = [1], strides = [1]} : vector<16xf32> to vector<1xf32>
        %squeeze3A_691 = vector.extract %slice3A_690[0] : f32 from vector<1xf32>
        %max3A_692 = arith.maximumf %while3A_670, %squeeze3A_691 : f32
        scf.yield %while3A_670, %max3A_692 : f32, f32
      }
      scf.yield %while3A_668#1 : f32
    }
    %parallel_loop3A_158 = arith.constant 0 : i32
    %parallel_loop3A_159 = arith.constant 2048 : i32
    %parallel_loop3A_160 = arith.constant 1 : i32
    scf.for %parallel_loop3A_666 = %parallel_loop3A_158 to %parallel_loop3A_159 step %parallel_loop3A_160  : i32 {
      %parallel_loop3A_667 = arith.constant 16 : i32
      %parallel_loop3A_668 = arith.muli %parallel_loop3A_666, %parallel_loop3A_667 : i32
      %parallel_loop3A_669 = arith.index_cast %parallel_loop3A_668 : i32 to index
      %parallel_loop3A_670 = tpu.vector_load %arg4[%parallel_loop3A_669] {strides = array<i32>} : memref<32768xf32, #tpu.memory_space<vmem>>, vector<16xf32>,
      %parallel_loop3A_671 = vector.broadcast %cond3A_157 : f32 to vector<16xf32>
      %parallel_loop3A_672 = arith.subf %parallel_loop3A_670, %parallel_loop3A_671 : vector<16xf32>
      %parallel_loop3A_673 = arith.constant 0.000000e+00 : f32
      %parallel_loop3A_674 = vector.broadcast %parallel_loop3A_673 : f32 to vector<16xf32>
      %parallel_loop3A_675 = arith.maximumf %parallel_loop3A_672, %parallel_loop3A_674 : vector<16xf32>
      %parallel_loop3A_676 = arith.constant 16 : i32
      %parallel_loop3A_677 = arith.muli %parallel_loop3A_666, %parallel_loop3A_676 : i32
      %parallel_loop3A_678 = arith.index_cast %parallel_loop3A_677 : i32 to index
      %parallel_loop3A_679 = tpu.vector_load %arg4[%parallel_loop3A_678] {strides = array<i32>} : memref<32768xf32, #tpu.memory_space<vmem>>, vector<16xf32>,
      tpu.vector_store %arg4[%parallel_loop3A_678], %parallel_loop3A_675 {strides = array<i32>} : memref<32768xf32, #tpu.memory_space<vmem>>, vector<16xf32>,
    } {sc.loop_unroll_factor = 16 : i64, sc.parallel_access}
    %dma_start3A_161 = arith.constant 0 : i32
    %dma_start3A_162 = tpu.memref_slice %arg3[%add3A_34, %dma_start3A_161] : memref<128x32768xf32, #tpu.memory_space<hbm>> -> memref<1x32768xf32, #tpu.memory_space<hbm>>
    %dma_start3A_163 = tpu.memref_squeeze %dma_start3A_162 : memref<1x32768xf32, #tpu.memory_space<hbm>> -> memref<32768xf32, #tpu.memory_space<hbm>>
    %dma_start3A_164 = arith.constant 0 : i32
    %dma_start3A_165 = tpu.memref_slice %arg3[%add3A_34, %dma_start3A_164] : memref<128x32768xf32, #tpu.memory_space<hbm>> -> memref<1x32768xf32, #tpu.memory_space<hbm>>
    %dma_start3A_166 = tpu.memref_squeeze %dma_start3A_165 : memref<1x32768xf32, #tpu.memory_space<hbm>> -> memref<32768xf32, #tpu.memory_space<hbm>>
    tpu.enqueue_dma source(%arg4 : memref<32768xf32, #tpu.memory_space<vmem>>) target(%dma_start3A_166 : memref<32768xf32, #tpu.memory_space<hbm>>) target_semaphore(%arg12 : memref<!tpu.dma_semaphore, #tpu.memory_space<semaphore_mem>>)
    %mul3A_167 = arith.constant 4 : i32
    %mul3A_168 = arith.muli %add3A, %mul3A_167 : i32
    %add3A_169 = arith.constant 1 : i32
    %add3A_170 = arith.addi %mul3A_168, %add3A_169 : i32
    %dma_wait3A_171 = arith.constant 0 : i32
    %dma_wait3A_172 = tpu.memref_slice %arg2[%add3A_14, %dma_wait3A_171] : memref<128x32768xf32, #tpu.memory_space<hbm>> -> memref<1x32768xf32, #tpu.memory_space<hbm>>
    %dma_wait3A_173 = tpu.memref_squeeze %dma_wait3A_172 : memref<1x32768xf32, #tpu.memory_space<hbm>> -> memref<32768xf32, #tpu.memory_space<hbm>>
    %dma_wait3A_174 = arith.constant 0 : i32
    %dma_wait3A_175 = tpu.memref_slice %arg2[%add3A_14, %dma_wait3A_174] : memref<128x32768xf32, #tpu.memory_space<hbm>> -> memref<1x32768xf32, #tpu.memory_space<hbm>>
    %dma_wait3A_176 = tpu.memref_squeeze %dma_wait3A_175 : memref<1x32768xf32, #tpu.memory_space<hbm>> -> memref<32768xf32, #tpu.memory_space<hbm>>
    tpu.wait_dma2 semaphore(%arg10 : memref<!tpu.dma_semaphore, #tpu.memory_space<semaphore_mem>>) src(%dma_wait3A_176 : memref<32768xf32, #tpu.memory_space<hbm>>) dst(%arg5 : memref<32768xf32, #tpu.memory_space<vmem>>)
    %broadcast_in_dim3A_177 = arith.constant -3.000000e+38 : f32
    %broadcast_in_dim3A_178 = vector.broadcast %broadcast_in_dim3A_177 : f32 to vector<16xf32>
    %parallel_loop3A_179 = arith.constant 0 : i32
    %parallel_loop3A_180 = arith.constant 2048 : i32
    %parallel_loop3A_181 = arith.constant 1 : i32
    %parallel_loop3A_182 = arith.constant 16383 : i32
    %parallel_loop3A_183:2 = scf.for %parallel_loop3A_666 = %parallel_loop3A_179 to %parallel_loop3A_180 step %parallel_loop3A_181 iter_args(%parallel_loop3A_667 = %broadcast_in_dim3A_178, %parallel_loop3A_668 = %iota3A) -> (vector<16xf32>, vector<16xi32>)  : i32 {
      %parallel_loop3A_669 = arith.constant 16 : i32
      %parallel_loop3A_670 = arith.muli %parallel_loop3A_666, %parallel_loop3A_669 : i32
      %parallel_loop3A_671 = arith.index_cast %parallel_loop3A_670 : i32 to index
      %parallel_loop3A_672 = tpu.vector_load %arg5[%parallel_loop3A_671] {strides = array<i32>} : memref<32768xf32, #tpu.memory_space<vmem>>, vector<16xf32>,
      %parallel_loop3A_673 = arith.cmpf ogt, %parallel_loop3A_672, %parallel_loop3A_667 : vector<16xf32>
      %parallel_loop3A_674 = arith.constant 1.000000e+00 : f32
      %parallel_loop3A_675 = vector.broadcast %parallel_loop3A_674 : f32 to vector<16xf32>
      %parallel_loop3A_676 = arith.subf %parallel_loop3A_672, %parallel_loop3A_675 : vector<16xf32>
      %parallel_loop3A_677 = arith.maximumf %parallel_loop3A_667, %parallel_loop3A_676 : vector<16xf32>
      %parallel_loop3A_678 = vector.broadcast %parallel_loop3A_182 : i32 to vector<16xi32>
      %parallel_loop3A_679 = arith.andi %parallel_loop3A_668, %parallel_loop3A_678 : vector<16xi32>
      tpu.vector_store_idx %arg7[%parallel_loop3A_679], %parallel_loop3A_672 masked %parallel_loop3A_673 : memref<16384xf32, #tpu.memory_space<vmem>>[vector<16xi32>], vector<16xf32>, vector<16xi1>
      %parallel_loop3A_680 = arith.constant 16 : i32
      %parallel_loop3A_681 = arith.constant 0 : i32
      %parallel_loop3A_682 = vector.broadcast %parallel_loop3A_680 : i32 to vector<16xi32>
      %parallel_loop3A_683 = vector.broadcast %parallel_loop3A_681 : i32 to vector<16xi32>
      %parallel_loop3A_684 = arith.select %parallel_loop3A_673, %parallel_loop3A_682, %parallel_loop3A_683 : vector<16xi1>, vector<16xi32>
      %parallel_loop3A_685 = arith.addi %parallel_loop3A_668, %parallel_loop3A_684 : vector<16xi32>
      scf.yield %parallel_loop3A_677, %parallel_loop3A_685 : vector<16xf32>, vector<16xi32>
    } {sc.loop_unroll_factor = 16 : i64, sc.parallel_access}
    %dma_wait3A_184 = arith.constant 0 : i32
    %dma_wait3A_185 = tpu.memref_slice %arg3[%add3A_34, %dma_wait3A_184] : memref<128x32768xf32, #tpu.memory_space<hbm>> -> memref<1x32768xf32, #tpu.memory_space<hbm>>
    %dma_wait3A_186 = tpu.memref_squeeze %dma_wait3A_185 : memref<1x32768xf32, #tpu.memory_space<hbm>> -> memref<32768xf32, #tpu.memory_space<hbm>>
    %dma_wait3A_187 = arith.constant 0 : i32
    %dma_wait3A_188 = tpu.memref_slice %arg3[%add3A_34, %dma_wait3A_187] : memref<128x32768xf32, #tpu.memory_space<hbm>> -> memref<1x32768xf32, #tpu.memory_space<hbm>>
    %dma_wait3A_189 = tpu.memref_squeeze %dma_wait3A_188 : memref<1x32768xf32, #tpu.memory_space<hbm>> -> memref<32768xf32, #tpu.memory_space<hbm>>
    tpu.wait_dma2 semaphore(%arg12 : memref<!tpu.dma_semaphore, #tpu.memory_space<semaphore_mem>>) src(%arg4 : memref<32768xf32, #tpu.memory_space<vmem>>) dst(%dma_wait3A_189 : memref<32768xf32, #tpu.memory_space<hbm>>)
    %mul3A_190 = arith.constant 4 : i32
    %mul3A_191 = arith.muli %add3A, %mul3A_190 : i32
    %add3A_192 = arith.constant 3 : i32
    %add3A_193 = arith.addi %mul3A_191, %add3A_192 : i32
    %dma_start3A_194 = arith.constant 0 : i32
    %dma_start3A_195 = tpu.memref_slice %arg2[%add3A_193, %dma_start3A_194] : memref<128x32768xf32, #tpu.memory_space<hbm>> -> memref<1x32768xf32, #tpu.memory_space<hbm>>
    %dma_start3A_196 = tpu.memref_squeeze %dma_start3A_195 : memref<1x32768xf32, #tpu.memory_space<hbm>> -> memref<32768xf32, #tpu.memory_space<hbm>>
    %dma_start3A_197 = arith.constant 0 : i32
    %dma_start3A_198 = tpu.memref_slice %arg2[%add3A_193, %dma_start3A_197] : memref<128x32768xf32, #tpu.memory_space<hbm>> -> memref<1x32768xf32, #tpu.memory_space<hbm>>
    %dma_start3A_199 = tpu.memref_squeeze %dma_start3A_198 : memref<1x32768xf32, #tpu.memory_space<hbm>> -> memref<32768xf32, #tpu.memory_space<hbm>>
    tpu.enqueue_dma source(%dma_start3A_199 : memref<32768xf32, #tpu.memory_space<hbm>>) target(%arg4 : memref<32768xf32, #tpu.memory_space<vmem>>) target_semaphore(%arg9 : memref<!tpu.dma_semaphore, #tpu.memory_space<semaphore_mem>>)
    %sub3A_200 = arith.subi %parallel_loop3A_183#1, %iota3A : vector<16xi32>
    %jit3A_201 = arith.constant 16 : i32
    %div3A_202 = vector.broadcast %jit3A_201 : i32 to vector<16xi32>
    %div3A_203 = arith.divsi %sub3A_200, %div3A_202 : vector<16xi32>
    %sign3A_204 = arith.constant 0 : i32
    %sign3A_205 = vector.broadcast %sign3A_204 : i32 to vector<16xi32>
    %sign3A_206 = arith.cmpi sgt, %sub3A_200, %sign3A_205 : vector<16xi32>
    %sign3A_207 = arith.extui %sign3A_206 : vector<16xi1> to vector<16xi32>
    %sign3A_208 = arith.constant 0 : i32
    %sign3A_209 = vector.broadcast %sign3A_208 : i32 to vector<16xi32>
    %sign3A_210 = arith.cmpi slt, %sub3A_200, %sign3A_209 : vector<16xi32>
    %sign3A_211 = arith.extui %sign3A_210 : vector<16xi1> to vector<16xi32>
    %sign3A_212 = arith.subi %sign3A_207, %sign3A_211 : vector<16xi32>
    %sign3A_213 = arith.constant 0 : i32
    %sign3A_214 = arith.cmpi sgt, %jit3A_201, %sign3A_213 : i32
    %sign3A_215 = arith.extui %sign3A_214 : i1 to i32
    %sign3A_216 = arith.constant 0 : i32
    %sign3A_217 = arith.cmpi slt, %jit3A_201, %sign3A_216 : i32
    %sign3A_218 = arith.extui %sign3A_217 : i1 to i32
    %sign3A_219 = arith.subi %sign3A_215, %sign3A_218 : i32
    %ne3A_220 = vector.broadcast %sign3A_219 : i32 to vector<16xi32>
    %ne3A_221 = arith.cmpi ne, %sign3A_212, %ne3A_220 : vector<16xi32>
    %rem3A_222 = vector.broadcast %jit3A_201 : i32 to vector<16xi32>
    %rem3A_223 = arith.remsi %sub3A_200, %rem3A_222 : vector<16xi32>
    %ne3A_224 = arith.constant 0 : i32
    %ne3A_225 = vector.broadcast %ne3A_224 : i32 to vector<16xi32>
    %ne3A_226 = arith.cmpi ne, %rem3A_223, %ne3A_225 : vector<16xi32>
    %and3A_227 = arith.andi %ne3A_221, %ne3A_226 : vector<16xi1>
    %sub3A_228 = arith.constant 1 : i32
    %sub3A_229 = vector.broadcast %sub3A_228 : i32 to vector<16xi32>
    %sub3A_230 = arith.subi %div3A_203, %sub3A_229 : vector<16xi32>
    %select_n3A_231 = arith.select %and3A_227, %sub3A_230, %div3A_203 : vector<16xi1>, vector<16xi32>
    %reduce_max3A_232 = arith.constant true
    %reduce_max3A_233 = vector.broadcast %reduce_max3A_232 : i1 to vector<16xi1>
    %reduce_max3A_234 = arith.constant -2147483648 : i32
    %reduce_max3A_235 = vector.broadcast %reduce_max3A_234 : i32 to vector<16xi32>
    %reduce_max3A_236 = arith.xori %select_n3A_231, %reduce_max3A_235 : vector<16xi32>
    %reduce_max3A_237 = tpu.scan <max>, %reduce_max3A_236 masked %reduce_max3A_233 : vector<16xi32>, vector<16xi1> -> vector<16xi32>
    %reduce_max3A_238 = arith.xori %reduce_max3A_237, %reduce_max3A_235 : vector<16xi32>
    %reduce_max3A_239 = vector.extract %reduce_max3A_238[15] : i32 from vector<16xi32>
    %le3A_240 = arith.constant 1024 : i32
    %le3A_241 = arith.cmpi sle, %reduce_max3A_239, %le3A_240 : i32
    %reduce_max3A_242 = arith.constant true
    %reduce_max3A_243 = vector.broadcast %reduce_max3A_242 : i1 to vector<16xi1>
    %reduce_max3A_244 = tpu.scan <max>, %parallel_loop3A_183#0 masked %reduce_max3A_243 : vector<16xf32>, vector<16xi1> -> vector<16xf32>
    %reduce_max3A_245 = vector.extract %reduce_max3A_244[15] : f32 from vector<16xf32>
    %add3A_246 = arith.constant 1.000000e+00 : f32
    %add3A_247 = arith.addf %reduce_max3A_245, %add3A_246 : f32
    %sub3A_248 = arith.constant 1.000000e+00 : f32
    %sub3A_249 = arith.subf %add3A_247, %sub3A_248 : f32
    %jit3A_250 = arith.constant 0 : i32
    %select_n3A_251 = arith.select %le3A_241, %reduce_max3A_239, %jit3A_250 : i32
    %while3A_252 = arith.constant 2047 : i32
    %while3A_253 = arith.constant 0 : i32
    %while3A_254 = arith.subi %select_n3A_251, %while3A_253 : i32
    %while3A_255 = arith.addi %while3A_253, %while3A_254 : i32
    %while3A_256 = arith.constant 1 : i32
    %while3A_257 = arith.divsi %while3A_254, %while3A_256 : i32
    %while3A_258 = arith.muli %while3A_257, %while3A_256 : i32
    %while3A_259 = arith.addi %while3A_253, %while3A_258 : i32
    %while3A_260 = arith.constant 1 : i32
    %while3A_261:3 = scf.for %while3A_666 = %while3A_253 to %while3A_259 step %while3A_260 iter_args(%while3A_667 = %broadcast_in_dim3A_1, %while3A_668 = %broadcast_in_dim3A_1, %while3A_669 = %iota3A) -> (vector<16xf32>, vector<16xf32>, vector<16xi32>)  : i32 {
      %mul3A_670 = arith.constant 16 : i32
      %mul3A_671 = arith.muli %while3A_666, %mul3A_670 : i32
      %get3A = arith.index_cast %mul3A_671 : i32 to index
      %get3A_672 = tpu.vector_load %arg7[%get3A] {strides = array<i32>} : memref<16384xf32, #tpu.memory_space<vmem>>, vector<16xf32>,
      %gt3A = vector.broadcast %sub3A_249 : f32 to vector<16xf32>
      %gt3A_673 = arith.cmpf ogt, %get3A_672, %gt3A : vector<16xf32>
      %lt3A = vector.broadcast %while3A_666 : i32 to vector<16xi32>
      %lt3A_674 = arith.cmpi slt, %lt3A, %select_n3A_231 : vector<16xi32>
      %and3A_675 = arith.andi %gt3A_673, %lt3A_674 : vector<16xi1>
      %and3A_676 = vector.broadcast %while3A_252 : i32 to vector<16xi32>
      %and3A_677 = arith.andi %while3A_669, %and3A_676 : vector<16xi32>
      tpu.vector_store_idx %arg8[%and3A_677], %get3A_672 masked %and3A_675 : memref<2048xf32, #tpu.memory_space<vmem>>[vector<16xi32>], vector<16xf32>, vector<16xi1>
      %jit3A_678 = arith.constant 16 : i32
      %jit3A_679 = arith.constant 0 : i32
      %broadcast_in_dim3A_680 = vector.broadcast %jit3A_678 : i32 to vector<16xi32>
      %broadcast_in_dim3A_681 = vector.broadcast %jit3A_679 : i32 to vector<16xi32>
      %select_n3A_682 = arith.select %and3A_675, %broadcast_in_dim3A_680, %broadcast_in_dim3A_681 : vector<16xi1>, vector<16xi32>
      %add3A_683 = arith.addi %while3A_669, %select_n3A_682 : vector<16xi32>
      %jit3A_684 = arith.constant 0.000000e+00 : f32
      %broadcast_in_dim3A_685 = vector.broadcast %jit3A_684 : f32 to vector<16xf32>
      %select_n3A_686 = arith.select %and3A_675, %get3A_672, %broadcast_in_dim3A_685 : vector<16xi1>, vector<16xf32>
      %add3A_687 = arith.addf %while3A_667, %select_n3A_686 : vector<16xf32>
      %jit3A_688 = arith.constant 1.000000e+00 : f32
      %jit3A_689 = arith.constant 0.000000e+00 : f32
      %broadcast_in_dim3A_690 = vector.broadcast %jit3A_688 : f32 to vector<16xf32>
      %broadcast_in_dim3A_691 = vector.broadcast %jit3A_689 : f32 to vector<16xf32>
      %select_n3A_692 = arith.select %and3A_675, %broadcast_in_dim3A_690, %broadcast_in_dim3A_691 : vector<16xi1>, vector<16xf32>
      %add3A_693 = arith.addf %while3A_668, %select_n3A_692 : vector<16xf32>
      scf.yield %add3A_687, %add3A_693, %add3A_683 : vector<16xf32>, vector<16xf32>, vector<16xi32>
    }
    %while3A_262 = arith.constant 1 : i32
    %while3A_263:3 = scf.for %while3A_666 = %while3A_259 to %while3A_255 step %while3A_262 iter_args(%while3A_667 = %while3A_261#0, %while3A_668 = %while3A_261#1, %while3A_669 = %while3A_261#2) -> (vector<16xf32>, vector<16xf32>, vector<16xi32>)  : i32 {
      %mul3A_670 = arith.constant 16 : i32
      %mul3A_671 = arith.muli %while3A_666, %mul3A_670 : i32
      %get3A = arith.index_cast %mul3A_671 : i32 to index
      %get3A_672 = tpu.vector_load %arg7[%get3A] {strides = array<i32>} : memref<16384xf32, #tpu.memory_space<vmem>>, vector<16xf32>,
      %gt3A = vector.broadcast %sub3A_249 : f32 to vector<16xf32>
      %gt3A_673 = arith.cmpf ogt, %get3A_672, %gt3A : vector<16xf32>
      %lt3A = vector.broadcast %while3A_666 : i32 to vector<16xi32>
      %lt3A_674 = arith.cmpi slt, %lt3A, %select_n3A_231 : vector<16xi32>
      %and3A_675 = arith.andi %gt3A_673, %lt3A_674 : vector<16xi1>
      %and3A_676 = vector.broadcast %while3A_252 : i32 to vector<16xi32>
      %and3A_677 = arith.andi %while3A_669, %and3A_676 : vector<16xi32>
      tpu.vector_store_idx %arg8[%and3A_677], %get3A_672 masked %and3A_675 : memref<2048xf32, #tpu.memory_space<vmem>>[vector<16xi32>], vector<16xf32>, vector<16xi1>
      %jit3A_678 = arith.constant 16 : i32
      %jit3A_679 = arith.constant 0 : i32
      %broadcast_in_dim3A_680 = vector.broadcast %jit3A_678 : i32 to vector<16xi32>
      %broadcast_in_dim3A_681 = vector.broadcast %jit3A_679 : i32 to vector<16xi32>
      %select_n3A_682 = arith.select %and3A_675, %broadcast_in_dim3A_680, %broadcast_in_dim3A_681 : vector<16xi1>, vector<16xi32>
      %add3A_683 = arith.addi %while3A_669, %select_n3A_682 : vector<16xi32>
      %jit3A_684 = arith.constant 0.000000e+00 : f32
      %broadcast_in_dim3A_685 = vector.broadcast %jit3A_684 : f32 to vector<16xf32>
      %select_n3A_686 = arith.select %and3A_675, %get3A_672, %broadcast_in_dim3A_685 : vector<16xi1>, vector<16xf32>
      %add3A_687 = arith.addf %while3A_667, %select_n3A_686 : vector<16xf32>
      %jit3A_688 = arith.constant 1.000000e+00 : f32
      %jit3A_689 = arith.constant 0.000000e+00 : f32
      %broadcast_in_dim3A_690 = vector.broadcast %jit3A_688 : f32 to vector<16xf32>
      %broadcast_in_dim3A_691 = vector.broadcast %jit3A_689 : f32 to vector<16xf32>
      %select_n3A_692 = arith.select %and3A_675, %broadcast_in_dim3A_690, %broadcast_in_dim3A_691 : vector<16xi1>, vector<16xf32>
      %add3A_693 = arith.addf %while3A_668, %select_n3A_692 : vector<16xf32>
      scf.yield %add3A_687, %add3A_693, %add3A_683 : vector<16xf32>, vector<16xf32>, vector<16xi32>
    }
    %sub3A_264 = arith.subi %while3A_263#2, %iota3A : vector<16xi32>
    %jit3A_265 = arith.constant 16 : i32
    %div3A_266 = vector.broadcast %jit3A_265 : i32 to vector<16xi32>
    %div3A_267 = arith.divsi %sub3A_264, %div3A_266 : vector<16xi32>
    %sign3A_268 = arith.constant 0 : i32
    %sign3A_269 = vector.broadcast %sign3A_268 : i32 to vector<16xi32>
    %sign3A_270 = arith.cmpi sgt, %sub3A_264, %sign3A_269 : vector<16xi32>
    %sign3A_271 = arith.extui %sign3A_270 : vector<16xi1> to vector<16xi32>
    %sign3A_272 = arith.constant 0 : i32
    %sign3A_273 = vector.broadcast %sign3A_272 : i32 to vector<16xi32>
    %sign3A_274 = arith.cmpi slt, %sub3A_264, %sign3A_273 : vector<16xi32>
    %sign3A_275 = arith.extui %sign3A_274 : vector<16xi1> to vector<16xi32>
    %sign3A_276 = arith.subi %sign3A_271, %sign3A_275 : vector<16xi32>
    %sign3A_277 = arith.constant 0 : i32
    %sign3A_278 = arith.cmpi sgt, %jit3A_265, %sign3A_277 : i32
    %sign3A_279 = arith.extui %sign3A_278 : i1 to i32
    %sign3A_280 = arith.constant 0 : i32
    %sign3A_281 = arith.cmpi slt, %jit3A_265, %sign3A_280 : i32
    %sign3A_282 = arith.extui %sign3A_281 : i1 to i32
    %sign3A_283 = arith.subi %sign3A_279, %sign3A_282 : i32
    %ne3A_284 = vector.broadcast %sign3A_283 : i32 to vector<16xi32>
    %ne3A_285 = arith.cmpi ne, %sign3A_276, %ne3A_284 : vector<16xi32>
    %rem3A_286 = vector.broadcast %jit3A_265 : i32 to vector<16xi32>
    %rem3A_287 = arith.remsi %sub3A_264, %rem3A_286 : vector<16xi32>
    %ne3A_288 = arith.constant 0 : i32
    %ne3A_289 = vector.broadcast %ne3A_288 : i32 to vector<16xi32>
    %ne3A_290 = arith.cmpi ne, %rem3A_287, %ne3A_289 : vector<16xi32>
    %and3A_291 = arith.andi %ne3A_285, %ne3A_290 : vector<16xi1>
    %sub3A_292 = arith.constant 1 : i32
    %sub3A_293 = vector.broadcast %sub3A_292 : i32 to vector<16xi32>
    %sub3A_294 = arith.subi %div3A_267, %sub3A_293 : vector<16xi32>
    %select_n3A_295 = arith.select %and3A_291, %sub3A_294, %div3A_267 : vector<16xi1>, vector<16xi32>
    %reduce_max3A_296 = arith.constant true
    %reduce_max3A_297 = vector.broadcast %reduce_max3A_296 : i1 to vector<16xi1>
    %reduce_max3A_298 = arith.constant -2147483648 : i32
    %reduce_max3A_299 = vector.broadcast %reduce_max3A_298 : i32 to vector<16xi32>
    %reduce_max3A_300 = arith.xori %select_n3A_295, %reduce_max3A_299 : vector<16xi32>
    %reduce_max3A_301 = tpu.scan <max>, %reduce_max3A_300 masked %reduce_max3A_297 : vector<16xi32>, vector<16xi1> -> vector<16xi32>
    %reduce_max3A_302 = arith.xori %reduce_max3A_301, %reduce_max3A_299 : vector<16xi32>
    %reduce_max3A_303 = vector.extract %reduce_max3A_302[15] : i32 from vector<16xi32>
    %le3A_304 = arith.constant 128 : i32
    %le3A_305 = arith.cmpi sle, %reduce_max3A_303, %le3A_304 : i32
    %and3A_306 = arith.andi %le3A_241, %le3A_305 : i1
    %reduce_sum3A_307 = arith.constant true
    %reduce_sum3A_308 = vector.broadcast %reduce_sum3A_307 : i1 to vector<16xi1>
    %reduce_sum3A_309 = tpu.scan <sum>, %while3A_263#0 masked %reduce_sum3A_308 : vector<16xf32>, vector<16xi1> -> vector<16xf32>
    %reduce_sum3A_310 = vector.extract %reduce_sum3A_309[15] : f32 from vector<16xf32>
    %reduce_sum3A_311 = arith.constant true
    %reduce_sum3A_312 = vector.broadcast %reduce_sum3A_311 : i1 to vector<16xi1>
    %reduce_sum3A_313 = tpu.scan <sum>, %while3A_263#1 masked %reduce_sum3A_312 : vector<16xf32>, vector<16xi1> -> vector<16xf32>
    %reduce_sum3A_314 = vector.extract %reduce_sum3A_313[15] : f32 from vector<16xf32>
    %broadcast_in_dim3A_315 = vector.broadcast %reduce_sum3A_310 : f32 to vector<16xf32>
    %sub3A_316 = arith.constant 1.000000e+00 : f32
    %sub3A_317 = vector.broadcast %sub3A_316 : f32 to vector<16xf32>
    %sub3A_318 = arith.subf %broadcast_in_dim3A_315, %sub3A_317 : vector<16xf32>
    %broadcast_in_dim3A_319 = vector.broadcast %reduce_sum3A_314 : f32 to vector<16xf32>
    %div3A_320 = arith.divf %sub3A_318, %broadcast_in_dim3A_319 : vector<16xf32>
    %slice3A_321 = vector.extract_strided_slice %div3A_320 {offsets = [0], sizes = [1], strides = [1]} : vector<16xf32> to vector<1xf32>
    %squeeze3A_322 = vector.extract %slice3A_321[0] : f32 from vector<1xf32>
    %max3A_323 = arith.maximumf %sub3A_249, %squeeze3A_322 : f32
    %convert_element_type3A_324 = arith.extui %and3A_306 : i1 to i32
    %cond3A_325 = arith.constant 0 : i32
    %cond3A_326 = arith.constant 0 : i32
    %cond3A_327 = arith.cmpi ne, %convert_element_type3A_324, %cond3A_326 : i32
    %cond3A_328 = scf.if %cond3A_327 -> (f32) {
      %while3A_666:2 = scf.while (%while3A_667 = %sub3A_249, %while3A_668 = %max3A_323) : (f32, f32) -> (f32, f32) {
        %gt3A = arith.cmpf ogt, %while3A_668, %while3A_667 : f32
        scf.condition(%gt3A) %while3A_667, %while3A_668 : f32, f32
      } do {
      ^bb0(%while3A_667: f32, %while3A_668: f32):
        %while3A_669 = arith.constant 0 : i32
        %while3A_670 = arith.subi %reduce_max3A_303, %while3A_669 : i32
        %while3A_671 = arith.addi %while3A_669, %while3A_670 : i32
        %while3A_672 = arith.constant 1 : i32
        %while3A_673 = arith.divsi %while3A_670, %while3A_672 : i32
        %while3A_674 = arith.muli %while3A_673, %while3A_672 : i32
        %while3A_675 = arith.addi %while3A_669, %while3A_674 : i32
        %while3A_676 = arith.constant 1 : i32
        %while3A_677:2 = scf.for %while3A_697 = %while3A_669 to %while3A_675 step %while3A_676 iter_args(%while3A_698 = %broadcast_in_dim3A_1, %while3A_699 = %broadcast_in_dim3A_1) -> (vector<16xf32>, vector<16xf32>)  : i32 {
          %mul3A_700 = arith.constant 16 : i32
          %mul3A_701 = arith.muli %while3A_697, %mul3A_700 : i32
          %get3A = arith.index_cast %mul3A_701 : i32 to index
          %get3A_702 = tpu.vector_load %arg8[%get3A] {strides = array<i32>} : memref<2048xf32, #tpu.memory_space<vmem>>, vector<16xf32>,
          %gt3A = vector.broadcast %while3A_668 : f32 to vector<16xf32>
          %gt3A_703 = arith.cmpf ogt, %get3A_702, %gt3A : vector<16xf32>
          %lt3A = vector.broadcast %while3A_697 : i32 to vector<16xi32>
          %lt3A_704 = arith.cmpi slt, %lt3A, %select_n3A_295 : vector<16xi32>
          %and3A_705 = arith.andi %gt3A_703, %lt3A_704 : vector<16xi1>
          %jit3A_706 = arith.constant 0.000000e+00 : f32
          %broadcast_in_dim3A_707 = vector.broadcast %jit3A_706 : f32 to vector<16xf32>
          %select_n3A_708 = arith.select %and3A_705, %get3A_702, %broadcast_in_dim3A_707 : vector<16xi1>, vector<16xf32>
          %add3A_709 = arith.addf %while3A_698, %select_n3A_708 : vector<16xf32>
          %jit3A_710 = arith.constant 1.000000e+00 : f32
          %jit3A_711 = arith.constant 0.000000e+00 : f32
          %broadcast_in_dim3A_712 = vector.broadcast %jit3A_710 : f32 to vector<16xf32>
          %broadcast_in_dim3A_713 = vector.broadcast %jit3A_711 : f32 to vector<16xf32>
          %select_n3A_714 = arith.select %and3A_705, %broadcast_in_dim3A_712, %broadcast_in_dim3A_713 : vector<16xi1>, vector<16xf32>
          %add3A_715 = arith.addf %while3A_699, %select_n3A_714 : vector<16xf32>
          scf.yield %add3A_709, %add3A_715 : vector<16xf32>, vector<16xf32>
        }
        %while3A_678 = arith.constant 1 : i32
        %while3A_679:2 = scf.for %while3A_697 = %while3A_675 to %while3A_671 step %while3A_678 iter_args(%while3A_698 = %while3A_677#0, %while3A_699 = %while3A_677#1) -> (vector<16xf32>, vector<16xf32>)  : i32 {
          %mul3A_700 = arith.constant 16 : i32
          %mul3A_701 = arith.muli %while3A_697, %mul3A_700 : i32
          %get3A = arith.index_cast %mul3A_701 : i32 to index
          %get3A_702 = tpu.vector_load %arg8[%get3A] {strides = array<i32>} : memref<2048xf32, #tpu.memory_space<vmem>>, vector<16xf32>,
          %gt3A = vector.broadcast %while3A_668 : f32 to vector<16xf32>
          %gt3A_703 = arith.cmpf ogt, %get3A_702, %gt3A : vector<16xf32>
          %lt3A = vector.broadcast %while3A_697 : i32 to vector<16xi32>
          %lt3A_704 = arith.cmpi slt, %lt3A, %select_n3A_295 : vector<16xi32>
          %and3A_705 = arith.andi %gt3A_703, %lt3A_704 : vector<16xi1>
          %jit3A_706 = arith.constant 0.000000e+00 : f32
          %broadcast_in_dim3A_707 = vector.broadcast %jit3A_706 : f32 to vector<16xf32>
          %select_n3A_708 = arith.select %and3A_705, %get3A_702, %broadcast_in_dim3A_707 : vector<16xi1>, vector<16xf32>
          %add3A_709 = arith.addf %while3A_698, %select_n3A_708 : vector<16xf32>
          %jit3A_710 = arith.constant 1.000000e+00 : f32
          %jit3A_711 = arith.constant 0.000000e+00 : f32
          %broadcast_in_dim3A_712 = vector.broadcast %jit3A_710 : f32 to vector<16xf32>
          %broadcast_in_dim3A_713 = vector.broadcast %jit3A_711 : f32 to vector<16xf32>
          %select_n3A_714 = arith.select %and3A_705, %broadcast_in_dim3A_712, %broadcast_in_dim3A_713 : vector<16xi1>, vector<16xf32>
          %add3A_715 = arith.addf %while3A_699, %select_n3A_714 : vector<16xf32>
          scf.yield %add3A_709, %add3A_715 : vector<16xf32>, vector<16xf32>
        }
        %reduce_sum3A_680 = arith.constant true
        %reduce_sum3A_681 = vector.broadcast %reduce_sum3A_680 : i1 to vector<16xi1>
        %reduce_sum3A_682 = tpu.scan <sum>, %while3A_679#0 masked %reduce_sum3A_681 : vector<16xf32>, vector<16xi1> -> vector<16xf32>
        %reduce_sum3A_683 = vector.extract %reduce_sum3A_682[15] : f32 from vector<16xf32>
        %reduce_sum3A_684 = arith.constant true
        %reduce_sum3A_685 = vector.broadcast %reduce_sum3A_684 : i1 to vector<16xi1>
        %reduce_sum3A_686 = tpu.scan <sum>, %while3A_679#1 masked %reduce_sum3A_685 : vector<16xf32>, vector<16xi1> -> vector<16xf32>
        %reduce_sum3A_687 = vector.extract %reduce_sum3A_686[15] : f32 from vector<16xf32>
        %broadcast_in_dim3A_688 = vector.broadcast %reduce_sum3A_683 : f32 to vector<16xf32>
        %sub3A_689 = arith.constant 1.000000e+00 : f32
        %sub3A_690 = vector.broadcast %sub3A_689 : f32 to vector<16xf32>
        %sub3A_691 = arith.subf %broadcast_in_dim3A_688, %sub3A_690 : vector<16xf32>
        %broadcast_in_dim3A_692 = vector.broadcast %reduce_sum3A_687 : f32 to vector<16xf32>
        %div3A_693 = arith.divf %sub3A_691, %broadcast_in_dim3A_692 : vector<16xf32>
        %slice3A_694 = vector.extract_strided_slice %div3A_693 {offsets = [0], sizes = [1], strides = [1]} : vector<16xf32> to vector<1xf32>
        %squeeze3A_695 = vector.extract %slice3A_694[0] : f32 from vector<1xf32>
        %max3A_696 = arith.maximumf %while3A_668, %squeeze3A_695 : f32
        scf.yield %while3A_668, %max3A_696 : f32, f32
      }
      scf.yield %while3A_666#1 : f32
    } else {
      %sub3A_666 = arith.constant 1.000000e+00 : f32
      %sub3A_667 = arith.subf %sub3A_249, %sub3A_666 : f32
      %while3A_668:2 = scf.while (%while3A_669 = %sub3A_667, %while3A_670 = %sub3A_249) : (f32, f32) -> (f32, f32) {
        %gt3A = arith.cmpf ogt, %while3A_670, %while3A_669 : f32
        scf.condition(%gt3A) %while3A_669, %while3A_670 : f32, f32
      } do {
      ^bb0(%while3A_669: f32, %while3A_670: f32):
        %scan3A = arith.constant 0 : i32
        %scan3A_671 = arith.constant 2048 : i32
        %scan3A_672 = arith.addi %scan3A, %scan3A_671 : i32
        %scan3A_673 = arith.constant 1 : i32
        %scan3A_674:2 = scf.for %scan3A_693 = %scan3A to %scan3A_672 step %scan3A_673 iter_args(%scan3A_694 = %broadcast_in_dim3A_1, %scan3A_695 = %broadcast_in_dim3A_1) -> (vector<16xf32>, vector<16xf32>)  : i32 {
          %mul3A_696 = arith.constant 16 : i32
          %mul3A_697 = arith.muli %scan3A_693, %mul3A_696 : i32
          %get3A = arith.index_cast %mul3A_697 : i32 to index
          %get3A_698 = tpu.vector_load %arg5[%get3A] {strides = array<i32>} : memref<32768xf32, #tpu.memory_space<vmem>>, vector<16xf32>,
          %gt3A = vector.broadcast %while3A_670 : f32 to vector<16xf32>
          %gt3A_699 = arith.cmpf ogt, %get3A_698, %gt3A : vector<16xf32>
          %jit3A_700 = arith.constant 0.000000e+00 : f32
          %broadcast_in_dim3A_701 = vector.broadcast %jit3A_700 : f32 to vector<16xf32>
          %select_n3A_702 = arith.select %gt3A_699, %get3A_698, %broadcast_in_dim3A_701 : vector<16xi1>, vector<16xf32>
          %add3A_703 = arith.addf %scan3A_694, %select_n3A_702 : vector<16xf32>
          %jit3A_704 = arith.constant 1.000000e+00 : f32
          %jit3A_705 = arith.constant 0.000000e+00 : f32
          %broadcast_in_dim3A_706 = vector.broadcast %jit3A_704 : f32 to vector<16xf32>
          %broadcast_in_dim3A_707 = vector.broadcast %jit3A_705 : f32 to vector<16xf32>
          %select_n3A_708 = arith.select %gt3A_699, %broadcast_in_dim3A_706, %broadcast_in_dim3A_707 : vector<16xi1>, vector<16xf32>
          %add3A_709 = arith.addf %scan3A_695, %select_n3A_708 : vector<16xf32>
          scf.yield %add3A_703, %add3A_709 : vector<16xf32>, vector<16xf32>
        }
        %scan3A_675 = arith.constant 2048 : i32
        %reduce_sum3A_676 = arith.constant true
        %reduce_sum3A_677 = vector.broadcast %reduce_sum3A_676 : i1 to vector<16xi1>
        %reduce_sum3A_678 = tpu.scan <sum>, %scan3A_674#0 masked %reduce_sum3A_677 : vector<16xf32>, vector<16xi1> -> vector<16xf32>
        %reduce_sum3A_679 = vector.extract %reduce_sum3A_678[15] : f32 from vector<16xf32>
        %reduce_sum3A_680 = arith.constant true
        %reduce_sum3A_681 = vector.broadcast %reduce_sum3A_680 : i1 to vector<16xi1>
        %reduce_sum3A_682 = tpu.scan <sum>, %scan3A_674#1 masked %reduce_sum3A_681 : vector<16xf32>, vector<16xi1> -> vector<16xf32>
        %reduce_sum3A_683 = vector.extract %reduce_sum3A_682[15] : f32 from vector<16xf32>
        %broadcast_in_dim3A_684 = vector.broadcast %reduce_sum3A_679 : f32 to vector<16xf32>
        %sub3A_685 = arith.constant 1.000000e+00 : f32
        %sub3A_686 = vector.broadcast %sub3A_685 : f32 to vector<16xf32>
        %sub3A_687 = arith.subf %broadcast_in_dim3A_684, %sub3A_686 : vector<16xf32>
        %broadcast_in_dim3A_688 = vector.broadcast %reduce_sum3A_683 : f32 to vector<16xf32>
        %div3A_689 = arith.divf %sub3A_687, %broadcast_in_dim3A_688 : vector<16xf32>
        %slice3A_690 = vector.extract_strided_slice %div3A_689 {offsets = [0], sizes = [1], strides = [1]} : vector<16xf32> to vector<1xf32>
        %squeeze3A_691 = vector.extract %slice3A_690[0] : f32 from vector<1xf32>
        %max3A_692 = arith.maximumf %while3A_670, %squeeze3A_691 : f32
        scf.yield %while3A_670, %max3A_692 : f32, f32
      }
      scf.yield %while3A_668#1 : f32
    }
    %parallel_loop3A_329 = arith.constant 0 : i32
    %parallel_loop3A_330 = arith.constant 2048 : i32
    %parallel_loop3A_331 = arith.constant 1 : i32
    scf.for %parallel_loop3A_666 = %parallel_loop3A_329 to %parallel_loop3A_330 step %parallel_loop3A_331  : i32 {
      %parallel_loop3A_667 = arith.constant 16 : i32
      %parallel_loop3A_668 = arith.muli %parallel_loop3A_666, %parallel_loop3A_667 : i32
      %parallel_loop3A_669 = arith.index_cast %parallel_loop3A_668 : i32 to index
      %parallel_loop3A_670 = tpu.vector_load %arg5[%parallel_loop3A_669] {strides = array<i32>} : memref<32768xf32, #tpu.memory_space<vmem>>, vector<16xf32>,
      %parallel_loop3A_671 = vector.broadcast %cond3A_328 : f32 to vector<16xf32>
      %parallel_loop3A_672 = arith.subf %parallel_loop3A_670, %parallel_loop3A_671 : vector<16xf32>
      %parallel_loop3A_673 = arith.constant 0.000000e+00 : f32
      %parallel_loop3A_674 = vector.broadcast %parallel_loop3A_673 : f32 to vector<16xf32>
      %parallel_loop3A_675 = arith.maximumf %parallel_loop3A_672, %parallel_loop3A_674 : vector<16xf32>
      %parallel_loop3A_676 = arith.constant 16 : i32
      %parallel_loop3A_677 = arith.muli %parallel_loop3A_666, %parallel_loop3A_676 : i32
      %parallel_loop3A_678 = arith.index_cast %parallel_loop3A_677 : i32 to index
      %parallel_loop3A_679 = tpu.vector_load %arg5[%parallel_loop3A_678] {strides = array<i32>} : memref<32768xf32, #tpu.memory_space<vmem>>, vector<16xf32>,
      tpu.vector_store %arg5[%parallel_loop3A_678], %parallel_loop3A_675 {strides = array<i32>} : memref<32768xf32, #tpu.memory_space<vmem>>, vector<16xf32>,
    } {sc.loop_unroll_factor = 16 : i64, sc.parallel_access}
    %dma_start3A_332 = arith.constant 0 : i32
    %dma_start3A_333 = tpu.memref_slice %arg3[%add3A_170, %dma_start3A_332] : memref<128x32768xf32, #tpu.memory_space<hbm>> -> memref<1x32768xf32, #tpu.memory_space<hbm>>
    %dma_start3A_334 = tpu.memref_squeeze %dma_start3A_333 : memref<1x32768xf32, #tpu.memory_space<hbm>> -> memref<32768xf32, #tpu.memory_space<hbm>>
    %dma_start3A_335 = arith.constant 0 : i32
    %dma_start3A_336 = tpu.memref_slice %arg3[%add3A_170, %dma_start3A_335] : memref<128x32768xf32, #tpu.memory_space<hbm>> -> memref<1x32768xf32, #tpu.memory_space<hbm>>
    %dma_start3A_337 = tpu.memref_squeeze %dma_start3A_336 : memref<1x32768xf32, #tpu.memory_space<hbm>> -> memref<32768xf32, #tpu.memory_space<hbm>>
    tpu.enqueue_dma source(%arg5 : memref<32768xf32, #tpu.memory_space<vmem>>) target(%dma_start3A_337 : memref<32768xf32, #tpu.memory_space<hbm>>) target_semaphore(%arg13 : memref<!tpu.dma_semaphore, #tpu.memory_space<semaphore_mem>>)
    %mul3A_338 = arith.constant 4 : i32
    %mul3A_339 = arith.muli %add3A, %mul3A_338 : i32
    %add3A_340 = arith.constant 2 : i32
    %add3A_341 = arith.addi %mul3A_339, %add3A_340 : i32
    %dma_wait3A_342 = arith.constant 0 : i32
    %dma_wait3A_343 = tpu.memref_slice %arg2[%add3A_24, %dma_wait3A_342] : memref<128x32768xf32, #tpu.memory_space<hbm>> -> memref<1x32768xf32, #tpu.memory_space<hbm>>
    %dma_wait3A_344 = tpu.memref_squeeze %dma_wait3A_343 : memref<1x32768xf32, #tpu.memory_space<hbm>> -> memref<32768xf32, #tpu.memory_space<hbm>>
    %dma_wait3A_345 = arith.constant 0 : i32
    %dma_wait3A_346 = tpu.memref_slice %arg2[%add3A_24, %dma_wait3A_345] : memref<128x32768xf32, #tpu.memory_space<hbm>> -> memref<1x32768xf32, #tpu.memory_space<hbm>>
    %dma_wait3A_347 = tpu.memref_squeeze %dma_wait3A_346 : memref<1x32768xf32, #tpu.memory_space<hbm>> -> memref<32768xf32, #tpu.memory_space<hbm>>
    tpu.wait_dma2 semaphore(%arg11 : memref<!tpu.dma_semaphore, #tpu.memory_space<semaphore_mem>>) src(%dma_wait3A_347 : memref<32768xf32, #tpu.memory_space<hbm>>) dst(%arg6 : memref<32768xf32, #tpu.memory_space<vmem>>)
    %broadcast_in_dim3A_348 = arith.constant -3.000000e+38 : f32
    %broadcast_in_dim3A_349 = vector.broadcast %broadcast_in_dim3A_348 : f32 to vector<16xf32>
    %parallel_loop3A_350 = arith.constant 0 : i32
    %parallel_loop3A_351 = arith.constant 2048 : i32
    %parallel_loop3A_352 = arith.constant 1 : i32
    %parallel_loop3A_353 = arith.constant 16383 : i32
    %parallel_loop3A_354:2 = scf.for %parallel_loop3A_666 = %parallel_loop3A_350 to %parallel_loop3A_351 step %parallel_loop3A_352 iter_args(%parallel_loop3A_667 = %broadcast_in_dim3A_349, %parallel_loop3A_668 = %iota3A) -> (vector<16xf32>, vector<16xi32>)  : i32 {
      %parallel_loop3A_669 = arith.constant 16 : i32
      %parallel_loop3A_670 = arith.muli %parallel_loop3A_666, %parallel_loop3A_669 : i32
      %parallel_loop3A_671 = arith.index_cast %parallel_loop3A_670 : i32 to index
      %parallel_loop3A_672 = tpu.vector_load %arg6[%parallel_loop3A_671] {strides = array<i32>} : memref<32768xf32, #tpu.memory_space<vmem>>, vector<16xf32>,
      %parallel_loop3A_673 = arith.cmpf ogt, %parallel_loop3A_672, %parallel_loop3A_667 : vector<16xf32>
      %parallel_loop3A_674 = arith.constant 1.000000e+00 : f32
      %parallel_loop3A_675 = vector.broadcast %parallel_loop3A_674 : f32 to vector<16xf32>
      %parallel_loop3A_676 = arith.subf %parallel_loop3A_672, %parallel_loop3A_675 : vector<16xf32>
      %parallel_loop3A_677 = arith.maximumf %parallel_loop3A_667, %parallel_loop3A_676 : vector<16xf32>
      %parallel_loop3A_678 = vector.broadcast %parallel_loop3A_353 : i32 to vector<16xi32>
      %parallel_loop3A_679 = arith.andi %parallel_loop3A_668, %parallel_loop3A_678 : vector<16xi32>
      tpu.vector_store_idx %arg7[%parallel_loop3A_679], %parallel_loop3A_672 masked %parallel_loop3A_673 : memref<16384xf32, #tpu.memory_space<vmem>>[vector<16xi32>], vector<16xf32>, vector<16xi1>
      %parallel_loop3A_680 = arith.constant 16 : i32
      %parallel_loop3A_681 = arith.constant 0 : i32
      %parallel_loop3A_682 = vector.broadcast %parallel_loop3A_680 : i32 to vector<16xi32>
      %parallel_loop3A_683 = vector.broadcast %parallel_loop3A_681 : i32 to vector<16xi32>
      %parallel_loop3A_684 = arith.select %parallel_loop3A_673, %parallel_loop3A_682, %parallel_loop3A_683 : vector<16xi1>, vector<16xi32>
      %parallel_loop3A_685 = arith.addi %parallel_loop3A_668, %parallel_loop3A_684 : vector<16xi32>
      scf.yield %parallel_loop3A_677, %parallel_loop3A_685 : vector<16xf32>, vector<16xi32>
    } {sc.loop_unroll_factor = 16 : i64, sc.parallel_access}
    %sub3A_355 = arith.subi %parallel_loop3A_354#1, %iota3A : vector<16xi32>
    %jit3A_356 = arith.constant 16 : i32
    %div3A_357 = vector.broadcast %jit3A_356 : i32 to vector<16xi32>
    %div3A_358 = arith.divsi %sub3A_355, %div3A_357 : vector<16xi32>
    %sign3A_359 = arith.constant 0 : i32
    %sign3A_360 = vector.broadcast %sign3A_359 : i32 to vector<16xi32>
    %sign3A_361 = arith.cmpi sgt, %sub3A_355, %sign3A_360 : vector<16xi32>
    %sign3A_362 = arith.extui %sign3A_361 : vector<16xi1> to vector<16xi32>
    %sign3A_363 = arith.constant 0 : i32
    %sign3A_364 = vector.broadcast %sign3A_363 : i32 to vector<16xi32>
    %sign3A_365 = arith.cmpi slt, %sub3A_355, %sign3A_364 : vector<16xi32>
    %sign3A_366 = arith.extui %sign3A_365 : vector<16xi1> to vector<16xi32>
    %sign3A_367 = arith.subi %sign3A_362, %sign3A_366 : vector<16xi32>
    %sign3A_368 = arith.constant 0 : i32
    %sign3A_369 = arith.cmpi sgt, %jit3A_356, %sign3A_368 : i32
    %sign3A_370 = arith.extui %sign3A_369 : i1 to i32
    %sign3A_371 = arith.constant 0 : i32
    %sign3A_372 = arith.cmpi slt, %jit3A_356, %sign3A_371 : i32
    %sign3A_373 = arith.extui %sign3A_372 : i1 to i32
    %sign3A_374 = arith.subi %sign3A_370, %sign3A_373 : i32
    %ne3A_375 = vector.broadcast %sign3A_374 : i32 to vector<16xi32>
    %ne3A_376 = arith.cmpi ne, %sign3A_367, %ne3A_375 : vector<16xi32>
    %rem3A_377 = vector.broadcast %jit3A_356 : i32 to vector<16xi32>
    %rem3A_378 = arith.remsi %sub3A_355, %rem3A_377 : vector<16xi32>
    %ne3A_379 = arith.constant 0 : i32
    %ne3A_380 = vector.broadcast %ne3A_379 : i32 to vector<16xi32>
    %ne3A_381 = arith.cmpi ne, %rem3A_378, %ne3A_380 : vector<16xi32>
    %and3A_382 = arith.andi %ne3A_376, %ne3A_381 : vector<16xi1>
    %sub3A_383 = arith.constant 1 : i32
    %sub3A_384 = vector.broadcast %sub3A_383 : i32 to vector<16xi32>
    %sub3A_385 = arith.subi %div3A_358, %sub3A_384 : vector<16xi32>
    %select_n3A_386 = arith.select %and3A_382, %sub3A_385, %div3A_358 : vector<16xi1>, vector<16xi32>
    %reduce_max3A_387 = arith.constant true
    %reduce_max3A_388 = vector.broadcast %reduce_max3A_387 : i1 to vector<16xi1>
    %reduce_max3A_389 = arith.constant -2147483648 : i32
    %reduce_max3A_390 = vector.broadcast %reduce_max3A_389 : i32 to vector<16xi32>
    %reduce_max3A_391 = arith.xori %select_n3A_386, %reduce_max3A_390 : vector<16xi32>
    %reduce_max3A_392 = tpu.scan <max>, %reduce_max3A_391 masked %reduce_max3A_388 : vector<16xi32>, vector<16xi1> -> vector<16xi32>
    %reduce_max3A_393 = arith.xori %reduce_max3A_392, %reduce_max3A_390 : vector<16xi32>
    %reduce_max3A_394 = vector.extract %reduce_max3A_393[15] : i32 from vector<16xi32>
    %le3A_395 = arith.constant 1024 : i32
    %le3A_396 = arith.cmpi sle, %reduce_max3A_394, %le3A_395 : i32
    %reduce_max3A_397 = arith.constant true
    %reduce_max3A_398 = vector.broadcast %reduce_max3A_397 : i1 to vector<16xi1>
    %reduce_max3A_399 = tpu.scan <max>, %parallel_loop3A_354#0 masked %reduce_max3A_398 : vector<16xf32>, vector<16xi1> -> vector<16xf32>
    %reduce_max3A_400 = vector.extract %reduce_max3A_399[15] : f32 from vector<16xf32>
    %add3A_401 = arith.constant 1.000000e+00 : f32
    %add3A_402 = arith.addf %reduce_max3A_400, %add3A_401 : f32
    %sub3A_403 = arith.constant 1.000000e+00 : f32
    %sub3A_404 = arith.subf %add3A_402, %sub3A_403 : f32
    %jit3A_405 = arith.constant 0 : i32
    %select_n3A_406 = arith.select %le3A_396, %reduce_max3A_394, %jit3A_405 : i32
    %while3A_407 = arith.constant 2047 : i32
    %while3A_408 = arith.constant 0 : i32
    %while3A_409 = arith.subi %select_n3A_406, %while3A_408 : i32
    %while3A_410 = arith.addi %while3A_408, %while3A_409 : i32
    %while3A_411 = arith.constant 1 : i32
    %while3A_412 = arith.divsi %while3A_409, %while3A_411 : i32
    %while3A_413 = arith.muli %while3A_412, %while3A_411 : i32
    %while3A_414 = arith.addi %while3A_408, %while3A_413 : i32
    %while3A_415 = arith.constant 1 : i32
    %while3A_416:3 = scf.for %while3A_666 = %while3A_408 to %while3A_414 step %while3A_415 iter_args(%while3A_667 = %broadcast_in_dim3A_1, %while3A_668 = %broadcast_in_dim3A_1, %while3A_669 = %iota3A) -> (vector<16xf32>, vector<16xf32>, vector<16xi32>)  : i32 {
      %mul3A_670 = arith.constant 16 : i32
      %mul3A_671 = arith.muli %while3A_666, %mul3A_670 : i32
      %get3A = arith.index_cast %mul3A_671 : i32 to index
      %get3A_672 = tpu.vector_load %arg7[%get3A] {strides = array<i32>} : memref<16384xf32, #tpu.memory_space<vmem>>, vector<16xf32>,
      %gt3A = vector.broadcast %sub3A_404 : f32 to vector<16xf32>
      %gt3A_673 = arith.cmpf ogt, %get3A_672, %gt3A : vector<16xf32>
      %lt3A = vector.broadcast %while3A_666 : i32 to vector<16xi32>
      %lt3A_674 = arith.cmpi slt, %lt3A, %select_n3A_386 : vector<16xi32>
      %and3A_675 = arith.andi %gt3A_673, %lt3A_674 : vector<16xi1>
      %and3A_676 = vector.broadcast %while3A_407 : i32 to vector<16xi32>
      %and3A_677 = arith.andi %while3A_669, %and3A_676 : vector<16xi32>
      tpu.vector_store_idx %arg8[%and3A_677], %get3A_672 masked %and3A_675 : memref<2048xf32, #tpu.memory_space<vmem>>[vector<16xi32>], vector<16xf32>, vector<16xi1>
      %jit3A_678 = arith.constant 16 : i32
      %jit3A_679 = arith.constant 0 : i32
      %broadcast_in_dim3A_680 = vector.broadcast %jit3A_678 : i32 to vector<16xi32>
      %broadcast_in_dim3A_681 = vector.broadcast %jit3A_679 : i32 to vector<16xi32>
      %select_n3A_682 = arith.select %and3A_675, %broadcast_in_dim3A_680, %broadcast_in_dim3A_681 : vector<16xi1>, vector<16xi32>
      %add3A_683 = arith.addi %while3A_669, %select_n3A_682 : vector<16xi32>
      %jit3A_684 = arith.constant 0.000000e+00 : f32
      %broadcast_in_dim3A_685 = vector.broadcast %jit3A_684 : f32 to vector<16xf32>
      %select_n3A_686 = arith.select %and3A_675, %get3A_672, %broadcast_in_dim3A_685 : vector<16xi1>, vector<16xf32>
      %add3A_687 = arith.addf %while3A_667, %select_n3A_686 : vector<16xf32>
      %jit3A_688 = arith.constant 1.000000e+00 : f32
      %jit3A_689 = arith.constant 0.000000e+00 : f32
      %broadcast_in_dim3A_690 = vector.broadcast %jit3A_688 : f32 to vector<16xf32>
      %broadcast_in_dim3A_691 = vector.broadcast %jit3A_689 : f32 to vector<16xf32>
      %select_n3A_692 = arith.select %and3A_675, %broadcast_in_dim3A_690, %broadcast_in_dim3A_691 : vector<16xi1>, vector<16xf32>
      %add3A_693 = arith.addf %while3A_668, %select_n3A_692 : vector<16xf32>
      scf.yield %add3A_687, %add3A_693, %add3A_683 : vector<16xf32>, vector<16xf32>, vector<16xi32>
    }
    %while3A_417 = arith.constant 1 : i32
    %while3A_418:3 = scf.for %while3A_666 = %while3A_414 to %while3A_410 step %while3A_417 iter_args(%while3A_667 = %while3A_416#0, %while3A_668 = %while3A_416#1, %while3A_669 = %while3A_416#2) -> (vector<16xf32>, vector<16xf32>, vector<16xi32>)  : i32 {
      %mul3A_670 = arith.constant 16 : i32
      %mul3A_671 = arith.muli %while3A_666, %mul3A_670 : i32
      %get3A = arith.index_cast %mul3A_671 : i32 to index
      %get3A_672 = tpu.vector_load %arg7[%get3A] {strides = array<i32>} : memref<16384xf32, #tpu.memory_space<vmem>>, vector<16xf32>,
      %gt3A = vector.broadcast %sub3A_404 : f32 to vector<16xf32>
      %gt3A_673 = arith.cmpf ogt, %get3A_672, %gt3A : vector<16xf32>
      %lt3A = vector.broadcast %while3A_666 : i32 to vector<16xi32>
      %lt3A_674 = arith.cmpi slt, %lt3A, %select_n3A_386 : vector<16xi32>
      %and3A_675 = arith.andi %gt3A_673, %lt3A_674 : vector<16xi1>
      %and3A_676 = vector.broadcast %while3A_407 : i32 to vector<16xi32>
      %and3A_677 = arith.andi %while3A_669, %and3A_676 : vector<16xi32>
      tpu.vector_store_idx %arg8[%and3A_677], %get3A_672 masked %and3A_675 : memref<2048xf32, #tpu.memory_space<vmem>>[vector<16xi32>], vector<16xf32>, vector<16xi1>
      %jit3A_678 = arith.constant 16 : i32
      %jit3A_679 = arith.constant 0 : i32
      %broadcast_in_dim3A_680 = vector.broadcast %jit3A_678 : i32 to vector<16xi32>
      %broadcast_in_dim3A_681 = vector.broadcast %jit3A_679 : i32 to vector<16xi32>
      %select_n3A_682 = arith.select %and3A_675, %broadcast_in_dim3A_680, %broadcast_in_dim3A_681 : vector<16xi1>, vector<16xi32>
      %add3A_683 = arith.addi %while3A_669, %select_n3A_682 : vector<16xi32>
      %jit3A_684 = arith.constant 0.000000e+00 : f32
      %broadcast_in_dim3A_685 = vector.broadcast %jit3A_684 : f32 to vector<16xf32>
      %select_n3A_686 = arith.select %and3A_675, %get3A_672, %broadcast_in_dim3A_685 : vector<16xi1>, vector<16xf32>
      %add3A_687 = arith.addf %while3A_667, %select_n3A_686 : vector<16xf32>
      %jit3A_688 = arith.constant 1.000000e+00 : f32
      %jit3A_689 = arith.constant 0.000000e+00 : f32
      %broadcast_in_dim3A_690 = vector.broadcast %jit3A_688 : f32 to vector<16xf32>
      %broadcast_in_dim3A_691 = vector.broadcast %jit3A_689 : f32 to vector<16xf32>
      %select_n3A_692 = arith.select %and3A_675, %broadcast_in_dim3A_690, %broadcast_in_dim3A_691 : vector<16xi1>, vector<16xf32>
      %add3A_693 = arith.addf %while3A_668, %select_n3A_692 : vector<16xf32>
      scf.yield %add3A_687, %add3A_693, %add3A_683 : vector<16xf32>, vector<16xf32>, vector<16xi32>
    }
    %sub3A_419 = arith.subi %while3A_418#2, %iota3A : vector<16xi32>
    %jit3A_420 = arith.constant 16 : i32
    %div3A_421 = vector.broadcast %jit3A_420 : i32 to vector<16xi32>
    %div3A_422 = arith.divsi %sub3A_419, %div3A_421 : vector<16xi32>
    %sign3A_423 = arith.constant 0 : i32
    %sign3A_424 = vector.broadcast %sign3A_423 : i32 to vector<16xi32>
    %sign3A_425 = arith.cmpi sgt, %sub3A_419, %sign3A_424 : vector<16xi32>
    %sign3A_426 = arith.extui %sign3A_425 : vector<16xi1> to vector<16xi32>
    %sign3A_427 = arith.constant 0 : i32
    %sign3A_428 = vector.broadcast %sign3A_427 : i32 to vector<16xi32>
    %sign3A_429 = arith.cmpi slt, %sub3A_419, %sign3A_428 : vector<16xi32>
    %sign3A_430 = arith.extui %sign3A_429 : vector<16xi1> to vector<16xi32>
    %sign3A_431 = arith.subi %sign3A_426, %sign3A_430 : vector<16xi32>
    %sign3A_432 = arith.constant 0 : i32
    %sign3A_433 = arith.cmpi sgt, %jit3A_420, %sign3A_432 : i32
    %sign3A_434 = arith.extui %sign3A_433 : i1 to i32
    %sign3A_435 = arith.constant 0 : i32
    %sign3A_436 = arith.cmpi slt, %jit3A_420, %sign3A_435 : i32
    %sign3A_437 = arith.extui %sign3A_436 : i1 to i32
    %sign3A_438 = arith.subi %sign3A_434, %sign3A_437 : i32
    %ne3A_439 = vector.broadcast %sign3A_438 : i32 to vector<16xi32>
    %ne3A_440 = arith.cmpi ne, %sign3A_431, %ne3A_439 : vector<16xi32>
    %rem3A_441 = vector.broadcast %jit3A_420 : i32 to vector<16xi32>
    %rem3A_442 = arith.remsi %sub3A_419, %rem3A_441 : vector<16xi32>
    %ne3A_443 = arith.constant 0 : i32
    %ne3A_444 = vector.broadcast %ne3A_443 : i32 to vector<16xi32>
    %ne3A_445 = arith.cmpi ne, %rem3A_442, %ne3A_444 : vector<16xi32>
    %and3A_446 = arith.andi %ne3A_440, %ne3A_445 : vector<16xi1>
    %sub3A_447 = arith.constant 1 : i32
    %sub3A_448 = vector.broadcast %sub3A_447 : i32 to vector<16xi32>
    %sub3A_449 = arith.subi %div3A_422, %sub3A_448 : vector<16xi32>
    %select_n3A_450 = arith.select %and3A_446, %sub3A_449, %div3A_422 : vector<16xi1>, vector<16xi32>
    %reduce_max3A_451 = arith.constant true
    %reduce_max3A_452 = vector.broadcast %reduce_max3A_451 : i1 to vector<16xi1>
    %reduce_max3A_453 = arith.constant -2147483648 : i32
    %reduce_max3A_454 = vector.broadcast %reduce_max3A_453 : i32 to vector<16xi32>
    %reduce_max3A_455 = arith.xori %select_n3A_450, %reduce_max3A_454 : vector<16xi32>
    %reduce_max3A_456 = tpu.scan <max>, %reduce_max3A_455 masked %reduce_max3A_452 : vector<16xi32>, vector<16xi1> -> vector<16xi32>
    %reduce_max3A_457 = arith.xori %reduce_max3A_456, %reduce_max3A_454 : vector<16xi32>
    %reduce_max3A_458 = vector.extract %reduce_max3A_457[15] : i32 from vector<16xi32>
    %le3A_459 = arith.constant 128 : i32
    %le3A_460 = arith.cmpi sle, %reduce_max3A_458, %le3A_459 : i32
    %and3A_461 = arith.andi %le3A_396, %le3A_460 : i1
    %reduce_sum3A_462 = arith.constant true
    %reduce_sum3A_463 = vector.broadcast %reduce_sum3A_462 : i1 to vector<16xi1>
    %reduce_sum3A_464 = tpu.scan <sum>, %while3A_418#0 masked %reduce_sum3A_463 : vector<16xf32>, vector<16xi1> -> vector<16xf32>
    %reduce_sum3A_465 = vector.extract %reduce_sum3A_464[15] : f32 from vector<16xf32>
    %reduce_sum3A_466 = arith.constant true
    %reduce_sum3A_467 = vector.broadcast %reduce_sum3A_466 : i1 to vector<16xi1>
    %reduce_sum3A_468 = tpu.scan <sum>, %while3A_418#1 masked %reduce_sum3A_467 : vector<16xf32>, vector<16xi1> -> vector<16xf32>
    %reduce_sum3A_469 = vector.extract %reduce_sum3A_468[15] : f32 from vector<16xf32>
    %broadcast_in_dim3A_470 = vector.broadcast %reduce_sum3A_465 : f32 to vector<16xf32>
    %sub3A_471 = arith.constant 1.000000e+00 : f32
    %sub3A_472 = vector.broadcast %sub3A_471 : f32 to vector<16xf32>
    %sub3A_473 = arith.subf %broadcast_in_dim3A_470, %sub3A_472 : vector<16xf32>
    %broadcast_in_dim3A_474 = vector.broadcast %reduce_sum3A_469 : f32 to vector<16xf32>
    %div3A_475 = arith.divf %sub3A_473, %broadcast_in_dim3A_474 : vector<16xf32>
    %slice3A_476 = vector.extract_strided_slice %div3A_475 {offsets = [0], sizes = [1], strides = [1]} : vector<16xf32> to vector<1xf32>
    %squeeze3A_477 = vector.extract %slice3A_476[0] : f32 from vector<1xf32>
    %max3A_478 = arith.maximumf %sub3A_404, %squeeze3A_477 : f32
    %convert_element_type3A_479 = arith.extui %and3A_461 : i1 to i32
    %cond3A_480 = arith.constant 0 : i32
    %cond3A_481 = arith.constant 0 : i32
    %cond3A_482 = arith.cmpi ne, %convert_element_type3A_479, %cond3A_481 : i32
    %cond3A_483 = scf.if %cond3A_482 -> (f32) {
      %while3A_666:2 = scf.while (%while3A_667 = %sub3A_404, %while3A_668 = %max3A_478) : (f32, f32) -> (f32, f32) {
        %gt3A = arith.cmpf ogt, %while3A_668, %while3A_667 : f32
        scf.condition(%gt3A) %while3A_667, %while3A_668 : f32, f32
      } do {
      ^bb0(%while3A_667: f32, %while3A_668: f32):
        %while3A_669 = arith.constant 0 : i32
        %while3A_670 = arith.subi %reduce_max3A_458, %while3A_669 : i32
        %while3A_671 = arith.addi %while3A_669, %while3A_670 : i32
        %while3A_672 = arith.constant 1 : i32
        %while3A_673 = arith.divsi %while3A_670, %while3A_672 : i32
        %while3A_674 = arith.muli %while3A_673, %while3A_672 : i32
        %while3A_675 = arith.addi %while3A_669, %while3A_674 : i32
        %while3A_676 = arith.constant 1 : i32
        %while3A_677:2 = scf.for %while3A_697 = %while3A_669 to %while3A_675 step %while3A_676 iter_args(%while3A_698 = %broadcast_in_dim3A_1, %while3A_699 = %broadcast_in_dim3A_1) -> (vector<16xf32>, vector<16xf32>)  : i32 {
          %mul3A_700 = arith.constant 16 : i32
          %mul3A_701 = arith.muli %while3A_697, %mul3A_700 : i32
          %get3A = arith.index_cast %mul3A_701 : i32 to index
          %get3A_702 = tpu.vector_load %arg8[%get3A] {strides = array<i32>} : memref<2048xf32, #tpu.memory_space<vmem>>, vector<16xf32>,
          %gt3A = vector.broadcast %while3A_668 : f32 to vector<16xf32>
          %gt3A_703 = arith.cmpf ogt, %get3A_702, %gt3A : vector<16xf32>
          %lt3A = vector.broadcast %while3A_697 : i32 to vector<16xi32>
          %lt3A_704 = arith.cmpi slt, %lt3A, %select_n3A_450 : vector<16xi32>
          %and3A_705 = arith.andi %gt3A_703, %lt3A_704 : vector<16xi1>
          %jit3A_706 = arith.constant 0.000000e+00 : f32
          %broadcast_in_dim3A_707 = vector.broadcast %jit3A_706 : f32 to vector<16xf32>
          %select_n3A_708 = arith.select %and3A_705, %get3A_702, %broadcast_in_dim3A_707 : vector<16xi1>, vector<16xf32>
          %add3A_709 = arith.addf %while3A_698, %select_n3A_708 : vector<16xf32>
          %jit3A_710 = arith.constant 1.000000e+00 : f32
          %jit3A_711 = arith.constant 0.000000e+00 : f32
          %broadcast_in_dim3A_712 = vector.broadcast %jit3A_710 : f32 to vector<16xf32>
          %broadcast_in_dim3A_713 = vector.broadcast %jit3A_711 : f32 to vector<16xf32>
          %select_n3A_714 = arith.select %and3A_705, %broadcast_in_dim3A_712, %broadcast_in_dim3A_713 : vector<16xi1>, vector<16xf32>
          %add3A_715 = arith.addf %while3A_699, %select_n3A_714 : vector<16xf32>
          scf.yield %add3A_709, %add3A_715 : vector<16xf32>, vector<16xf32>
        }
        %while3A_678 = arith.constant 1 : i32
        %while3A_679:2 = scf.for %while3A_697 = %while3A_675 to %while3A_671 step %while3A_678 iter_args(%while3A_698 = %while3A_677#0, %while3A_699 = %while3A_677#1) -> (vector<16xf32>, vector<16xf32>)  : i32 {
          %mul3A_700 = arith.constant 16 : i32
          %mul3A_701 = arith.muli %while3A_697, %mul3A_700 : i32
          %get3A = arith.index_cast %mul3A_701 : i32 to index
          %get3A_702 = tpu.vector_load %arg8[%get3A] {strides = array<i32>} : memref<2048xf32, #tpu.memory_space<vmem>>, vector<16xf32>,
          %gt3A = vector.broadcast %while3A_668 : f32 to vector<16xf32>
          %gt3A_703 = arith.cmpf ogt, %get3A_702, %gt3A : vector<16xf32>
          %lt3A = vector.broadcast %while3A_697 : i32 to vector<16xi32>
          %lt3A_704 = arith.cmpi slt, %lt3A, %select_n3A_450 : vector<16xi32>
          %and3A_705 = arith.andi %gt3A_703, %lt3A_704 : vector<16xi1>
          %jit3A_706 = arith.constant 0.000000e+00 : f32
          %broadcast_in_dim3A_707 = vector.broadcast %jit3A_706 : f32 to vector<16xf32>
          %select_n3A_708 = arith.select %and3A_705, %get3A_702, %broadcast_in_dim3A_707 : vector<16xi1>, vector<16xf32>
          %add3A_709 = arith.addf %while3A_698, %select_n3A_708 : vector<16xf32>
          %jit3A_710 = arith.constant 1.000000e+00 : f32
          %jit3A_711 = arith.constant 0.000000e+00 : f32
          %broadcast_in_dim3A_712 = vector.broadcast %jit3A_710 : f32 to vector<16xf32>
          %broadcast_in_dim3A_713 = vector.broadcast %jit3A_711 : f32 to vector<16xf32>
          %select_n3A_714 = arith.select %and3A_705, %broadcast_in_dim3A_712, %broadcast_in_dim3A_713 : vector<16xi1>, vector<16xf32>
          %add3A_715 = arith.addf %while3A_699, %select_n3A_714 : vector<16xf32>
          scf.yield %add3A_709, %add3A_715 : vector<16xf32>, vector<16xf32>
        }
        %reduce_sum3A_680 = arith.constant true
        %reduce_sum3A_681 = vector.broadcast %reduce_sum3A_680 : i1 to vector<16xi1>
        %reduce_sum3A_682 = tpu.scan <sum>, %while3A_679#0 masked %reduce_sum3A_681 : vector<16xf32>, vector<16xi1> -> vector<16xf32>
        %reduce_sum3A_683 = vector.extract %reduce_sum3A_682[15] : f32 from vector<16xf32>
        %reduce_sum3A_684 = arith.constant true
        %reduce_sum3A_685 = vector.broadcast %reduce_sum3A_684 : i1 to vector<16xi1>
        %reduce_sum3A_686 = tpu.scan <sum>, %while3A_679#1 masked %reduce_sum3A_685 : vector<16xf32>, vector<16xi1> -> vector<16xf32>
        %reduce_sum3A_687 = vector.extract %reduce_sum3A_686[15] : f32 from vector<16xf32>
        %broadcast_in_dim3A_688 = vector.broadcast %reduce_sum3A_683 : f32 to vector<16xf32>
        %sub3A_689 = arith.constant 1.000000e+00 : f32
        %sub3A_690 = vector.broadcast %sub3A_689 : f32 to vector<16xf32>
        %sub3A_691 = arith.subf %broadcast_in_dim3A_688, %sub3A_690 : vector<16xf32>
        %broadcast_in_dim3A_692 = vector.broadcast %reduce_sum3A_687 : f32 to vector<16xf32>
        %div3A_693 = arith.divf %sub3A_691, %broadcast_in_dim3A_692 : vector<16xf32>
        %slice3A_694 = vector.extract_strided_slice %div3A_693 {offsets = [0], sizes = [1], strides = [1]} : vector<16xf32> to vector<1xf32>
        %squeeze3A_695 = vector.extract %slice3A_694[0] : f32 from vector<1xf32>
        %max3A_696 = arith.maximumf %while3A_668, %squeeze3A_695 : f32
        scf.yield %while3A_668, %max3A_696 : f32, f32
      }
      scf.yield %while3A_666#1 : f32
    } else {
      %sub3A_666 = arith.constant 1.000000e+00 : f32
      %sub3A_667 = arith.subf %sub3A_404, %sub3A_666 : f32
      %while3A_668:2 = scf.while (%while3A_669 = %sub3A_667, %while3A_670 = %sub3A_404) : (f32, f32) -> (f32, f32) {
        %gt3A = arith.cmpf ogt, %while3A_670, %while3A_669 : f32
        scf.condition(%gt3A) %while3A_669, %while3A_670 : f32, f32
      } do {
      ^bb0(%while3A_669: f32, %while3A_670: f32):
        %scan3A = arith.constant 0 : i32
        %scan3A_671 = arith.constant 2048 : i32
        %scan3A_672 = arith.addi %scan3A, %scan3A_671 : i32
        %scan3A_673 = arith.constant 1 : i32
        %scan3A_674:2 = scf.for %scan3A_693 = %scan3A to %scan3A_672 step %scan3A_673 iter_args(%scan3A_694 = %broadcast_in_dim3A_1, %scan3A_695 = %broadcast_in_dim3A_1) -> (vector<16xf32>, vector<16xf32>)  : i32 {
          %mul3A_696 = arith.constant 16 : i32
          %mul3A_697 = arith.muli %scan3A_693, %mul3A_696 : i32
          %get3A = arith.index_cast %mul3A_697 : i32 to index
          %get3A_698 = tpu.vector_load %arg6[%get3A] {strides = array<i32>} : memref<32768xf32, #tpu.memory_space<vmem>>, vector<16xf32>,
          %gt3A = vector.broadcast %while3A_670 : f32 to vector<16xf32>
          %gt3A_699 = arith.cmpf ogt, %get3A_698, %gt3A : vector<16xf32>
          %jit3A_700 = arith.constant 0.000000e+00 : f32
          %broadcast_in_dim3A_701 = vector.broadcast %jit3A_700 : f32 to vector<16xf32>
          %select_n3A_702 = arith.select %gt3A_699, %get3A_698, %broadcast_in_dim3A_701 : vector<16xi1>, vector<16xf32>
          %add3A_703 = arith.addf %scan3A_694, %select_n3A_702 : vector<16xf32>
          %jit3A_704 = arith.constant 1.000000e+00 : f32
          %jit3A_705 = arith.constant 0.000000e+00 : f32
          %broadcast_in_dim3A_706 = vector.broadcast %jit3A_704 : f32 to vector<16xf32>
          %broadcast_in_dim3A_707 = vector.broadcast %jit3A_705 : f32 to vector<16xf32>
          %select_n3A_708 = arith.select %gt3A_699, %broadcast_in_dim3A_706, %broadcast_in_dim3A_707 : vector<16xi1>, vector<16xf32>
          %add3A_709 = arith.addf %scan3A_695, %select_n3A_708 : vector<16xf32>
          scf.yield %add3A_703, %add3A_709 : vector<16xf32>, vector<16xf32>
        }
        %scan3A_675 = arith.constant 2048 : i32
        %reduce_sum3A_676 = arith.constant true
        %reduce_sum3A_677 = vector.broadcast %reduce_sum3A_676 : i1 to vector<16xi1>
        %reduce_sum3A_678 = tpu.scan <sum>, %scan3A_674#0 masked %reduce_sum3A_677 : vector<16xf32>, vector<16xi1> -> vector<16xf32>
        %reduce_sum3A_679 = vector.extract %reduce_sum3A_678[15] : f32 from vector<16xf32>
        %reduce_sum3A_680 = arith.constant true
        %reduce_sum3A_681 = vector.broadcast %reduce_sum3A_680 : i1 to vector<16xi1>
        %reduce_sum3A_682 = tpu.scan <sum>, %scan3A_674#1 masked %reduce_sum3A_681 : vector<16xf32>, vector<16xi1> -> vector<16xf32>
        %reduce_sum3A_683 = vector.extract %reduce_sum3A_682[15] : f32 from vector<16xf32>
        %broadcast_in_dim3A_684 = vector.broadcast %reduce_sum3A_679 : f32 to vector<16xf32>
        %sub3A_685 = arith.constant 1.000000e+00 : f32
        %sub3A_686 = vector.broadcast %sub3A_685 : f32 to vector<16xf32>
        %sub3A_687 = arith.subf %broadcast_in_dim3A_684, %sub3A_686 : vector<16xf32>
        %broadcast_in_dim3A_688 = vector.broadcast %reduce_sum3A_683 : f32 to vector<16xf32>
        %div3A_689 = arith.divf %sub3A_687, %broadcast_in_dim3A_688 : vector<16xf32>
        %slice3A_690 = vector.extract_strided_slice %div3A_689 {offsets = [0], sizes = [1], strides = [1]} : vector<16xf32> to vector<1xf32>
        %squeeze3A_691 = vector.extract %slice3A_690[0] : f32 from vector<1xf32>
        %max3A_692 = arith.maximumf %while3A_670, %squeeze3A_691 : f32
        scf.yield %while3A_670, %max3A_692 : f32, f32
      }
      scf.yield %while3A_668#1 : f32
    }
    %parallel_loop3A_484 = arith.constant 0 : i32
    %parallel_loop3A_485 = arith.constant 2048 : i32
    %parallel_loop3A_486 = arith.constant 1 : i32
    scf.for %parallel_loop3A_666 = %parallel_loop3A_484 to %parallel_loop3A_485 step %parallel_loop3A_486  : i32 {
      %parallel_loop3A_667 = arith.constant 16 : i32
      %parallel_loop3A_668 = arith.muli %parallel_loop3A_666, %parallel_loop3A_667 : i32
      %parallel_loop3A_669 = arith.index_cast %parallel_loop3A_668 : i32 to index
      %parallel_loop3A_670 = tpu.vector_load %arg6[%parallel_loop3A_669] {strides = array<i32>} : memref<32768xf32, #tpu.memory_space<vmem>>, vector<16xf32>,
      %parallel_loop3A_671 = vector.broadcast %cond3A_483 : f32 to vector<16xf32>
      %parallel_loop3A_672 = arith.subf %parallel_loop3A_670, %parallel_loop3A_671 : vector<16xf32>
      %parallel_loop3A_673 = arith.constant 0.000000e+00 : f32
      %parallel_loop3A_674 = vector.broadcast %parallel_loop3A_673 : f32 to vector<16xf32>
      %parallel_loop3A_675 = arith.maximumf %parallel_loop3A_672, %parallel_loop3A_674 : vector<16xf32>
      %parallel_loop3A_676 = arith.constant 16 : i32
      %parallel_loop3A_677 = arith.muli %parallel_loop3A_666, %parallel_loop3A_676 : i32
      %parallel_loop3A_678 = arith.index_cast %parallel_loop3A_677 : i32 to index
      %parallel_loop3A_679 = tpu.vector_load %arg6[%parallel_loop3A_678] {strides = array<i32>} : memref<32768xf32, #tpu.memory_space<vmem>>, vector<16xf32>,
      tpu.vector_store %arg6[%parallel_loop3A_678], %parallel_loop3A_675 {strides = array<i32>} : memref<32768xf32, #tpu.memory_space<vmem>>, vector<16xf32>,
    } {sc.loop_unroll_factor = 16 : i64, sc.parallel_access}
    %dma_start3A_487 = arith.constant 0 : i32
    %dma_start3A_488 = tpu.memref_slice %arg3[%add3A_341, %dma_start3A_487] : memref<128x32768xf32, #tpu.memory_space<hbm>> -> memref<1x32768xf32, #tpu.memory_space<hbm>>
    %dma_start3A_489 = tpu.memref_squeeze %dma_start3A_488 : memref<1x32768xf32, #tpu.memory_space<hbm>> -> memref<32768xf32, #tpu.memory_space<hbm>>
    %dma_start3A_490 = arith.constant 0 : i32
    %dma_start3A_491 = tpu.memref_slice %arg3[%add3A_341, %dma_start3A_490] : memref<128x32768xf32, #tpu.memory_space<hbm>> -> memref<1x32768xf32, #tpu.memory_space<hbm>>
    %dma_start3A_492 = tpu.memref_squeeze %dma_start3A_491 : memref<1x32768xf32, #tpu.memory_space<hbm>> -> memref<32768xf32, #tpu.memory_space<hbm>>
    tpu.enqueue_dma source(%arg6 : memref<32768xf32, #tpu.memory_space<vmem>>) target(%dma_start3A_492 : memref<32768xf32, #tpu.memory_space<hbm>>) target_semaphore(%arg14 : memref<!tpu.dma_semaphore, #tpu.memory_space<semaphore_mem>>)
    %mul3A_493 = arith.constant 4 : i32
    %mul3A_494 = arith.muli %add3A, %mul3A_493 : i32
    %add3A_495 = arith.constant 3 : i32
    %add3A_496 = arith.addi %mul3A_494, %add3A_495 : i32
    %dma_wait3A_497 = arith.constant 0 : i32
    %dma_wait3A_498 = tpu.memref_slice %arg2[%add3A_193, %dma_wait3A_497] : memref<128x32768xf32, #tpu.memory_space<hbm>> -> memref<1x32768xf32, #tpu.memory_space<hbm>>
    %dma_wait3A_499 = tpu.memref_squeeze %dma_wait3A_498 : memref<1x32768xf32, #tpu.memory_space<hbm>> -> memref<32768xf32, #tpu.memory_space<hbm>>
    %dma_wait3A_500 = arith.constant 0 : i32
    %dma_wait3A_501 = tpu.memref_slice %arg2[%add3A_193, %dma_wait3A_500] : memref<128x32768xf32, #tpu.memory_space<hbm>> -> memref<1x32768xf32, #tpu.memory_space<hbm>>
    %dma_wait3A_502 = tpu.memref_squeeze %dma_wait3A_501 : memref<1x32768xf32, #tpu.memory_space<hbm>> -> memref<32768xf32, #tpu.memory_space<hbm>>
    tpu.wait_dma2 semaphore(%arg9 : memref<!tpu.dma_semaphore, #tpu.memory_space<semaphore_mem>>) src(%dma_wait3A_502 : memref<32768xf32, #tpu.memory_space<hbm>>) dst(%arg4 : memref<32768xf32, #tpu.memory_space<vmem>>)
    %broadcast_in_dim3A_503 = arith.constant -3.000000e+38 : f32
    %broadcast_in_dim3A_504 = vector.broadcast %broadcast_in_dim3A_503 : f32 to vector<16xf32>
    %parallel_loop3A_505 = arith.constant 0 : i32
    %parallel_loop3A_506 = arith.constant 2048 : i32
    %parallel_loop3A_507 = arith.constant 1 : i32
    %parallel_loop3A_508 = arith.constant 16383 : i32
    %parallel_loop3A_509:2 = scf.for %parallel_loop3A_666 = %parallel_loop3A_505 to %parallel_loop3A_506 step %parallel_loop3A_507 iter_args(%parallel_loop3A_667 = %broadcast_in_dim3A_504, %parallel_loop3A_668 = %iota3A) -> (vector<16xf32>, vector<16xi32>)  : i32 {
      %parallel_loop3A_669 = arith.constant 16 : i32
      %parallel_loop3A_670 = arith.muli %parallel_loop3A_666, %parallel_loop3A_669 : i32
      %parallel_loop3A_671 = arith.index_cast %parallel_loop3A_670 : i32 to index
      %parallel_loop3A_672 = tpu.vector_load %arg4[%parallel_loop3A_671] {strides = array<i32>} : memref<32768xf32, #tpu.memory_space<vmem>>, vector<16xf32>,
      %parallel_loop3A_673 = arith.cmpf ogt, %parallel_loop3A_672, %parallel_loop3A_667 : vector<16xf32>
      %parallel_loop3A_674 = arith.constant 1.000000e+00 : f32
      %parallel_loop3A_675 = vector.broadcast %parallel_loop3A_674 : f32 to vector<16xf32>
      %parallel_loop3A_676 = arith.subf %parallel_loop3A_672, %parallel_loop3A_675 : vector<16xf32>
      %parallel_loop3A_677 = arith.maximumf %parallel_loop3A_667, %parallel_loop3A_676 : vector<16xf32>
      %parallel_loop3A_678 = vector.broadcast %parallel_loop3A_508 : i32 to vector<16xi32>
      %parallel_loop3A_679 = arith.andi %parallel_loop3A_668, %parallel_loop3A_678 : vector<16xi32>
      tpu.vector_store_idx %arg7[%parallel_loop3A_679], %parallel_loop3A_672 masked %parallel_loop3A_673 : memref<16384xf32, #tpu.memory_space<vmem>>[vector<16xi32>], vector<16xf32>, vector<16xi1>
      %parallel_loop3A_680 = arith.constant 16 : i32
      %parallel_loop3A_681 = arith.constant 0 : i32
      %parallel_loop3A_682 = vector.broadcast %parallel_loop3A_680 : i32 to vector<16xi32>
      %parallel_loop3A_683 = vector.broadcast %parallel_loop3A_681 : i32 to vector<16xi32>
      %parallel_loop3A_684 = arith.select %parallel_loop3A_673, %parallel_loop3A_682, %parallel_loop3A_683 : vector<16xi1>, vector<16xi32>
      %parallel_loop3A_685 = arith.addi %parallel_loop3A_668, %parallel_loop3A_684 : vector<16xi32>
      scf.yield %parallel_loop3A_677, %parallel_loop3A_685 : vector<16xf32>, vector<16xi32>
    } {sc.loop_unroll_factor = 16 : i64, sc.parallel_access}
    %sub3A_510 = arith.subi %parallel_loop3A_509#1, %iota3A : vector<16xi32>
    %jit3A_511 = arith.constant 16 : i32
    %div3A_512 = vector.broadcast %jit3A_511 : i32 to vector<16xi32>
    %div3A_513 = arith.divsi %sub3A_510, %div3A_512 : vector<16xi32>
    %sign3A_514 = arith.constant 0 : i32
    %sign3A_515 = vector.broadcast %sign3A_514 : i32 to vector<16xi32>
    %sign3A_516 = arith.cmpi sgt, %sub3A_510, %sign3A_515 : vector<16xi32>
    %sign3A_517 = arith.extui %sign3A_516 : vector<16xi1> to vector<16xi32>
    %sign3A_518 = arith.constant 0 : i32
    %sign3A_519 = vector.broadcast %sign3A_518 : i32 to vector<16xi32>
    %sign3A_520 = arith.cmpi slt, %sub3A_510, %sign3A_519 : vector<16xi32>
    %sign3A_521 = arith.extui %sign3A_520 : vector<16xi1> to vector<16xi32>
    %sign3A_522 = arith.subi %sign3A_517, %sign3A_521 : vector<16xi32>
    %sign3A_523 = arith.constant 0 : i32
    %sign3A_524 = arith.cmpi sgt, %jit3A_511, %sign3A_523 : i32
    %sign3A_525 = arith.extui %sign3A_524 : i1 to i32
    %sign3A_526 = arith.constant 0 : i32
    %sign3A_527 = arith.cmpi slt, %jit3A_511, %sign3A_526 : i32
    %sign3A_528 = arith.extui %sign3A_527 : i1 to i32
    %sign3A_529 = arith.subi %sign3A_525, %sign3A_528 : i32
    %ne3A_530 = vector.broadcast %sign3A_529 : i32 to vector<16xi32>
    %ne3A_531 = arith.cmpi ne, %sign3A_522, %ne3A_530 : vector<16xi32>
    %rem3A_532 = vector.broadcast %jit3A_511 : i32 to vector<16xi32>
    %rem3A_533 = arith.remsi %sub3A_510, %rem3A_532 : vector<16xi32>
    %ne3A_534 = arith.constant 0 : i32
    %ne3A_535 = vector.broadcast %ne3A_534 : i32 to vector<16xi32>
    %ne3A_536 = arith.cmpi ne, %rem3A_533, %ne3A_535 : vector<16xi32>
    %and3A_537 = arith.andi %ne3A_531, %ne3A_536 : vector<16xi1>
    %sub3A_538 = arith.constant 1 : i32
    %sub3A_539 = vector.broadcast %sub3A_538 : i32 to vector<16xi32>
    %sub3A_540 = arith.subi %div3A_513, %sub3A_539 : vector<16xi32>
    %select_n3A_541 = arith.select %and3A_537, %sub3A_540, %div3A_513 : vector<16xi1>, vector<16xi32>
    %reduce_max3A_542 = arith.constant true
    %reduce_max3A_543 = vector.broadcast %reduce_max3A_542 : i1 to vector<16xi1>
    %reduce_max3A_544 = arith.constant -2147483648 : i32
    %reduce_max3A_545 = vector.broadcast %reduce_max3A_544 : i32 to vector<16xi32>
    %reduce_max3A_546 = arith.xori %select_n3A_541, %reduce_max3A_545 : vector<16xi32>
    %reduce_max3A_547 = tpu.scan <max>, %reduce_max3A_546 masked %reduce_max3A_543 : vector<16xi32>, vector<16xi1> -> vector<16xi32>
    %reduce_max3A_548 = arith.xori %reduce_max3A_547, %reduce_max3A_545 : vector<16xi32>
    %reduce_max3A_549 = vector.extract %reduce_max3A_548[15] : i32 from vector<16xi32>
    %le3A_550 = arith.constant 1024 : i32
    %le3A_551 = arith.cmpi sle, %reduce_max3A_549, %le3A_550 : i32
    %reduce_max3A_552 = arith.constant true
    %reduce_max3A_553 = vector.broadcast %reduce_max3A_552 : i1 to vector<16xi1>
    %reduce_max3A_554 = tpu.scan <max>, %parallel_loop3A_509#0 masked %reduce_max3A_553 : vector<16xf32>, vector<16xi1> -> vector<16xf32>
    %reduce_max3A_555 = vector.extract %reduce_max3A_554[15] : f32 from vector<16xf32>
    %add3A_556 = arith.constant 1.000000e+00 : f32
    %add3A_557 = arith.addf %reduce_max3A_555, %add3A_556 : f32
    %sub3A_558 = arith.constant 1.000000e+00 : f32
    %sub3A_559 = arith.subf %add3A_557, %sub3A_558 : f32
    %jit3A_560 = arith.constant 0 : i32
    %select_n3A_561 = arith.select %le3A_551, %reduce_max3A_549, %jit3A_560 : i32
    %while3A_562 = arith.constant 2047 : i32
    %while3A_563 = arith.constant 0 : i32
    %while3A_564 = arith.subi %select_n3A_561, %while3A_563 : i32
    %while3A_565 = arith.addi %while3A_563, %while3A_564 : i32
    %while3A_566 = arith.constant 1 : i32
    %while3A_567 = arith.divsi %while3A_564, %while3A_566 : i32
    %while3A_568 = arith.muli %while3A_567, %while3A_566 : i32
    %while3A_569 = arith.addi %while3A_563, %while3A_568 : i32
    %while3A_570 = arith.constant 1 : i32
    %while3A_571:3 = scf.for %while3A_666 = %while3A_563 to %while3A_569 step %while3A_570 iter_args(%while3A_667 = %broadcast_in_dim3A_1, %while3A_668 = %broadcast_in_dim3A_1, %while3A_669 = %iota3A) -> (vector<16xf32>, vector<16xf32>, vector<16xi32>)  : i32 {
      %mul3A_670 = arith.constant 16 : i32
      %mul3A_671 = arith.muli %while3A_666, %mul3A_670 : i32
      %get3A = arith.index_cast %mul3A_671 : i32 to index
      %get3A_672 = tpu.vector_load %arg7[%get3A] {strides = array<i32>} : memref<16384xf32, #tpu.memory_space<vmem>>, vector<16xf32>,
      %gt3A = vector.broadcast %sub3A_559 : f32 to vector<16xf32>
      %gt3A_673 = arith.cmpf ogt, %get3A_672, %gt3A : vector<16xf32>
      %lt3A = vector.broadcast %while3A_666 : i32 to vector<16xi32>
      %lt3A_674 = arith.cmpi slt, %lt3A, %select_n3A_541 : vector<16xi32>
      %and3A_675 = arith.andi %gt3A_673, %lt3A_674 : vector<16xi1>
      %and3A_676 = vector.broadcast %while3A_562 : i32 to vector<16xi32>
      %and3A_677 = arith.andi %while3A_669, %and3A_676 : vector<16xi32>
      tpu.vector_store_idx %arg8[%and3A_677], %get3A_672 masked %and3A_675 : memref<2048xf32, #tpu.memory_space<vmem>>[vector<16xi32>], vector<16xf32>, vector<16xi1>
      %jit3A_678 = arith.constant 16 : i32
      %jit3A_679 = arith.constant 0 : i32
      %broadcast_in_dim3A_680 = vector.broadcast %jit3A_678 : i32 to vector<16xi32>
      %broadcast_in_dim3A_681 = vector.broadcast %jit3A_679 : i32 to vector<16xi32>
      %select_n3A_682 = arith.select %and3A_675, %broadcast_in_dim3A_680, %broadcast_in_dim3A_681 : vector<16xi1>, vector<16xi32>
      %add3A_683 = arith.addi %while3A_669, %select_n3A_682 : vector<16xi32>
      %jit3A_684 = arith.constant 0.000000e+00 : f32
      %broadcast_in_dim3A_685 = vector.broadcast %jit3A_684 : f32 to vector<16xf32>
      %select_n3A_686 = arith.select %and3A_675, %get3A_672, %broadcast_in_dim3A_685 : vector<16xi1>, vector<16xf32>
      %add3A_687 = arith.addf %while3A_667, %select_n3A_686 : vector<16xf32>
      %jit3A_688 = arith.constant 1.000000e+00 : f32
      %jit3A_689 = arith.constant 0.000000e+00 : f32
      %broadcast_in_dim3A_690 = vector.broadcast %jit3A_688 : f32 to vector<16xf32>
      %broadcast_in_dim3A_691 = vector.broadcast %jit3A_689 : f32 to vector<16xf32>
      %select_n3A_692 = arith.select %and3A_675, %broadcast_in_dim3A_690, %broadcast_in_dim3A_691 : vector<16xi1>, vector<16xf32>
      %add3A_693 = arith.addf %while3A_668, %select_n3A_692 : vector<16xf32>
      scf.yield %add3A_687, %add3A_693, %add3A_683 : vector<16xf32>, vector<16xf32>, vector<16xi32>
    }
    %while3A_572 = arith.constant 1 : i32
    %while3A_573:3 = scf.for %while3A_666 = %while3A_569 to %while3A_565 step %while3A_572 iter_args(%while3A_667 = %while3A_571#0, %while3A_668 = %while3A_571#1, %while3A_669 = %while3A_571#2) -> (vector<16xf32>, vector<16xf32>, vector<16xi32>)  : i32 {
      %mul3A_670 = arith.constant 16 : i32
      %mul3A_671 = arith.muli %while3A_666, %mul3A_670 : i32
      %get3A = arith.index_cast %mul3A_671 : i32 to index
      %get3A_672 = tpu.vector_load %arg7[%get3A] {strides = array<i32>} : memref<16384xf32, #tpu.memory_space<vmem>>, vector<16xf32>,
      %gt3A = vector.broadcast %sub3A_559 : f32 to vector<16xf32>
      %gt3A_673 = arith.cmpf ogt, %get3A_672, %gt3A : vector<16xf32>
      %lt3A = vector.broadcast %while3A_666 : i32 to vector<16xi32>
      %lt3A_674 = arith.cmpi slt, %lt3A, %select_n3A_541 : vector<16xi32>
      %and3A_675 = arith.andi %gt3A_673, %lt3A_674 : vector<16xi1>
      %and3A_676 = vector.broadcast %while3A_562 : i32 to vector<16xi32>
      %and3A_677 = arith.andi %while3A_669, %and3A_676 : vector<16xi32>
      tpu.vector_store_idx %arg8[%and3A_677], %get3A_672 masked %and3A_675 : memref<2048xf32, #tpu.memory_space<vmem>>[vector<16xi32>], vector<16xf32>, vector<16xi1>
      %jit3A_678 = arith.constant 16 : i32
      %jit3A_679 = arith.constant 0 : i32
      %broadcast_in_dim3A_680 = vector.broadcast %jit3A_678 : i32 to vector<16xi32>
      %broadcast_in_dim3A_681 = vector.broadcast %jit3A_679 : i32 to vector<16xi32>
      %select_n3A_682 = arith.select %and3A_675, %broadcast_in_dim3A_680, %broadcast_in_dim3A_681 : vector<16xi1>, vector<16xi32>
      %add3A_683 = arith.addi %while3A_669, %select_n3A_682 : vector<16xi32>
      %jit3A_684 = arith.constant 0.000000e+00 : f32
      %broadcast_in_dim3A_685 = vector.broadcast %jit3A_684 : f32 to vector<16xf32>
      %select_n3A_686 = arith.select %and3A_675, %get3A_672, %broadcast_in_dim3A_685 : vector<16xi1>, vector<16xf32>
      %add3A_687 = arith.addf %while3A_667, %select_n3A_686 : vector<16xf32>
      %jit3A_688 = arith.constant 1.000000e+00 : f32
      %jit3A_689 = arith.constant 0.000000e+00 : f32
      %broadcast_in_dim3A_690 = vector.broadcast %jit3A_688 : f32 to vector<16xf32>
      %broadcast_in_dim3A_691 = vector.broadcast %jit3A_689 : f32 to vector<16xf32>
      %select_n3A_692 = arith.select %and3A_675, %broadcast_in_dim3A_690, %broadcast_in_dim3A_691 : vector<16xi1>, vector<16xf32>
      %add3A_693 = arith.addf %while3A_668, %select_n3A_692 : vector<16xf32>
      scf.yield %add3A_687, %add3A_693, %add3A_683 : vector<16xf32>, vector<16xf32>, vector<16xi32>
    }
    %sub3A_574 = arith.subi %while3A_573#2, %iota3A : vector<16xi32>
    %jit3A_575 = arith.constant 16 : i32
    %div3A_576 = vector.broadcast %jit3A_575 : i32 to vector<16xi32>
    %div3A_577 = arith.divsi %sub3A_574, %div3A_576 : vector<16xi32>
    %sign3A_578 = arith.constant 0 : i32
    %sign3A_579 = vector.broadcast %sign3A_578 : i32 to vector<16xi32>
    %sign3A_580 = arith.cmpi sgt, %sub3A_574, %sign3A_579 : vector<16xi32>
    %sign3A_581 = arith.extui %sign3A_580 : vector<16xi1> to vector<16xi32>
    %sign3A_582 = arith.constant 0 : i32
    %sign3A_583 = vector.broadcast %sign3A_582 : i32 to vector<16xi32>
    %sign3A_584 = arith.cmpi slt, %sub3A_574, %sign3A_583 : vector<16xi32>
    %sign3A_585 = arith.extui %sign3A_584 : vector<16xi1> to vector<16xi32>
    %sign3A_586 = arith.subi %sign3A_581, %sign3A_585 : vector<16xi32>
    %sign3A_587 = arith.constant 0 : i32
    %sign3A_588 = arith.cmpi sgt, %jit3A_575, %sign3A_587 : i32
    %sign3A_589 = arith.extui %sign3A_588 : i1 to i32
    %sign3A_590 = arith.constant 0 : i32
    %sign3A_591 = arith.cmpi slt, %jit3A_575, %sign3A_590 : i32
    %sign3A_592 = arith.extui %sign3A_591 : i1 to i32
    %sign3A_593 = arith.subi %sign3A_589, %sign3A_592 : i32
    %ne3A_594 = vector.broadcast %sign3A_593 : i32 to vector<16xi32>
    %ne3A_595 = arith.cmpi ne, %sign3A_586, %ne3A_594 : vector<16xi32>
    %rem3A_596 = vector.broadcast %jit3A_575 : i32 to vector<16xi32>
    %rem3A_597 = arith.remsi %sub3A_574, %rem3A_596 : vector<16xi32>
    %ne3A_598 = arith.constant 0 : i32
    %ne3A_599 = vector.broadcast %ne3A_598 : i32 to vector<16xi32>
    %ne3A_600 = arith.cmpi ne, %rem3A_597, %ne3A_599 : vector<16xi32>
    %and3A_601 = arith.andi %ne3A_595, %ne3A_600 : vector<16xi1>
    %sub3A_602 = arith.constant 1 : i32
    %sub3A_603 = vector.broadcast %sub3A_602 : i32 to vector<16xi32>
    %sub3A_604 = arith.subi %div3A_577, %sub3A_603 : vector<16xi32>
    %select_n3A_605 = arith.select %and3A_601, %sub3A_604, %div3A_577 : vector<16xi1>, vector<16xi32>
    %reduce_max3A_606 = arith.constant true
    %reduce_max3A_607 = vector.broadcast %reduce_max3A_606 : i1 to vector<16xi1>
    %reduce_max3A_608 = arith.constant -2147483648 : i32
    %reduce_max3A_609 = vector.broadcast %reduce_max3A_608 : i32 to vector<16xi32>
    %reduce_max3A_610 = arith.xori %select_n3A_605, %reduce_max3A_609 : vector<16xi32>
    %reduce_max3A_611 = tpu.scan <max>, %reduce_max3A_610 masked %reduce_max3A_607 : vector<16xi32>, vector<16xi1> -> vector<16xi32>
    %reduce_max3A_612 = arith.xori %reduce_max3A_611, %reduce_max3A_609 : vector<16xi32>
    %reduce_max3A_613 = vector.extract %reduce_max3A_612[15] : i32 from vector<16xi32>
    %le3A_614 = arith.constant 128 : i32
    %le3A_615 = arith.cmpi sle, %reduce_max3A_613, %le3A_614 : i32
    %and3A_616 = arith.andi %le3A_551, %le3A_615 : i1
    %reduce_sum3A_617 = arith.constant true
    %reduce_sum3A_618 = vector.broadcast %reduce_sum3A_617 : i1 to vector<16xi1>
    %reduce_sum3A_619 = tpu.scan <sum>, %while3A_573#0 masked %reduce_sum3A_618 : vector<16xf32>, vector<16xi1> -> vector<16xf32>
    %reduce_sum3A_620 = vector.extract %reduce_sum3A_619[15] : f32 from vector<16xf32>
    %reduce_sum3A_621 = arith.constant true
    %reduce_sum3A_622 = vector.broadcast %reduce_sum3A_621 : i1 to vector<16xi1>
    %reduce_sum3A_623 = tpu.scan <sum>, %while3A_573#1 masked %reduce_sum3A_622 : vector<16xf32>, vector<16xi1> -> vector<16xf32>
    %reduce_sum3A_624 = vector.extract %reduce_sum3A_623[15] : f32 from vector<16xf32>
    %broadcast_in_dim3A_625 = vector.broadcast %reduce_sum3A_620 : f32 to vector<16xf32>
    %sub3A_626 = arith.constant 1.000000e+00 : f32
    %sub3A_627 = vector.broadcast %sub3A_626 : f32 to vector<16xf32>
    %sub3A_628 = arith.subf %broadcast_in_dim3A_625, %sub3A_627 : vector<16xf32>
    %broadcast_in_dim3A_629 = vector.broadcast %reduce_sum3A_624 : f32 to vector<16xf32>
    %div3A_630 = arith.divf %sub3A_628, %broadcast_in_dim3A_629 : vector<16xf32>
    %slice3A_631 = vector.extract_strided_slice %div3A_630 {offsets = [0], sizes = [1], strides = [1]} : vector<16xf32> to vector<1xf32>
    %squeeze3A_632 = vector.extract %slice3A_631[0] : f32 from vector<1xf32>
    %max3A_633 = arith.maximumf %sub3A_559, %squeeze3A_632 : f32
    %convert_element_type3A_634 = arith.extui %and3A_616 : i1 to i32
    %cond3A_635 = arith.constant 0 : i32
    %cond3A_636 = arith.constant 0 : i32
    %cond3A_637 = arith.cmpi ne, %convert_element_type3A_634, %cond3A_636 : i32
    %cond3A_638 = scf.if %cond3A_637 -> (f32) {
      %while3A_666:2 = scf.while (%while3A_667 = %sub3A_559, %while3A_668 = %max3A_633) : (f32, f32) -> (f32, f32) {
        %gt3A = arith.cmpf ogt, %while3A_668, %while3A_667 : f32
        scf.condition(%gt3A) %while3A_667, %while3A_668 : f32, f32
      } do {
      ^bb0(%while3A_667: f32, %while3A_668: f32):
        %while3A_669 = arith.constant 0 : i32
        %while3A_670 = arith.subi %reduce_max3A_613, %while3A_669 : i32
        %while3A_671 = arith.addi %while3A_669, %while3A_670 : i32
        %while3A_672 = arith.constant 1 : i32
        %while3A_673 = arith.divsi %while3A_670, %while3A_672 : i32
        %while3A_674 = arith.muli %while3A_673, %while3A_672 : i32
        %while3A_675 = arith.addi %while3A_669, %while3A_674 : i32
        %while3A_676 = arith.constant 1 : i32
        %while3A_677:2 = scf.for %while3A_697 = %while3A_669 to %while3A_675 step %while3A_676 iter_args(%while3A_698 = %broadcast_in_dim3A_1, %while3A_699 = %broadcast_in_dim3A_1) -> (vector<16xf32>, vector<16xf32>)  : i32 {
          %mul3A_700 = arith.constant 16 : i32
          %mul3A_701 = arith.muli %while3A_697, %mul3A_700 : i32
          %get3A = arith.index_cast %mul3A_701 : i32 to index
          %get3A_702 = tpu.vector_load %arg8[%get3A] {strides = array<i32>} : memref<2048xf32, #tpu.memory_space<vmem>>, vector<16xf32>,
          %gt3A = vector.broadcast %while3A_668 : f32 to vector<16xf32>
          %gt3A_703 = arith.cmpf ogt, %get3A_702, %gt3A : vector<16xf32>
          %lt3A = vector.broadcast %while3A_697 : i32 to vector<16xi32>
          %lt3A_704 = arith.cmpi slt, %lt3A, %select_n3A_605 : vector<16xi32>
          %and3A_705 = arith.andi %gt3A_703, %lt3A_704 : vector<16xi1>
          %jit3A_706 = arith.constant 0.000000e+00 : f32
          %broadcast_in_dim3A_707 = vector.broadcast %jit3A_706 : f32 to vector<16xf32>
          %select_n3A_708 = arith.select %and3A_705, %get3A_702, %broadcast_in_dim3A_707 : vector<16xi1>, vector<16xf32>
          %add3A_709 = arith.addf %while3A_698, %select_n3A_708 : vector<16xf32>
          %jit3A_710 = arith.constant 1.000000e+00 : f32
          %jit3A_711 = arith.constant 0.000000e+00 : f32
          %broadcast_in_dim3A_712 = vector.broadcast %jit3A_710 : f32 to vector<16xf32>
          %broadcast_in_dim3A_713 = vector.broadcast %jit3A_711 : f32 to vector<16xf32>
          %select_n3A_714 = arith.select %and3A_705, %broadcast_in_dim3A_712, %broadcast_in_dim3A_713 : vector<16xi1>, vector<16xf32>
          %add3A_715 = arith.addf %while3A_699, %select_n3A_714 : vector<16xf32>
          scf.yield %add3A_709, %add3A_715 : vector<16xf32>, vector<16xf32>
        }
        %while3A_678 = arith.constant 1 : i32
        %while3A_679:2 = scf.for %while3A_697 = %while3A_675 to %while3A_671 step %while3A_678 iter_args(%while3A_698 = %while3A_677#0, %while3A_699 = %while3A_677#1) -> (vector<16xf32>, vector<16xf32>)  : i32 {
          %mul3A_700 = arith.constant 16 : i32
          %mul3A_701 = arith.muli %while3A_697, %mul3A_700 : i32
          %get3A = arith.index_cast %mul3A_701 : i32 to index
          %get3A_702 = tpu.vector_load %arg8[%get3A] {strides = array<i32>} : memref<2048xf32, #tpu.memory_space<vmem>>, vector<16xf32>,
          %gt3A = vector.broadcast %while3A_668 : f32 to vector<16xf32>
          %gt3A_703 = arith.cmpf ogt, %get3A_702, %gt3A : vector<16xf32>
          %lt3A = vector.broadcast %while3A_697 : i32 to vector<16xi32>
          %lt3A_704 = arith.cmpi slt, %lt3A, %select_n3A_605 : vector<16xi32>
          %and3A_705 = arith.andi %gt3A_703, %lt3A_704 : vector<16xi1>
          %jit3A_706 = arith.constant 0.000000e+00 : f32
          %broadcast_in_dim3A_707 = vector.broadcast %jit3A_706 : f32 to vector<16xf32>
          %select_n3A_708 = arith.select %and3A_705, %get3A_702, %broadcast_in_dim3A_707 : vector<16xi1>, vector<16xf32>
          %add3A_709 = arith.addf %while3A_698, %select_n3A_708 : vector<16xf32>
          %jit3A_710 = arith.constant 1.000000e+00 : f32
          %jit3A_711 = arith.constant 0.000000e+00 : f32
          %broadcast_in_dim3A_712 = vector.broadcast %jit3A_710 : f32 to vector<16xf32>
          %broadcast_in_dim3A_713 = vector.broadcast %jit3A_711 : f32 to vector<16xf32>
          %select_n3A_714 = arith.select %and3A_705, %broadcast_in_dim3A_712, %broadcast_in_dim3A_713 : vector<16xi1>, vector<16xf32>
          %add3A_715 = arith.addf %while3A_699, %select_n3A_714 : vector<16xf32>
          scf.yield %add3A_709, %add3A_715 : vector<16xf32>, vector<16xf32>
        }
        %reduce_sum3A_680 = arith.constant true
        %reduce_sum3A_681 = vector.broadcast %reduce_sum3A_680 : i1 to vector<16xi1>
        %reduce_sum3A_682 = tpu.scan <sum>, %while3A_679#0 masked %reduce_sum3A_681 : vector<16xf32>, vector<16xi1> -> vector<16xf32>
        %reduce_sum3A_683 = vector.extract %reduce_sum3A_682[15] : f32 from vector<16xf32>
        %reduce_sum3A_684 = arith.constant true
        %reduce_sum3A_685 = vector.broadcast %reduce_sum3A_684 : i1 to vector<16xi1>
        %reduce_sum3A_686 = tpu.scan <sum>, %while3A_679#1 masked %reduce_sum3A_685 : vector<16xf32>, vector<16xi1> -> vector<16xf32>
        %reduce_sum3A_687 = vector.extract %reduce_sum3A_686[15] : f32 from vector<16xf32>
        %broadcast_in_dim3A_688 = vector.broadcast %reduce_sum3A_683 : f32 to vector<16xf32>
        %sub3A_689 = arith.constant 1.000000e+00 : f32
        %sub3A_690 = vector.broadcast %sub3A_689 : f32 to vector<16xf32>
        %sub3A_691 = arith.subf %broadcast_in_dim3A_688, %sub3A_690 : vector<16xf32>
        %broadcast_in_dim3A_692 = vector.broadcast %reduce_sum3A_687 : f32 to vector<16xf32>
        %div3A_693 = arith.divf %sub3A_691, %broadcast_in_dim3A_692 : vector<16xf32>
        %slice3A_694 = vector.extract_strided_slice %div3A_693 {offsets = [0], sizes = [1], strides = [1]} : vector<16xf32> to vector<1xf32>
        %squeeze3A_695 = vector.extract %slice3A_694[0] : f32 from vector<1xf32>
        %max3A_696 = arith.maximumf %while3A_668, %squeeze3A_695 : f32
        scf.yield %while3A_668, %max3A_696 : f32, f32
      }
      scf.yield %while3A_666#1 : f32
    } else {
      %sub3A_666 = arith.constant 1.000000e+00 : f32
      %sub3A_667 = arith.subf %sub3A_559, %sub3A_666 : f32
      %while3A_668:2 = scf.while (%while3A_669 = %sub3A_667, %while3A_670 = %sub3A_559) : (f32, f32) -> (f32, f32) {
        %gt3A = arith.cmpf ogt, %while3A_670, %while3A_669 : f32
        scf.condition(%gt3A) %while3A_669, %while3A_670 : f32, f32
      } do {
      ^bb0(%while3A_669: f32, %while3A_670: f32):
        %scan3A = arith.constant 0 : i32
        %scan3A_671 = arith.constant 2048 : i32
        %scan3A_672 = arith.addi %scan3A, %scan3A_671 : i32
        %scan3A_673 = arith.constant 1 : i32
        %scan3A_674:2 = scf.for %scan3A_693 = %scan3A to %scan3A_672 step %scan3A_673 iter_args(%scan3A_694 = %broadcast_in_dim3A_1, %scan3A_695 = %broadcast_in_dim3A_1) -> (vector<16xf32>, vector<16xf32>)  : i32 {
          %mul3A_696 = arith.constant 16 : i32
          %mul3A_697 = arith.muli %scan3A_693, %mul3A_696 : i32
          %get3A = arith.index_cast %mul3A_697 : i32 to index
          %get3A_698 = tpu.vector_load %arg4[%get3A] {strides = array<i32>} : memref<32768xf32, #tpu.memory_space<vmem>>, vector<16xf32>,
          %gt3A = vector.broadcast %while3A_670 : f32 to vector<16xf32>
          %gt3A_699 = arith.cmpf ogt, %get3A_698, %gt3A : vector<16xf32>
          %jit3A_700 = arith.constant 0.000000e+00 : f32
          %broadcast_in_dim3A_701 = vector.broadcast %jit3A_700 : f32 to vector<16xf32>
          %select_n3A_702 = arith.select %gt3A_699, %get3A_698, %broadcast_in_dim3A_701 : vector<16xi1>, vector<16xf32>
          %add3A_703 = arith.addf %scan3A_694, %select_n3A_702 : vector<16xf32>
          %jit3A_704 = arith.constant 1.000000e+00 : f32
          %jit3A_705 = arith.constant 0.000000e+00 : f32
          %broadcast_in_dim3A_706 = vector.broadcast %jit3A_704 : f32 to vector<16xf32>
          %broadcast_in_dim3A_707 = vector.broadcast %jit3A_705 : f32 to vector<16xf32>
          %select_n3A_708 = arith.select %gt3A_699, %broadcast_in_dim3A_706, %broadcast_in_dim3A_707 : vector<16xi1>, vector<16xf32>
          %add3A_709 = arith.addf %scan3A_695, %select_n3A_708 : vector<16xf32>
          scf.yield %add3A_703, %add3A_709 : vector<16xf32>, vector<16xf32>
        }
        %scan3A_675 = arith.constant 2048 : i32
        %reduce_sum3A_676 = arith.constant true
        %reduce_sum3A_677 = vector.broadcast %reduce_sum3A_676 : i1 to vector<16xi1>
        %reduce_sum3A_678 = tpu.scan <sum>, %scan3A_674#0 masked %reduce_sum3A_677 : vector<16xf32>, vector<16xi1> -> vector<16xf32>
        %reduce_sum3A_679 = vector.extract %reduce_sum3A_678[15] : f32 from vector<16xf32>
        %reduce_sum3A_680 = arith.constant true
        %reduce_sum3A_681 = vector.broadcast %reduce_sum3A_680 : i1 to vector<16xi1>
        %reduce_sum3A_682 = tpu.scan <sum>, %scan3A_674#1 masked %reduce_sum3A_681 : vector<16xf32>, vector<16xi1> -> vector<16xf32>
        %reduce_sum3A_683 = vector.extract %reduce_sum3A_682[15] : f32 from vector<16xf32>
        %broadcast_in_dim3A_684 = vector.broadcast %reduce_sum3A_679 : f32 to vector<16xf32>
        %sub3A_685 = arith.constant 1.000000e+00 : f32
        %sub3A_686 = vector.broadcast %sub3A_685 : f32 to vector<16xf32>
        %sub3A_687 = arith.subf %broadcast_in_dim3A_684, %sub3A_686 : vector<16xf32>
        %broadcast_in_dim3A_688 = vector.broadcast %reduce_sum3A_683 : f32 to vector<16xf32>
        %div3A_689 = arith.divf %sub3A_687, %broadcast_in_dim3A_688 : vector<16xf32>
        %slice3A_690 = vector.extract_strided_slice %div3A_689 {offsets = [0], sizes = [1], strides = [1]} : vector<16xf32> to vector<1xf32>
        %squeeze3A_691 = vector.extract %slice3A_690[0] : f32 from vector<1xf32>
        %max3A_692 = arith.maximumf %while3A_670, %squeeze3A_691 : f32
        scf.yield %while3A_670, %max3A_692 : f32, f32
      }
      scf.yield %while3A_668#1 : f32
    }
    %parallel_loop3A_639 = arith.constant 0 : i32
    %parallel_loop3A_640 = arith.constant 2048 : i32
    %parallel_loop3A_641 = arith.constant 1 : i32
    scf.for %parallel_loop3A_666 = %parallel_loop3A_639 to %parallel_loop3A_640 step %parallel_loop3A_641  : i32 {
      %parallel_loop3A_667 = arith.constant 16 : i32
      %parallel_loop3A_668 = arith.muli %parallel_loop3A_666, %parallel_loop3A_667 : i32
      %parallel_loop3A_669 = arith.index_cast %parallel_loop3A_668 : i32 to index
      %parallel_loop3A_670 = tpu.vector_load %arg4[%parallel_loop3A_669] {strides = array<i32>} : memref<32768xf32, #tpu.memory_space<vmem>>, vector<16xf32>,
      %parallel_loop3A_671 = vector.broadcast %cond3A_638 : f32 to vector<16xf32>
      %parallel_loop3A_672 = arith.subf %parallel_loop3A_670, %parallel_loop3A_671 : vector<16xf32>
      %parallel_loop3A_673 = arith.constant 0.000000e+00 : f32
      %parallel_loop3A_674 = vector.broadcast %parallel_loop3A_673 : f32 to vector<16xf32>
      %parallel_loop3A_675 = arith.maximumf %parallel_loop3A_672, %parallel_loop3A_674 : vector<16xf32>
      %parallel_loop3A_676 = arith.constant 16 : i32
      %parallel_loop3A_677 = arith.muli %parallel_loop3A_666, %parallel_loop3A_676 : i32
      %parallel_loop3A_678 = arith.index_cast %parallel_loop3A_677 : i32 to index
      %parallel_loop3A_679 = tpu.vector_load %arg4[%parallel_loop3A_678] {strides = array<i32>} : memref<32768xf32, #tpu.memory_space<vmem>>, vector<16xf32>,
      tpu.vector_store %arg4[%parallel_loop3A_678], %parallel_loop3A_675 {strides = array<i32>} : memref<32768xf32, #tpu.memory_space<vmem>>, vector<16xf32>,
    } {sc.loop_unroll_factor = 16 : i64, sc.parallel_access}
    %dma_start3A_642 = arith.constant 0 : i32
    %dma_start3A_643 = tpu.memref_slice %arg3[%add3A_496, %dma_start3A_642] : memref<128x32768xf32, #tpu.memory_space<hbm>> -> memref<1x32768xf32, #tpu.memory_space<hbm>>
    %dma_start3A_644 = tpu.memref_squeeze %dma_start3A_643 : memref<1x32768xf32, #tpu.memory_space<hbm>> -> memref<32768xf32, #tpu.memory_space<hbm>>
    %dma_start3A_645 = arith.constant 0 : i32
    %dma_start3A_646 = tpu.memref_slice %arg3[%add3A_496, %dma_start3A_645] : memref<128x32768xf32, #tpu.memory_space<hbm>> -> memref<1x32768xf32, #tpu.memory_space<hbm>>
    %dma_start3A_647 = tpu.memref_squeeze %dma_start3A_646 : memref<1x32768xf32, #tpu.memory_space<hbm>> -> memref<32768xf32, #tpu.memory_space<hbm>>
    tpu.enqueue_dma source(%arg4 : memref<32768xf32, #tpu.memory_space<vmem>>) target(%dma_start3A_647 : memref<32768xf32, #tpu.memory_space<hbm>>) target_semaphore(%arg12 : memref<!tpu.dma_semaphore, #tpu.memory_space<semaphore_mem>>)
    %dma_wait3A_648 = arith.constant 0 : i32
    %dma_wait3A_649 = tpu.memref_slice %arg3[%add3A_170, %dma_wait3A_648] : memref<128x32768xf32, #tpu.memory_space<hbm>> -> memref<1x32768xf32, #tpu.memory_space<hbm>>
    %dma_wait3A_650 = tpu.memref_squeeze %dma_wait3A_649 : memref<1x32768xf32, #tpu.memory_space<hbm>> -> memref<32768xf32, #tpu.memory_space<hbm>>
    %dma_wait3A_651 = arith.constant 0 : i32
    %dma_wait3A_652 = tpu.memref_slice %arg3[%add3A_170, %dma_wait3A_651] : memref<128x32768xf32, #tpu.memory_space<hbm>> -> memref<1x32768xf32, #tpu.memory_space<hbm>>
    %dma_wait3A_653 = tpu.memref_squeeze %dma_wait3A_652 : memref<1x32768xf32, #tpu.memory_space<hbm>> -> memref<32768xf32, #tpu.memory_space<hbm>>
    tpu.wait_dma2 semaphore(%arg13 : memref<!tpu.dma_semaphore, #tpu.memory_space<semaphore_mem>>) src(%arg5 : memref<32768xf32, #tpu.memory_space<vmem>>) dst(%dma_wait3A_653 : memref<32768xf32, #tpu.memory_space<hbm>>)
    %dma_wait3A_654 = arith.constant 0 : i32
    %dma_wait3A_655 = tpu.memref_slice %arg3[%add3A_341, %dma_wait3A_654] : memref<128x32768xf32, #tpu.memory_space<hbm>> -> memref<1x32768xf32, #tpu.memory_space<hbm>>
    %dma_wait3A_656 = tpu.memref_squeeze %dma_wait3A_655 : memref<1x32768xf32, #tpu.memory_space<hbm>> -> memref<32768xf32, #tpu.memory_space<hbm>>
    %dma_wait3A_657 = arith.constant 0 : i32
    %dma_wait3A_658 = tpu.memref_slice %arg3[%add3A_341, %dma_wait3A_657] : memref<128x32768xf32, #tpu.memory_space<hbm>> -> memref<1x32768xf32, #tpu.memory_space<hbm>>
    %dma_wait3A_659 = tpu.memref_squeeze %dma_wait3A_658 : memref<1x32768xf32, #tpu.memory_space<hbm>> -> memref<32768xf32, #tpu.memory_space<hbm>>
    tpu.wait_dma2 semaphore(%arg14 : memref<!tpu.dma_semaphore, #tpu.memory_space<semaphore_mem>>) src(%arg6 : memref<32768xf32, #tpu.memory_space<vmem>>) dst(%dma_wait3A_659 : memref<32768xf32, #tpu.memory_space<hbm>>)
    %dma_wait3A_660 = arith.constant 0 : i32
    %dma_wait3A_661 = tpu.memref_slice %arg3[%add3A_496, %dma_wait3A_660] : memref<128x32768xf32, #tpu.memory_space<hbm>> -> memref<1x32768xf32, #tpu.memory_space<hbm>>
    %dma_wait3A_662 = tpu.memref_squeeze %dma_wait3A_661 : memref<1x32768xf32, #tpu.memory_space<hbm>> -> memref<32768xf32, #tpu.memory_space<hbm>>
    %dma_wait3A_663 = arith.constant 0 : i32
    %dma_wait3A_664 = tpu.memref_slice %arg3[%add3A_496, %dma_wait3A_663] : memref<128x32768xf32, #tpu.memory_space<hbm>> -> memref<1x32768xf32, #tpu.memory_space<hbm>>
    %dma_wait3A_665 = tpu.memref_squeeze %dma_wait3A_664 : memref<1x32768xf32, #tpu.memory_space<hbm>> -> memref<32768xf32, #tpu.memory_space<hbm>>
    tpu.wait_dma2 semaphore(%arg12 : memref<!tpu.dma_semaphore, #tpu.memory_space<semaphore_mem>>) src(%arg4 : memref<32768xf32, #tpu.memory_space<vmem>>) dst(%dma_wait3A_665 : memref<32768xf32, #tpu.memory_space<hbm>>)
    return
  }
}

</mosaic_0001>

<sc_bundles>
// kernel: kernel.3.cloned.1.call-start
scs
__scs_entry_jumppad:
0x0: {  	(pc) =	sbr.rel $0x88, $3  }
0x1: {  	(tag) =	ssettag $0x0;
	lr =	simm.s32 $0x1  }
0x2: {  	[smem:$0x3FA0] =	sst lr;
	_ =	strace $0xD0000000  }
0x3: {  	_ = 	snop  }
0x4: {  	_ = 	snop  }
0x5: {  	_ = 	snop  }
0x6: {  	_ = 	snop  }
0x7: {  	_ = 	snop  }
__scs_overlays_trampoline_lowered:
0x8: {  	[smem:$0x3FAF] =	sst s0  }
0x9: {  	[smem:$0x3FB0] =	sst s1  }
0xa: {  	[smem:$0x3FB1] =	sst s2  }
0xb: {  	[smem:$0x3FB2] =	sst s3  }
0xc: {  	[smem:$0x3FB3] =	sst s4  }
0xd: {  	[smem:$0x3FB4] =	sst s5  }
0xe: {  	[smem:$0x3FB5] =	sst s6  }
0xf: {  	[smem:$0x3FB6] =	sst s7  }
0x10: {  	[smem:$0x3FB7] =	sst s8  }
0x11: {  	[smem:$0x3FB8] =	sst s9;
	s0 =	simm.s32 @!p0 $0x0  }
0x12: {  	s1 =	sld [smem:$0x3F9E];
	s0 =	simm.s32 @p0 $0x1  }
0x13: {  	[smem:$0x3FB9] =	sst s0;
	s0 =	simm.s32 @!p1 $0x0  }
0x14: {  	s2 =	sld [smem:$0x3F9D];
	s0 =	simm.s32 @p1 $0x1  }
0x15: {  	[smem:$0x3FBA] =	sst s0;
	s0 =	simm.s32 @!p2 $0x0  }
0x16: {  	s3 =	sld [smem:$0x3FDB];
	s0 =	simm.s32 @p2 $0x1  }
0x17: {  	s4 =	simm.s32 $0x1BF5;
	[smem:$0x3FBC] =	sst s0  }
0x18: {  	s0 =	sld [smem:$0x3F9F];
	_ =	swait.ge [sflag:s4], $0x0  }
0x19: {  	s7 =	sld [smem:$0x3FA0]  }
0x1a: {  	s8 =	sadd.s32 $0xFFFFE003, lr  }
0x1b: {  	s9 =	sadd.s32 $0xFFFFFEF7, lr;
	s5 =	simm.s32 $0xFFFFFFFF;
	p2 =	slt.u32 s8, $0xFFFFF086  }
0x1c: {  	p1 =	slt.u32 s9, $0xF7A;
	s5 =	simm.s32 @!p2 $0x0  }
0x1d: {  	s5 =	simm.s32 @p1 $0x1;
	p0 =	seq.s32 s7, s2  }
0x1e: {  	s7 =	smul.u32 @!p0 $0xF7A, s2;
	p2 =	seq.s32 @!p0 s5, $0x0  }
0x1f: {  	s9 =	smul.u32 $0xF7A, s1;
	s8 =	simm.s32 @!p0 $0x1BF5;
	p2 =	por !p2, p0  }
0x20: {  	[sflag:s8] =	ssyncset.s32 @!p0 $0xFFFFF086;
	s6 =	sadd.s32 @!p0 s3, s7;
	s7 =	simm.s32 @!p0 $0x108  }
0x21: {  	s3 =	sadd.s32 s3, s9;
	s6 =	sadd.s32 @!p0 $0x88, s6;
	s7 =	simm.s32 @p2 $0x1082  }
0x22: {  	[simem:s7], [sflag:s8] =	dma.local @!p0 [hbm:s6], $0xF7A  }
0x23: {  	s9 =	sor.u32 $0xD0000000, s2;
	s6 =	simm.s32 $0x108;
	_ =	swait.ge @!p0 [sflag:s8], $0x0  }
0x24: {  	s3 =	sadd.s32 $0x88, s3;
	s6 =	simm.s32 @!p1 $0x1082;
	[sflag:s4] =	ssyncset.s32 $0xFFFFF086  }
0x25: {  	[simem:s6], [sflag:s4] =	dma.local [hbm:s3], $0xF7A  }
0x26: {  	[smem:$0x3FA0] =	sst s1;
	(tag) =	ssettag s2;
	_ =	strace s9  }
0x27: {  	s1 =	sld [smem:$0x3FB0]  }
0x28: {  	s2 =	sld [smem:$0x3FB1]  }
0x29: {  	s4 =	sld [smem:$0x3FB3]  }
0x2a: {  	p0 =	seq.s32 s5, $0x0;
	s5 =	sld [smem:$0x3FB4]  }
0x2b: {  	s6 =	sld [smem:$0x3FB5]  }
0x2c: {  	s7 =	sld [smem:$0x3FB6]  }
0x2d: {  	s3 =	simm.s32 $0x108;
	s8 =	sld [smem:$0x3FB7]  }
0x2e: {  	s3 =	simm.s32 @!p0 $0x1082;
	s9 =	sld [smem:$0x3FB8]  }
0x2f: {  	lr =	sadd.s32 s0, s3;
	s0 =	sld [smem:$0x3FAF]  }
0x30: {  	s3 =	sld [smem:$0x3FB2]  }
0x31: {  	[smem:$0x3FBB] =	sst s10  }
0x32: {  	s10 =	sld [smem:$0x3FB9];
	_ =	sdelay $0x3  }
0x33: {  	p0 =	seq.s32 s10, $0x1;
	s10 =	sld [smem:$0x3FBB];
	_ =	sdelay $0x3  }
0x34: {  	[smem:$0x3FBB] =	sst s10  }
0x35: {  	s10 =	sld [smem:$0x3FBA];
	_ =	sdelay $0x3  }
0x36: {  	p1 =	seq.s32 s10, $0x1;
	s10 =	sld [smem:$0x3FBB];
	_ =	sdelay $0x3  }
0x37: {  	[smem:$0x3FBB] =	sst s10  }
0x38: {  	s10 =	sld [smem:$0x3FBC]  }
0x39: {  	_ = 	snop;
	(pc) =	sbr.ind lr, $3  }
0x3a: {  	_ = 	snop  }
0x3b: {  	_ = 	snop  }
0x3c: {  	p2 =	seq.s32 s10, $0x1;
	s10 =	sld [smem:$0x3FBB]  }
0x3d: {  	_ =	shalt  }
0x3e: {  	_ =	shalt  }
0x3f: {  	_ =	shalt  }
0x40: {  	_ =	shalt  }
0x41: {  	_ =	shalt  }
0x42: {  	_ =	shalt  }
0x43: {  	_ =	shalt  }
0x44: {  	_ =	shalt  }
0x45: {  	_ =	shalt  }
0x46: {  	_ =	shalt  }
0x47: {  	_ =	shalt  }
0x48: {  	_ =	shalt  }
0x49: {  	_ =	shalt  }
0x4a: {  	_ =	shalt  }
0x4b: {  	_ =	shalt  }
0x4c: {  	_ =	shalt  }
0x4d: {  	_ =	shalt  }
0x4e: {  	_ =	shalt  }
0x4f: {  	_ =	shalt  }
0x50: {  	_ =	shalt  }
0x51: {  	_ =	shalt  }
0x52: {  	_ =	shalt  }
0x53: {  	_ =	shalt  }
0x54: {  	_ =	shalt  }
0x55: {  	_ =	shalt  }
0x56: {  	_ =	shalt  }
0x57: {  	_ =	shalt  }
0x58: {  	_ =	shalt  }
0x59: {  	_ =	shalt  }
0x5a: {  	_ =	shalt  }
0x5b: {  	_ =	shalt  }
0x5c: {  	_ =	shalt  }
0x5d: {  	_ =	shalt  }
0x5e: {  	_ =	shalt  }
0x5f: {  	_ =	shalt  }
0x60: {  	_ =	shalt  }
0x61: {  	_ =	shalt  }
0x62: {  	_ =	shalt  }
0x63: {  	_ =	shalt  }
0x64: {  	_ =	shalt  }
0x65: {  	_ =	shalt  }
0x66: {  	_ =	shalt  }
0x67: {  	_ =	shalt  }
0x68: {  	_ =	shalt  }
0x69: {  	_ =	shalt  }
0x6a: {  	_ =	shalt  }
0x6b: {  	_ =	shalt  }
0x6c: {  	_ =	shalt  }
0x6d: {  	_ =	shalt  }
0x6e: {  	_ =	shalt  }
0x6f: {  	_ =	shalt  }
0x70: {  	_ =	shalt  }
0x71: {  	_ =	shalt  }
0x72: {  	_ =	shalt  }
0x73: {  	_ =	shalt  }
0x74: {  	_ =	shalt  }
0x75: {  	_ =	shalt  }
0x76: {  	_ =	shalt  }
0x77: {  	_ =	shalt  }
0x78: {  	_ =	shalt  }
0x79: {  	_ =	shalt  }
0x7a: {  	_ =	shalt  }
0x7b: {  	_ =	shalt  }
0x7c: {  	_ =	shalt  }
0x7d: {  	_ =	shalt  }
0x7e: {  	_ =	shalt  }
0x7f: {  	_ =	shalt  }
0x80: {  	_ =	shalt  }
0x81: {  	_ =	shalt  }
0x82: {  	_ =	shalt  }
0x83: {  	_ =	shalt  }
0x84: {  	_ =	shalt  }
0x85: {  	_ =	shalt  }
0x86: {  	_ =	shalt  }
0x87: {  	_ =	shalt  }
.Lfunc_end0:
.L_simem_size_0:
called_computation_lowered:
.L_overlay_start_0:
0x88: {  	s2 =	sld [smem:$0x3FD9]  }
0x89: {  	s3 =	sld [smem:$0x3FFE];
	_ =	sdelay $0x1  }
0x8a: {  	s1 =	srdreg.scid  }
0x8b: {  	s0 =	sand.u32 $0x1, s1  }
0x8c: {  	s18 =	sshll.u32 s0, $0xA;
	s2 =	sadd.s32 s3, s2  }
0x8d: {  	s2 =	sadd.s32 s2, s18  }
0x8e: {  	[smem:$0x3FC7] =	sst s2  }
0x8f: {  	_ = 	snop  }
0x90: {  	s2 =	sld [smem:$0x3FC9]  }
0x91: {  	s19 =	sld [smem:$0x3FD0];
	(tm) =	ssettm $0x1  }
0x92: {  	s4 =	sld [smem:$0x3FFB];
	_ =	sdelay $0x3  }
0x93: {  	_ =	strace s4  }
0x94: {  	s4 =	sld [smem:$0x3FFC];
	_ =	sdelay $0x3  }
0x95: {  	_ =	strace s4  }
0x96: {  	s4 =	sld [smem:$0x3FFD];
	_ =	sdelay $0x3  }
0x97: {  	_ =	strace s4  }
0x98: {  	_ =	strace $0x8FFFFFFF  }
0x99: {  	s20 =	sld [smem:$0x3FDB];
	_ =	sdelay $0x1  }
0x9a: {  	s5 =	simm.s32 $_scs_section_size  }
0x9b: {  	s6 =	simm.s32 $_size__tile_overlayer_lowered;
	s7 =	simm.s32 $_tile_overlayer_lowered  }
0x9c: {  	s23 =	simm.s32 $0x1BFF;
	s22 =	sshll.u32 s7, $0x1;
	s4 =	sadd.s32 s5, s20  }
0x9d: {  	s8 =	simm.s32 $0x0;
	s21 =	sshll.u32 s6, $0x1;
	s6 =	sadd.s32 s22, s4  }
0x9e: {  	[timem:s8], [sflag:s23] =	dma.local [hbm:s6], s21  }
0x9f: {  	_ =	swait.ge [sflag:s23], s21  }
0xa0: {  	s5 =	ssub.s32 $0x0, s21;
	[sflag:s23] =	ssyncset.done $0x0  }
0xa1: {  	[sflag:s23] =	ssyncadd.s32 s5;
	_ =	sdelay $0x1  }
0xa2: {  	s24 =	simm.s32 $0x1B8B  }
0xa3: {  	_ =	swait.ge [sflag:s24], $0x1  }
0xa4: {  	[sflag:s24] =	ssyncset.done $0x0  }
0xa5: {  	s25 =	simm.s32 $0x1B8E;
	[sflag:s24] =	ssyncadd.s32 $0xFFFFFFFF  }
0xa6: {  	s26 =	simm.s32 $execute0_lowered;
	[smem:$0x3FD2] =	sst s25  }
0xa7: {  	s5 =	sshll.u32 s26, $0x1;
	_ =	strace $0x80000046;
	[dreg:$0x1] =	wrdreg $0xFFFFFFFF  }
0xa8: {  	s28 =	simm.s32 $_size_execute0_lowered;
	s4 =	sadd.s32 s4, s5;
	[dreg:$0x0] =	wrdreg $0x0  }
0xa9: {  	s5 =	sshll.u32 s28, $0x1;
	[dreg:$0x2] =	wrdreg s4  }
0xaa: {  	[dreg:$0x3] =	wrdreg s5  }
0xab: {  	[dreg:$0x4] =	wrdreg $0xC0  }
0xac: {  	_ =	task [dreg:s8], $0x5FFFF  }
0xad: {  	[dreg:$0x1] =	wrdreg $0xFFFFFFFF  }
0xae: {  	[dreg:$0x0] =	wrdreg $0x60  }
0xaf: {  	[dreg:$0x2] =	wrdreg s2  }
0xb0: {  	[dreg:$0x3] =	wrdreg s19  }
0xb1: {  	[dreg:$0x4] =	wrdreg $0x9  }
0xb2: {  	_ =	task.clear_ibuf [dreg:s8], $0x5FFFF;
	_ =	strace $0x90000046  }
0xb3: {  	s29 =	simm.s32 $0x9;
	_ =	strace $0x80000048  }
0xb4: {  	_ =	swait.ge [sflag:s29], $0x1  }
0xb5: {  	[sflag:s29] =	ssyncadd.s32 $0xFFFFFFFF  }
0xb6: {  	_ =	strace $0x90000048  }
0xb7: {  	_ =	sfence  }
0xb8: {  	s30 =	sld [smem:$0x0];
	_ =	sdelay $0x2  }
0xb9: {  	s31 =	sshll.u32 s1, $0xD;
	s1 =	sshrl.u32 s1, $0x2  }
0xba: {  	s3 =	sand.u32 $0x4000, s31;
	s1 =	sadd.s32 s1, s30  }
0xbb: {  	s0 =	sor.u32 s3, s0;
	s1 =	sshll.u32 s1, $0x11  }
0xbc: {  	s0 =	sor.u32 s1, s0  }
0xbd: {  	s0 =	sadd.s32 $0x8F2B, s0  }
0xbe: {  	[sflag:s0] =	ssyncadd.remote.s32 $0x1  }
0xbf: {  	_ =	sfence.sel $0xFFFF  }
0xc0: {  	[dreg:$0x0] =	wrdreg $0xFFFFFFFF;
	(pc) =	sbr.abs _section_cstart, $3  }
0xc1: {  	[dreg:$0x1] =	wrdreg $0xFFFFFFFF  }
0xc2: {  	_ =	task.clear_ibuf [dreg:s8], $0x2FFFF;
	_ =	strace $0x9FFFFFFF  }
0xc3: {  	(tm) =	ssettm $0x7FFFFFFF  }
tec
execute0_lowered:
.L_overlay_start_1:
0x0: {  	(tag) =	ssettag $0x1  }
0x1: {  	s7 =	rddreg [dreg:$0x0]  }
0x2: {  	s10 =	rddreg [dreg:$0x1]  }
0x3: {  	s0 =	rddreg [dreg:$0x2];
	s3 =	srdreg.scid  }
0x4: {  	s2 =	simm.s32 $0x0;
	s1 =	stileid.u32;
	s14 =	simm.s32 $0x10000  }
0x5: {  	s15 =	simm.s32 $0x1;
	s16 =	simm.s32 $0x18000;
	s17 =	simm.s32 $0x1C000  }
0x6: {  	s18 =	simm.s32 $0x80;
	s19 =	simm.s32 $0x2;
	s20 =	simm.s32 $0x4  }
0x7: {  	s21 =	simm.s32 $0x3;
	s22 =	simm.s32 $0x5;
	s23 =	simm.s32 $0x6  }
0x8: {  	s24 =	simm.s32 $0x0;
	s3 =	sand.u32 $0x1, s3;
	s5 =	sshll.u32 s1, $0xF  }
0x9: {  	[smem:$0x7FF] =	sst s2;
	s4 =	ssub.s32 $0x2, s3;
	s3 =	sshll.u32 s3, $0x6  }
0xa: {  	_ =	strace $0x80000047;
	s6 =	sshrl.u32 s4, $0x1;
	s8 =	sor.u32 s3, s5  }
0xb: {  	s11 =	ssub.s32 s4, s6;
	s9 =	sor.u32 $0x10, s8;
	s3 =	sadd.s32 s7, s8  }
0xc: {  	s12 =	sor.u32 $0x20, s8;
	s6 =	sadd.s32 s10, s8;
	s13 =	sor.u32 $0x30, s8  }
0xd: {  	s4 =	sadd.s32 s7, s9;
	s5 =	sadd.s32 s7, s12;
	s7 =	sadd.s32 s7, s13  }
0xe: {  	v0 =	vlaneseq.u32;
	s8 =	sadd.s32 s10, s9;
	s9 =	sadd.s32 s10, s12;
	s10 =	sadd.s32 s10, s13  }
0xf: {  	v1 =	vimm.s32 $0x0;
	v3 =	vimm.f32 $0.0e+00;
	v2 =	vmul.u32 $0xFFFFFFFF, v0;
	s11 =	smax.u32 s11, $0x1;
	s12 =	simm.s32 $0x400;
	s13 =	simm.s32 $0x8000  }
.LBB2_1:
0x10: {  	[tilespmem:s2], [sflag:$0x1] =	stream.strided.gather [hbm4b:s3+s18], $0x8000, s12, s18, $0x38;
	[tilespmem:$0x1C800] =	vst v63  }
0x11: {  	_ = 	snop  }
0x12: {  	[tilespmem:s13], [sflag:$0x2] =	stream.strided.gather [hbm4b:s4+s18], $0x8000, s12, s18, $0x38;
	[tilespmem:$0x1C800] =	vst v63  }
0x13: {  	_ = 	snop  }
0x14: {  	[tilespmem:s14], [sflag:$0x3] =	stream.strided.gather [hbm4b:s5+s18], $0x8000, s12, s18, $0x38;
	[tilespmem:$0x1C800] =	vst v63  }
0x15: {  	_ =	swait.ge [sflag:s15], $0x8000  }
0x16: {  	[sflag:s15] =	ssyncset.done $0x0  }
0x17: {  	[sflag:s15] =	ssyncadd.s32 $0xFFFF8000  }
0x18: {  	v21 =	vld [tilespmem:s18+$0xFFFFFF80]  }
0x19: {  	v8 =	vld [tilespmem:s18+$0x20]  }
0x1a: {  	v5 =	vld [tilespmem:s18+$0x50]  }
0x1b: {  	v4 =	vld [tilespmem:s18+$0x30]  }
0x1c: {  	v6 =	vld [tilespmem:s18+$0x40]  }
0x1d: {  	v7 =	vld [tilespmem:s18+$0x0]  }
0x1e: {  	v11 =	vld [tilespmem:s18+$0xFFFFFFE0]  }
0x1f: {  	v13 =	vld [tilespmem:s18+$0xFFFFFFF0]  }
0x20: {  	v9 =	vld [tilespmem:s18+$0xFFFFFFC0]  }
0x21: {  	v14 =	vld [tilespmem:s18+$0xFFFFFFB0]  }
0x22: {  	v23 =	vld [tilespmem:s18+$0xFFFFFF90]  }
0x23: {  	v24 =	vld [tilespmem:s18+$0xFFFFFFA0];
	v12 =	vadd.f32 $-1.000000000e+00, v21;
	v25 =	vadd.f32 $-1.000000000e+00, v6  }
0x24: {  	v16 =	vld [tilespmem:s18+$0xFFFFFFD0];
	v26 =	vadd.f32 $-1.000000000e+00, v5;
	v22 =	vadd.f32 $-1.000000000e+00, v7  }
0x25: {  	v18 =	vadd.f32 $-1.000000000e+00, v9;
	v20 =	vadd.f32 $-1.000000000e+00, v13  }
0x26: {  	v10 =	vimm.f32 $-3.000000010e+38;
	v19 =	vadd.f32 $-1.000000000e+00, v14;
	v28 =	vadd.f32 $-1.000000000e+00, v4  }
0x27: {  	v27 =	vand.u32 $0x3FFF, v0;
	v30 =	vadd.f32 $-1.000000000e+00, v8;
	v31 =	vadd.f32 $-1.000000000e+00, v23  }
0x28: {  	vm0 =	vgt.f32 v21, v10;
	v32 =	vadd.f32 $-1.000000000e+00, v24;
	v33 =	vadd.f32 $-1.000000000e+00, v11  }
0x29: {  	v35 =	vadd.f32 $-1.000000000e+00, v16;
	v15 =	vmax.f32 v10, v12;
	v10 =	vsel vm0, $0x10, v1  }
0x2a: {  	v12 =	vld [tilespmem:s18+$0x10];
	v17 =	vadd.s32 v0, v10;
	vm7 =	vgt.f32 v23, v15;
	v15 =	vmax.f32 v15, v31  }
0x2b: {  	v29 =	vand.u32 $0x3FFF, v17;
	v34 =	vsel vm7, $0x10, v1;
	vm10 =	vgt.f32 v24, v15  }
0x2c: {  	v10 =	vld [tilespmem:s18+$0x70];
	v32 =	vmax.f32 v15, v32;
	v17 =	vadd.s32 v17, v34;
	v36 =	vsel vm10, $0x10, v1  }
0x2d: {  	vm1 =	vgt.f32 v14, v32;
	v19 =	vmax.f32 v32, v19;
	v34 =	vand.u32 $0x3FFF, v17  }
0x2e: {  	v15 =	vld [tilespmem:s18+$0x60];
	v17 =	vadd.s32 v17, v36;
	v59 =	vsel vm1, $0x10, v1;
	v37 =	vmax.f32 v19, v18  }
0x2f: {  	vm4 =	vgt.f32 v9, v19;
	v31 =	vadd.f32 $-1.000000000e+00, v12;
	v18 =	vadd.s32 v17, v59  }
0x30: {  	v35 =	vmax.f32 v37, v35;
	v19 =	vsel vm4, $0x10, v1;
	vm2 =	vgt.f32 v16, v37  }
0x31: {  	v58 =	vadd.f32 $-1.000000000e+00, v10;
	v33 =	vmax.f32 v35, v33;
	v19 =	vadd.s32 v18, v19  }
0x32: {  	v60 =	vsel vm2, $0x10, v1;
	vm3 =	vgt.f32 v11, v35;
	v61 =	vmax.f32 v33, v20  }
0x33: {  	v62 =	vadd.f32 $-1.000000000e+00, v15;
	v20 =	vadd.s32 v19, v60;
	v63 =	vmax.f32 v61, v22  }
0x34: {  	vm8 =	vgt.f32 v13, v33;
	v22 =	vsel vm3, $0x10, v1;
	v31 =	vmax.f32 v63, v31  }
0x35: {  	[tilespmem:v27+s16+$0x0] =	vst.idx.msk vm0, v21;
	v21 =	vsel vm8, $0x10, v1;
	vm6 =	vgt.f32 v7, v61;
	v27 =	vmax.f32 v31, v30  }
0x36: {  	v22 =	vadd.s32 v20, v22;
	vm5 =	vgt.f32 v12, v63;
	v30 =	vmax.f32 v27, v28  }
0x37: {  	[tilespmem:v29+s16+$0x0] =	vst.idx.msk vm7, v23;
	v23 =	vsel vm6, $0x10, v1;
	v21 =	vadd.s32 v22, v21;
	v28 =	vmax.f32 v30, v25  }
0x38: {  	vm9 =	vgt.f32 v8, v31;
	vm0 =	vgt.f32 v4, v27;
	v25 =	vmax.f32 v28, v26  }
0x39: {  	[tilespmem:v34+s16+$0x0] =	vst.idx.msk vm10, v24;
	v26 =	vadd.s32 v21, v23;
	v23 =	vsel vm5, $0x10, v1;
	v27 =	vmax.f32 v25, v62  }
0x3a: {  	s25 =	simm.s32 $0x0;
	s26 =	simm.s32 $0x180;
	vm7 =	vgt.f32 v6, v30;
	v23 =	vadd.s32 v26, v23;
	v24 =	vmax.f32 v27, v58  }
.LBB2_2:
0x3b: {  	v29 =	vld [tilespmem:s26+$0xFFFFFF80];
	s25 =	sadd.s32 $0x10, s25;
	v22 =	vand.u32 $0x3FFF, v22;
	v26 =	vand.u32 $0x3FFF, v26;
	vm10 =	vgt.f32 v5, v28  }
0x3c: {  	v17 =	vand.u32 $0x3FFF, v17;
	v20 =	vand.u32 $0x3FFF, v20;
	v21 =	vand.u32 $0x3FFF, v21;
	v28 =	vld [tilespmem:s26+$0x20];
	p0 =	slt.u32 s25, $0x7F0  }
0x3d: {  	v18 =	vand.u32 $0x3FFF, v18;
	v19 =	vand.u32 $0x3FFF, v19;
	v30 =	vld [tilespmem:s26+$0x50]  }
0x3e: {  	v32 =	vand.u32 $0x3FFF, v23;
	v31 =	vld [tilespmem:s26+$0x30]  }
0x3f: {  	vm12 =	vgt.f32 v15, v25;
	vm11 =	vgt.f32 v10, v27;
	v34 =	vsel vm10, $0x10, v1;
	v33 =	vld [tilespmem:s26+$0x40]  }
0x40: {  	v25 =	vadd.f32 $-1.000000000e+00, v29;
	v27 =	vld [tilespmem:s26+$0x0];
	[tilespmem:v22+s16+$0x0] =	vst.idx.msk vm8, v13;
	v13 =	vsel vm9, $0x10, v1;
	v22 =	vsel vm7, $0x10, v1  }
0x41: {  	vm8 =	vgt.f32 v29, v24;
	v35 =	vld [tilespmem:s26+$0xFFFFFFE0];
	[tilespmem:v17+s16+$0x0] =	vst.idx.msk vm1, v14;
	v14 =	vadd.s32 v23, v13;
	v17 =	vsel vm0, $0x10, v1  }
0x42: {  	v23 =	vmax.f32 v24, v25;
	v24 =	vsel vm8, $0x10, v1;
	v13 =	vld [tilespmem:s26+$0xFFFFFFF0];
	[tilespmem:v18+s16+$0x0] =	vst.idx.msk vm4, v9;
	v17 =	vadd.s32 v14, v17  }
0x43: {  	v18 =	vand.u32 $0x3FFF, v14;
	v9 =	vld [tilespmem:s26+$0xFFFFFFC0];
	[tilespmem:v32+s16+$0x0] =	vst.idx.msk vm9, v8;
	v25 =	vand.u32 $0x3FFF, v17;
	v17 =	vadd.s32 v17, v22;
	v8 =	vmovc v28  }
0x44: {  	v14 =	vld [tilespmem:s26+$0xFFFFFFB0];
	[tilespmem:v19+s16+$0x0] =	vst.idx.msk vm2, v16;
	v19 =	vand.u32 $0x3FFF, v17;
	v16 =	vadd.s32 v17, v34;
	v17 =	vsel vm12, $0x10, v1  }
0x45: {  	v22 =	vld [tilespmem:s26+$0xFFFFFFA0];
	[tilespmem:v20+s16+$0x0] =	vst.idx.msk vm3, v11;
	v20 =	vand.u32 $0x3FFF, v16;
	v34 =	vadd.s32 v16, v17;
	v16 =	vsel vm11, $0x10, v1  }
0x46: {  	v32 =	vadd.f32 $-1.000000000e+00, v30;
	v28 =	vadd.f32 $-1.000000000e+00, v33;
	v17 =	vld [tilespmem:s26+$0xFFFFFF90];
	[tilespmem:v21+s16+$0x0] =	vst.idx.msk vm6, v7;
	v21 =	vadd.s32 v34, v16;
	v7 =	vmovc v27  }
0x47: {  	v11 =	vmovc v35;
	v24 =	vadd.s32 v21, v24;
	v16 =	vld [tilespmem:s26+$0xFFFFFFD0];
	v27 =	vadd.f32 $-1.000000000e+00, v7;
	[tilespmem:v26+s16+$0x0] =	vst.idx.msk vm5, v12;
	v26 =	vand.u32 $0x3FFF, v34  }
0x48: {  	v21 =	vand.u32 $0x3FFF, v21;
	v35 =	vadd.f32 $-1.000000000e+00, v13;
	v34 =	vadd.f32 $-1.000000000e+00, v9;
	v12 =	vld [tilespmem:s26+$0x10];
	[tilespmem:v25+s16+$0x0] =	vst.idx.msk vm7, v6;
	v6 =	vmovc v33  }
0x49: {  	v33 =	vadd.f32 $-1.000000000e+00, v31;
	v25 =	vadd.f32 $-1.000000000e+00, v14;
	v36 =	vld [tilespmem:s26+$0x70];
	[tilespmem:v19+s16+$0x0] =	vst.idx.msk vm10, v5;
	v5 =	vmov v30  }
0x4a: {  	v19 =	vand.u32 $0x3FFF, v24;
	v30 =	vadd.f32 $-1.000000000e+00, v8;
	[tilespmem:v20+s16+$0x0] =	vst.idx.msk vm12, v15;
	v15 =	vld [tilespmem:s26+$0x60]  }
0x4b: {  	v37 =	vadd.f32 $-1.000000000e+00, v11;
	v20 =	vadd.f32 $-1.000000000e+00, v22;
	vm2 =	vgt.f32 v17, v23;
	[tilespmem:v18+s16+$0x0] =	vst.idx.msk vm0, v4;
	v4 =	vmovc v31  }
0x4c: {  	v18 =	vadd.f32 $-1.000000000e+00, v17;
	v31 =	vsel vm2, $0x10, v1;
	v38 =	vadd.f32 $-1.000000000e+00, v16;
	[tilespmem:v26+s16+$0x0] =	vst.idx.msk vm11, v10  }
0x4d: {  	[tilespmem:v21+s16+$0x0] =	vst.idx.msk vm8, v29;
	v21 =	vadd.s32 v24, v31;
	v24 =	vadd.f32 $-1.000000000e+00, v12  }
0x4e: {  	v18 =	vmax.f32 v23, v18;
	v23 =	vand.u32 $0x3FFF, v21;
	v29 =	vadd.f32 $-1.000000000e+00, v36;
	v10 =	vmovc v36  }
0x4f: {  	vm0 =	vgt.f32 v22, v18;
	v18 =	vmax.f32 v18, v20;
	v31 =	vadd.f32 $-1.000000000e+00, v15  }
0x50: {  	v20 =	vsel vm0, $0x10, v1;
	vm1 =	vgt.f32 v14, v18;
	v25 =	vmax.f32 v18, v25  }
0x51: {  	v18 =	vsel vm1, $0x10, v1;
	[tilespmem:v19+s16+$0x0] =	vst.idx.msk vm2, v17;
	v17 =	vadd.s32 v21, v20;
	v19 =	vmax.f32 v25, v34  }
0x52: {  	vm4 =	vgt.f32 v9, v25;
	v18 =	vadd.s32 v17, v18;
	v21 =	vmax.f32 v19, v38  }
0x53: {  	v20 =	vsel vm4, $0x10, v1;
	vm2 =	vgt.f32 v16, v19;
	v25 =	vmax.f32 v21, v37  }
0x54: {  	v19 =	vadd.s32 v18, v20;
	v20 =	vsel vm2, $0x10, v1;
	v26 =	vmax.f32 v25, v35  }
0x55: {  	vm3 =	vgt.f32 v11, v21;
	v20 =	vadd.s32 v19, v20;
	v27 =	vmax.f32 v26, v27  }
0x56: {  	v21 =	vsel vm3, $0x10, v1;
	vm8 =	vgt.f32 v13, v25;
	[tilespmem:v23+s16+$0x0] =	vst.idx.msk vm0, v22;
	v23 =	vmax.f32 v27, v24  }
0x57: {  	v22 =	vadd.s32 v20, v21;
	v21 =	vsel vm8, $0x10, v1;
	v24 =	vmax.f32 v23, v30  }
.Ltmp0:
0x58: {  	vm5 =	vgt.f32 v12, v27;
	v21 =	vadd.s32 v22, v21;
	v30 =	vmax.f32 v24, v33;
	(pc) =	sbr.rel @p0 .LBB2_2-.Ltmp0, $4  }
0x59: {  	vm6 =	vgt.f32 v7, v26;
	vm9 =	vgt.f32 v8, v23;
	v28 =	vmax.f32 v30, v28  }
0x5a: {  	v23 =	vsel vm6, $0x10, v1;
	vm0 =	vgt.f32 v4, v24;
	v25 =	vmax.f32 v28, v32  }
0x5b: {  	v26 =	vadd.s32 v21, v23;
	v23 =	vsel vm5, $0x10, v1;
	v27 =	vmax.f32 v25, v31  }
0x5c: {  	s26 =	sadd.s32 $0x100, s26;
	v23 =	vadd.s32 v26, v23;
	vm7 =	vgt.f32 v6, v30;
	v24 =	vmax.f32 v27, v29  }
0x5d: {  	v29 =	vsel vm9, $0x10, v1  }
0x5e: {  	v30 =	vsel vm0, $0x10, v1;
	v29 =	vadd.s32 v23, v29  }
0x5f: {  	vm11 =	vgt.f32 v5, v28;
	v53 =	vsel vm7, $0x10, v1;
	v30 =	vadd.s32 v29, v30  }
0x60: {  	vm12 =	vgt.f32 v15, v25;
	v31 =	vsel vm11, $0x10, v1;
	v28 =	vadd.s32 v30, v53  }
0x61: {  	vm10 =	vgt.f32 v10, v27;
	v25 =	vsel vm12, $0x10, v1;
	v27 =	vadd.s32 v28, v31  }
0x62: {  	v31 =	vadd.s32 v27, v25;
	v25 =	vsel vm10, $0x10, v1  }
0x63: {  	v25 =	vadd.s32 v31, v25  }
0x64: {  	v25 =	vadd.s32 v2, v25  }
0x65: {  	v32 =	vshra.s32 v25, $0x1F;
	v33 =	vand.u32 $0xF, v25  }
0x66: {  	vm14 =	vlt.s32 v25, $0x1;
	vm13 =	vne.s32 v33, $0x0;
	v32 =	vshrl.u32 v32, $0x1C  }
0x67: {  	vm13 =	vmand vm14, vm13;
	v25 =	vadd.s32 v32, v25  }
0x68: {  	v54 =	vsel vm13, $0xFFFFFFFF, v1;
	v25 =	vshra.s32 v25, $0x4  }
0x69: {  	v25 =	vadd.s32 v54, v25  }
0x6a: {  	v32 =	vxor.u32 $0x80000000, v25  }
0x6b: {  	(xrf0) =	vmax.scan.msk.u32 $0xffff, v32;
	_ =	sdelay $0x3  }
0x6c: {  	(xrf0) =	vmax.scan.msk.f32 $0xffff, v24;
	_ =	sdelay $0x1  }
0x6d: {  	v24, _, _ =	vpop (xrf0)  }
0x6e: {  	(v2sf) =	vpush v24, $0xF;
	_ =	sdelay $0x2  }
0x6f: {  	v24, _, _ =	vpop (xrf0)  }
0x70: {  	(v2sf) =	vpush v24, $0xF  }
0x71: {  	v22 =	vand.u32 $0x3FFF, v22  }
0x72: {  	v17 =	vand.u32 $0x3FFF, v17  }
0x73: {  	v18 =	vand.u32 $0x3FFF, v18  }
0x74: {  	v55 =	vand.u32 $0x3FFF, v23  }
0x75: {  	v19 =	vand.u32 $0x3FFF, v19  }
0x76: {  	v56 =	vand.u32 $0x3FFF, v20;
	[tilespmem:v22+s16+$0x0] =	vst.idx.msk vm8, v13  }
0x77: {  	v57 =	vand.u32 $0x3FFF, v21;
	[tilespmem:v17+s16+$0x0] =	vst.idx.msk vm1, v14  }
0x78: {  	v58 =	vand.u32 $0x3FFF, v26;
	[tilespmem:v18+s16+$0x0] =	vst.idx.msk vm4, v9  }
0x79: {  	v62 =	vand.u32 $0x3FFF, v29;
	[tilespmem:v55+s16+$0x0] =	vst.idx.msk vm9, v8  }
0x7a: {  	v59 =	vand.u32 $0x3FFF, v30;
	[tilespmem:v19+s16+$0x0] =	vst.idx.msk vm2, v16  }
0x7b: {  	v60 =	vand.u32 $0x3FFF, v28;
	[tilespmem:v56+s16+$0x0] =	vst.idx.msk vm3, v11;
	s25 =	spop (v2sf)  }
0x7c: {  	v61 =	vand.u32 $0x3FFF, v27;
	[tilespmem:v57+s16+$0x0] =	vst.idx.msk vm6, v7;
	s31 =	sadd.s32 $0x7FFFFFFF, s25  }
0x7d: {  	[tilespmem:v58+s16+$0x0] =	vst.idx.msk vm5, v12;
	v63 =	vand.u32 $0x3FFF, v31;
	p0 =	sgt.u32 s31, $0x3FF  }
.Ltmp1:
0x7e: {  	[tilespmem:v62+s16+$0x0] =	vst.idx.msk vm0, v4;
	(pc) =	sbr.rel @p0 .LBB2_4-.Ltmp1, $4  }
0x7f: {  	[tilespmem:v59+s16+$0x0] =	vst.idx.msk vm7, v6;
	s26 =	spop (v2sf)  }
0x80: {  	[tilespmem:v60+s16+$0x0] =	vst.idx.msk vm11, v5;
	s28 =	sadd.f32 $1.000000000e+00, s26  }
0x81: {  	[tilespmem:v61+s16+$0x0] =	vst.idx.msk vm12, v15  }
0x82: {  	[tilespmem:v63+s16+$0x0] =	vst.idx.msk vm10, v10;
	s26 =	sxor.u32 $0x80000000, s25;
	s25 =	sadd.f32 $-1.000000000e+00, s28  }
0x83: {  	v5 =	vimm.f32 $0.0e+00  }
0x84: {  	v7 =	vlaneseq.u32;
	s29 =	simm.s32 $0x1;
	s28 =	simm.s32 $0x18000;
	p0 =	sgt.s32 s26, $0x400;
	v6 =	vimm.f32 $0.0e+00;
	v4 =	vmov s25  }
.LBB2_6:
0x85: {  	v8 =	vld [tilespmem:s28+$0x0];
	_ =	sdelay $0x2  }
0x86: {  	s30 =	sadd.s32 $0xFFFFFFFF, s29  }
0x87: {  	v9 =	vmov s30  }
0x88: {  	vm1 =	vlt.s32 v9, v25;
	vm0 =	vgt.f32 v8, v4  }
0x89: {  	vm0 =	vmand vm1, vm0  }
0x8a: {  	v62 =	vand.u32 $0x7FF, v7;
	p1 =	sgt.s32 @!p0 s26, s29  }
0x8b: {  	p1 =	por p0, !p1  }
.Ltmp2:
0x8c: {  	_ = 	snop;
	(pc) =	sbr.rel @!p1 .LBB2_6-.Ltmp2, $3  }
0x8d: {  	_ =	sdelay $0x1  }
0x8e: {  	v63 =	vsel vm0, $0x10, v1;
	v10 =	vsel vm0, $0x3F800000, v3;
	[tilespmem:v62+s17+$0x0] =	vst.idx.msk vm0, v8;
	v8 =	vnsel vm0, $0x0, v8  }
0x8f: {  	s29 =	sadd.s32 $0x1, s29;
	s28 =	sadd.s32 $0x10, s28;
	v7 =	vadd.s32 v7, v63;
	v5 =	vadd.f32 v10, v5;
	v6 =	vadd.f32 v8, v6  }
.Ltmp3:
0x90: {  	(pc) =	sbr.rel .LBB2_8-.Ltmp3, $2  }
0x91: {  	_ =	sdelay $0x2  }
0x92: {  	v4 =	vadd.s32 v2, v7  }
.LBB2_4:
0x93: {  	v4 =	vimm.s32 $0x0;
	v6 =	vimm.f32 $0.0e+00;
	v5 =	vimm.f32 $0.0e+00  }
.LBB2_8:
0x94: {  	v7 =	vshra.s32 v4, $0x1F;
	v8 =	vand.u32 $0xF, v4  }
0x95: {  	vm1 =	vlt.s32 v4, $0x1;
	vm0 =	vne.s32 v8, $0x0;
	v7 =	vshrl.u32 v7, $0x1C  }
0x96: {  	v4 =	vadd.s32 v7, v4;
	vm0 =	vmand vm1, vm0  }
0x97: {  	v4 =	vshra.s32 v4, $0x4;
	v7 =	vsel vm0, $0xFFFFFFFF, v1  }
0x98: {  	v4 =	vadd.s32 v7, v4  }
0x99: {  	v7 =	vxor.u32 $0x80000000, v4  }
0x9a: {  	(xrf0) =	vmax.scan.msk.u32 $0xffff, v7;
	_ =	sdelay $0x5  }
0x9b: {  	v7, _, _ =	vpop (xrf0)  }
0x9c: {  	(v2sf) =	vpush v7, $0xF;
	_ =	sdelay $0xe  }
0x9d: {  	s28 =	spop (v2sf)  }
0x9e: {  	p0 =	sgt.s32 s26, $0x400;
	s26 =	sxor.u32 $0x80000000, s28  }
0x9f: {  	p1 =	sgt.s32 @!p0 s26, $0x80  }
0xa0: {  	p0 =	por p0, p1  }
.Ltmp4:
0xa1: {  	_ = 	snop;
	(pc) =	sbr.rel @p0 .LBB2_20-.Ltmp4, $1  }
0xa2: {  	_ =	sdelay $0x3  }
0xa3: {  	(xrf2) =	vadd.scan.msk.f32 $0xffff, v6  }
0xa4: {  	(xrf2) =	vadd.scan.msk.f32 $0xffff, v5;
	_ =	sdelay $0x8  }
0xa5: {  	v5, _, _ =	vpop (xrf2)  }
0xa6: {  	v6, _, _ =	vpop (xrf2)  }
0xa7: {  	v6 =	vbroadcast v6, $0xF;
	_ =	sdelay $0x1  }
0xa8: {  	(erf) = vrcp.f32 v6;
	_ =	sdelay $0x5  }
0xa9: {  	v5 =	vadd.f32 $-1.000000000e+00, v5;
	_ =	sdelay $0x1  }
0xaa: {  	v5 =	vbroadcast v5, $0xF  }
0xab: {  	v6 =	vpop (erf)  }
0xac: {  	v5 =	vmul.f32 v6, v5;
	_ =	sdelay $0x1  }
0xad: {  	(v2sf) =	vpush v5, $0x0;
	_ =	sdelay $0xe  }
0xae: {  	s28 =	spop (v2sf)  }
0xaf: {  	s28 =	smax.f32 s25, s28  }
0xb0: {  	p0 =	sgt.f32 s28, s25  }
.Ltmp5:
0xb1: {  	_ = 	snop;
	(pc) =	sbr.rel @!p0 .LBB2_24-.Ltmp5, $4  }
.Ltmp6:
0xb2: {  	_ = 	snop;
	(pc) =	sbr.rel @p0 .LBB2_10-.Ltmp6, $4  }
0xb3: {  	_ = 	snop  }
0xb4: {  	_ = 	snop  }
0xb5: {  	s29 =	smov.u32 s28  }
0xb6: {  	_ = 	snop  }
.LBB2_11:
0xb7: {  	v5 =	vimm.f32 $0.0e+00;
	v6 =	vimm.f32 $0.0e+00  }
.LBB2_19:
0xb8: {  	(xrf2) =	vadd.scan.msk.f32 $0xffff, v5  }
0xb9: {  	(xrf2) =	vadd.scan.msk.f32 $0xffff, v6;
	_ =	sdelay $0x8  }
0xba: {  	v5, _, _ =	vpop (xrf2)  }
0xbb: {  	v6, _, _ =	vpop (xrf2)  }
0xbc: {  	v6 =	vbroadcast v6, $0xF;
	_ =	sdelay $0x1  }
0xbd: {  	(erf) = vrcp.f32 v6;
	_ =	sdelay $0x5  }
0xbe: {  	v5 =	vadd.f32 $-1.000000000e+00, v5;
	_ =	sdelay $0x1  }
0xbf: {  	v5 =	vbroadcast v5, $0xF  }
0xc0: {  	v6 =	vpop (erf)  }
0xc1: {  	v5 =	vmul.f32 v6, v5;
	_ =	sdelay $0x1  }
0xc2: {  	(v2sf) =	vpush v5, $0x0;
	_ =	sdelay $0xe  }
0xc3: {  	s25 =	spop (v2sf)  }
0xc4: {  	s29 =	smax.f32 s28, s25  }
0xc5: {  	p0 =	sgt.f32 s29, s28  }
.Ltmp7:
0xc6: {  	_ = 	snop;
	(pc) =	sbr.rel @!p0 .LBB2_24-.Ltmp7, $2  }
0xc7: {  	_ =	sdelay $0x2  }
0xc8: {  	s28 =	smov.u32 s29  }
.LBB2_10:
0xc9: {  	p0 =	slt.s32 s26, $0x1  }
.Ltmp8:
0xca: {  	_ = 	snop;
	(pc) =	sbr.rel @p0 .LBB2_11-.Ltmp8, $1  }
0xcb: {  	_ =	sdelay $0x3  }
0xcc: {  	p1 =	sne.s32 s26, $0x1  }
.Ltmp9:
0xcd: {  	_ = 	snop;
	(pc) =	sbr.rel @!p1 .LBB2_13-.Ltmp9, $3  }
0xce: {  	_ =	sdelay $0x1  }
0xcf: {  	s30 =	simm.s32 $0x1C000  }
0xd0: {  	v6 =	vmov s28;
	s29 =	simm.s32 $0x0;
	v5 =	vimm.f32 $0.0e+00;
	s25 =	simm.s32 $0x1;
	p0 =	por $0x0, $0x0;
	v9 =	vld [tilespmem:s30+$0x0]  }
0xd1: {  	_ = 	snop  }
0xd2: {  	p1 =	sne.s32 s26, $0x2  }
.Ltmp10:
0xd3: {  	_ = 	snop;
	(pc) =	sbr.rel @!p1 .LBB2_15-.Ltmp10, $4  }
0xd4: {  	v7 =	vmov s29  }
0xd5: {  	vm1 =	vlt.s32 v7, v4;
	vm0 =	vgt.f32 v9, v6  }
0xd6: {  	s29 =	simm.s32 $0x1C010;
	v8 =	vimm.f32 $0.0e+00;
	vm0 =	vmand vm1, vm0  }
0xd7: {  	s30 =	simm.s32 $0x2;
	p0 =	por $0x1, $0x1;
	v7 =	vimm.f32 $0.0e+00;
	v10 =	vnsel vm0, $0x0, v9;
	v9 =	vld [tilespmem:s29+$0x0];
	v11 =	vsel vm0, $0x3F800000, v3  }
.LBB2_16:
0xd8: {  	s31 =	smov.u32 s30;
	s30 =	sadd.s32 $0x1, s30  }
0xd9: {  	v7 =	vadd.f32 v10, v7;
	v8 =	vadd.f32 v11, v8;
	p1 =	sne.s32 s26, s30  }
.Ltmp11:
0xda: {  	(pc) =	sbr.rel @p1 .LBB2_16-.Ltmp11, $4  }
0xdb: {  	v11 =	vmov s25;
	s25 =	smov.u32 s31  }
0xdc: {  	s29 =	sadd.s32 $0x10, s29;
	vm1 =	vlt.s32 v11, v4;
	vm0 =	vgt.f32 v9, v6;
	v10 =	vmov v9  }
0xdd: {  	v9 =	vld [tilespmem:s29+$0x0];
	vm0 =	vmand vm1, vm0  }
0xde: {  	v10 =	vnsel vm0, $0x0, v10;
	v11 =	vsel vm0, $0x3F800000, v3  }
0xdf: {  	s29 =	smov.u32 s25  }
.LBB2_18:
0xe0: {  	_ = 	snop  }
0xe1: {  	v12 =	vmov s29  }
.Ltmp12:
0xe2: {  	vm1 =	vlt.s32 v12, v4;
	vm0 =	vgt.f32 v9, v6;
	v6 =	vadd.f32 @p0 v10, v7;
	(pc) =	sbr.rel .LBB2_19-.Ltmp12, $4  }
0xe3: {  	v7 =	vadd.f32 @p0 v11, v8;
	vm0 =	vmand vm1, vm0  }
0xe4: {  	v8 =	vnsel vm0, $0x0, v9;
	v6 =	vpsel p0, v6, v5  }
0xe5: {  	v63 =	vsel vm0, $0x3F800000, v3;
	v7 =	vpsel p0, v7, v5;
	v5 =	vadd.f32 v8, v6  }
0xe6: {  	v6 =	vadd.f32 v63, v7  }
.LBB2_13:
.Ltmp13:
0xe7: {  	(pc) =	sbr.rel .LBB2_18-.Ltmp13, $2  }
0xe8: {  	_ =	sdelay $0x2  }
0xe9: {  	v7 =	vimm.f32 $0.0e+00;
	v8 =	vimm.f32 $0.0e+00  }
.LBB2_15:
.Ltmp14:
0xea: {  	(pc) =	sbr.rel .LBB2_18-.Ltmp14, $2  }
0xeb: {  	_ =	sdelay $0x2  }
0xec: {  	v7 =	vimm.f32 $0.0e+00;
	v8 =	vimm.f32 $0.0e+00;
	s29 =	simm.s32 $0x1  }
.LBB2_20:
0xed: {  	s26 =	sadd.f32 $-1.000000000e+00, s25;
	_ =	sdelay $0x1  }
0xee: {  	p0 =	sgt.f32 s25, s26  }
.Ltmp15:
0xef: {  	_ = 	snop;
	(pc) =	sbr.rel @!p0 .LBB2_24-.Ltmp15, $2  }
0xf0: {  	_ =	sdelay $0x2  }
0xf1: {  	s29 =	smov.u32 s25  }
.LBB2_21:
0xf2: {  	s28 =	simm.s32 $0x0  }
0xf3: {  	v7 =	vld [tilespmem:s28+$0x0]  }
0xf4: {  	v5 =	vmov s25;
	v4 =	vimm.f32 $0.0e+00;
	s26 =	simm.s32 $0x40;
	v6 =	vimm.f32 $0.0e+00  }
.LBB2_22:
0xf5: {  	p0 =	sne.s32 s26, $0x1FFC0  }
.Ltmp16:
0xf6: {  	_ = 	snop;
	(pc) =	sbr.rel @p0 .LBB2_22-.Ltmp16, $4  }
0xf7: {  	_ = 	snop  }
0xf8: {  	s28 =	sshra.s32 s26, $0x2;
	s26 =	sadd.s32 $0x40, s26;
	vm0 =	vgt.f32 v7, v5  }
0xf9: {  	v8 =	vnsel vm0, $0x0, v7;
	v7 =	vld [tilespmem:s28+$0x0];
	v9 =	vsel vm0, $0x3F800000, v3  }
0xfa: {  	v4 =	vadd.f32 v8, v4;
	v6 =	vadd.f32 v9, v6  }
0xfb: {  	_ =	sdelay $0x2  }
0xfc: {  	vm0 =	vgt.f32 v7, v5  }
0xfd: {  	v5 =	vnsel vm0, $0x0, v7  }
0xfe: {  	v63 =	vsel vm0, $0x3F800000, v3;
	v4 =	vadd.f32 v5, v4  }
0xff: {  	v5 =	vadd.f32 v63, v6  }
0x100: {  	(xrf2) =	vadd.scan.msk.f32 $0xffff, v4  }
0x101: {  	(xrf2) =	vadd.scan.msk.f32 $0xffff, v5;
	_ =	sdelay $0x8  }
0x102: {  	v4, _, _ =	vpop (xrf2)  }
0x103: {  	v5, _, _ =	vpop (xrf2)  }
0x104: {  	v5 =	vbroadcast v5, $0xF;
	_ =	sdelay $0x1  }
0x105: {  	(erf) = vrcp.f32 v5;
	_ =	sdelay $0x5  }
0x106: {  	v4 =	vadd.f32 $-1.000000000e+00, v4;
	_ =	sdelay $0x1  }
0x107: {  	v4 =	vbroadcast v4, $0xF  }
0x108: {  	v5 =	vpop (erf)  }
0x109: {  	v4 =	vmul.f32 v5, v4;
	_ =	sdelay $0x1  }
0x10a: {  	(v2sf) =	vpush v4, $0x0;
	_ =	sdelay $0xe  }
0x10b: {  	s26 =	spop (v2sf)  }
0x10c: {  	s29 =	smax.f32 s25, s26  }
0x10d: {  	p0 =	sgt.f32 s29, s25  }
.Ltmp17:
0x10e: {  	_ = 	snop;
	(pc) =	sbr.rel @p0 .LBB2_21-.Ltmp17, $2  }
0x10f: {  	_ =	sdelay $0x2  }
0x110: {  	s25 =	smov.u32 s29  }
.LBB2_24:
0x111: {  	s25 =	simm.s32 $0x80  }
0x112: {  	v5 =	vld [tilespmem:s25+$0x70]  }
0x113: {  	v6 =	vld [tilespmem:s25+$0xFFFFFF90]  }
0x114: {  	v7 =	vld [tilespmem:s25+$0xFFFFFFA0]  }
0x115: {  	v8 =	vld [tilespmem:s25+$0xFFFFFFB0]  }
0x116: {  	v4 =	vmov s29;
	v9 =	vld [tilespmem:s25+$0xFFFFFFC0]  }
0x117: {  	v10 =	vld [tilespmem:s25+$0xFFFFFFD0];
	v5 =	vsub.f32 v5, v4  }
0x118: {  	v11 =	vld [tilespmem:s25+$0xFFFFFFE0];
	v6 =	vsub.f32 v6, v4  }
0x119: {  	v12 =	vld [tilespmem:s25+$0xFFFFFFF0];
	v7 =	vsub.f32 v7, v4;
	v5 =	vmax.f32 v5, $0.0e+00  }
0x11a: {  	v13 =	vld [tilespmem:s25+$0x0];
	v8 =	vsub.f32 v8, v4;
	v6 =	vmax.f32 v6, $0.0e+00;
	[tilespmem:s25+$0x70] =	vst v5  }
0x11b: {  	[tilespmem:s25+$0xFFFFFF90] =	vst v6;
	v5 =	vmax.f32 v7, $0.0e+00;
	v6 =	vsub.f32 v9, v4;
	v9 =	vld [tilespmem:s25+$0x10]  }
0x11c: {  	v14 =	vld [tilespmem:s25+$0x20];
	v7 =	vsub.f32 v10, v4;
	[tilespmem:s25+$0xFFFFFFA0] =	vst v5;
	v5 =	vmax.f32 v8, $0.0e+00  }
0x11d: {  	v8 =	vsub.f32 v11, v4;
	[tilespmem:s25+$0xFFFFFFB0] =	vst v5;
	v6 =	vmax.f32 v6, $0.0e+00;
	v5 =	vld [tilespmem:s25+$0x30]  }
0x11e: {  	v10 =	vsub.f32 v12, v4;
	v7 =	vmax.f32 v7, $0.0e+00;
	[tilespmem:s25+$0xFFFFFFC0] =	vst v6;
	v6 =	vld [tilespmem:s25+$0x40]  }
0x11f: {  	v11 =	vsub.f32 v13, v4;
	[tilespmem:s25+$0xFFFFFFD0] =	vst v7;
	v8 =	vmax.f32 v8, $0.0e+00;
	v7 =	vld [tilespmem:s25+$0x50]  }
0x120: {  	v12 =	vmax.f32 v10, $0.0e+00;
	[tilespmem:s25+$0xFFFFFFE0] =	vst v8;
	v8 =	vld [tilespmem:s25+$0x60];
	v10 =	vsub.f32 v9, v4  }
0x121: {  	s26 =	simm.s32 $0x0;
	s28 =	simm.s32 $0x180;
	[tilespmem:s25+$0xFFFFFFF0] =	vst v12;
	v12 =	vmax.f32 v11, $0.0e+00;
	v11 =	vsub.f32 v14, v4;
	v9 =	vld [tilespmem:s25+$0xFFFFFF80]  }
.LBB2_25:
0x122: {  	v13 =	vld [tilespmem:s28+$0x70];
	s26 =	sadd.s32 $0x10, s26;
	[tilespmem:s25+$0x0] =	vst v12;
	v10 =	vmax.f32 v10, $0.0e+00;
	v5 =	vsub.f32 v5, v4  }
0x123: {  	v12 =	vld [tilespmem:s28+$0xFFFFFF90];
	p0 =	slt.u32 s26, $0x7F0;
	[tilespmem:s25+$0x10] =	vst v10;
	v10 =	vmax.f32 v11, $0.0e+00;
	v6 =	vsub.f32 v6, v4  }
0x124: {  	v11 =	vld [tilespmem:s28+$0xFFFFFFA0];
	[tilespmem:s25+$0x20] =	vst v10;
	v5 =	vmax.f32 v5, $0.0e+00;
	v7 =	vsub.f32 v7, v4  }
0x125: {  	v10 =	vld [tilespmem:s28+$0xFFFFFFB0];
	[tilespmem:s25+$0x30] =	vst v5;
	v5 =	vmax.f32 v6, $0.0e+00;
	v6 =	vsub.f32 v8, v4  }
0x126: {  	v8 =	vld [tilespmem:s28+$0xFFFFFFC0];
	v9 =	vsub.f32 v9, v4;
	[tilespmem:s25+$0x40] =	vst v5;
	v5 =	vmax.f32 v7, $0.0e+00  }
0x127: {  	v7 =	vld [tilespmem:s28+$0xFFFFFFD0];
	v13 =	vsub.f32 v13, v4;
	[tilespmem:s25+$0x50] =	vst v5;
	v5 =	vmax.f32 v6, $0.0e+00  }
0x128: {  	v6 =	vsub.f32 v12, v4;
	v12 =	vld [tilespmem:s28+$0xFFFFFFE0];
	v9 =	vmax.f32 v9, $0.0e+00;
	[tilespmem:s25+$0x60] =	vst v5  }
0x129: {  	v5 =	vsub.f32 v11, v4;
	v11 =	vld [tilespmem:s28+$0xFFFFFFF0];
	v13 =	vmax.f32 v13, $0.0e+00;
	[tilespmem:s25+$0xFFFFFF80] =	vst v9;
	s25 =	smov.u32 s28  }
0x12a: {  	v6 =	vmax.f32 v6, $0.0e+00;
	v9 =	vsub.f32 v10, v4;
	v10 =	vld [tilespmem:s28+$0x0];
	[tilespmem:s28+$0x70] =	vst v13  }
0x12b: {  	[tilespmem:s28+$0xFFFFFF90] =	vst v6;
	v5 =	vmax.f32 v5, $0.0e+00;
	v6 =	vsub.f32 v8, v4;
	v8 =	vld [tilespmem:s28+$0x10]  }
0x12c: {  	[tilespmem:s28+$0xFFFFFFA0] =	vst v5;
	v5 =	vmax.f32 v9, $0.0e+00;
	v7 =	vsub.f32 v7, v4;
	v13 =	vld [tilespmem:s28+$0x20]  }
.Ltmp18:
0x12d: {  	[tilespmem:s28+$0xFFFFFFB0] =	vst v5;
	v6 =	vmax.f32 v6, $0.0e+00;
	v9 =	vsub.f32 v12, v4;
	v5 =	vld [tilespmem:s28+$0x30];
	(pc) =	sbr.rel @p0 .LBB2_25-.Ltmp18, $4  }
0x12e: {  	[tilespmem:s28+$0xFFFFFFC0] =	vst v6;
	v7 =	vmax.f32 v7, $0.0e+00;
	v11 =	vsub.f32 v11, v4;
	v6 =	vld [tilespmem:s28+$0x40]  }
0x12f: {  	[tilespmem:s28+$0xFFFFFFD0] =	vst v7;
	v9 =	vmax.f32 v9, $0.0e+00;
	v12 =	vsub.f32 v10, v4;
	v7 =	vld [tilespmem:s28+$0x50]  }
0x130: {  	[tilespmem:s28+$0xFFFFFFE0] =	vst v9;
	v11 =	vmax.f32 v11, $0.0e+00;
	v10 =	vsub.f32 v8, v4;
	v8 =	vld [tilespmem:s28+$0x60]  }
0x131: {  	s28 =	sadd.s32 $0x100, s28;
	v9 =	vld [tilespmem:s25+$0xFFFFFF80];
	[tilespmem:s25+$0xFFFFFFF0] =	vst v11;
	v12 =	vmax.f32 v12, $0.0e+00;
	v11 =	vsub.f32 v13, v4  }
0x132: {  	[tilespmem:s25+$0x0] =	vst v12;
	v10 =	vmax.f32 v10, $0.0e+00;
	v5 =	vsub.f32 v5, v4  }
0x133: {  	[tilespmem:s25+$0x10] =	vst v10;
	v10 =	vmax.f32 v11, $0.0e+00;
	v6 =	vsub.f32 v6, v4  }
0x134: {  	[tilespmem:s25+$0x20] =	vst v10;
	v5 =	vmax.f32 v5, $0.0e+00;
	v7 =	vsub.f32 v7, v4  }
0x135: {  	[tilespmem:s25+$0x30] =	vst v5;
	v5 =	vmax.f32 v6, $0.0e+00;
	v6 =	vsub.f32 v8, v4  }
0x136: {  	v4 =	vsub.f32 v9, v4;
	[tilespmem:s25+$0x40] =	vst v5;
	v5 =	vmax.f32 v7, $0.0e+00  }
0x137: {  	[tilespmem:s25+$0x50] =	vst v5;
	v5 =	vmax.f32 v6, $0.0e+00  }
0x138: {  	v4 =	vmax.f32 v4, $0.0e+00;
	[tilespmem:s25+$0x60] =	vst v5  }
0x139: {  	[tilespmem:s25+$0xFFFFFF80] =	vst v4  }
0x13a: {  	[hbm4b:s6+s18] =	stream.strided.scatter [tilespmem:s2], [sflag:$0x4], $0x8000, s12, s18, $0x38;
	[tilespmem:$0x1C800] =	vst v63  }
0x13b: {  	_ =	swait.ge [sflag:s19], $0x8000  }
0x13c: {  	[sflag:s19] =	ssyncset.done $0x0  }
0x13d: {  	s31 =	simm.s32 $0x8080;
	[sflag:s19] =	ssyncadd.s32 $0xFFFF8000  }
0x13e: {  	v19 =	vld [tilespmem:s31+$0xFFFFFF80]  }
0x13f: {  	v8 =	vld [tilespmem:s31+$0x20]  }
0x140: {  	v5 =	vld [tilespmem:s31+$0x50]  }
0x141: {  	v4 =	vld [tilespmem:s31+$0x30]  }
0x142: {  	v6 =	vld [tilespmem:s31+$0x40]  }
0x143: {  	v7 =	vld [tilespmem:s31+$0x0]  }
0x144: {  	v14 =	vld [tilespmem:s31+$0xFFFFFFF0]  }
0x145: {  	v10 =	vld [tilespmem:s31+$0xFFFFFFC0]  }
0x146: {  	v15 =	vld [tilespmem:s31+$0xFFFFFFB0]  }
0x147: {  	v11 =	vld [tilespmem:s31+$0xFFFFFFE0]  }
0x148: {  	v24 =	vld [tilespmem:s31+$0xFFFFFFA0];
	v12 =	vadd.f32 $-1.000000000e+00, v19  }
0x149: {  	v13 =	vlaneseq.u32;
	v23 =	vld [tilespmem:s31+$0xFFFFFF90];
	v25 =	vadd.f32 $-1.000000000e+00, v6;
	v28 =	vadd.f32 $-1.000000000e+00, v5  }
0x14a: {  	v26 =	vand.u32 $0x3FFF, v13;
	v16 =	vld [tilespmem:s31+$0xFFFFFFD0];
	v22 =	vadd.f32 $-1.000000000e+00, v7;
	v20 =	vadd.f32 $-1.000000000e+00, v10  }
0x14b: {  	v9 =	vimm.f32 $-3.000000010e+38;
	v21 =	vadd.f32 $-1.000000000e+00, v14;
	v27 =	vadd.f32 $-1.000000000e+00, v15  }
0x14c: {  	vm0 =	vgt.f32 v19, v9;
	v29 =	vadd.f32 $-1.000000000e+00, v4;
	v31 =	vadd.f32 $-1.000000000e+00, v8  }
0x14d: {  	v32 =	vadd.f32 $-1.000000000e+00, v24;
	v17 =	vmax.f32 v9, v12;
	v9 =	vsel vm0, $0x10, v1;
	v12 =	vld [tilespmem:s31+$0x10]  }
0x14e: {  	v18 =	vadd.s32 v13, v9;
	v9 =	vld [tilespmem:s31+$0x70];
	vm7 =	vgt.f32 v23, v17;
	v13 =	vadd.f32 $-1.000000000e+00, v23  }
0x14f: {  	v33 =	vadd.f32 $-1.000000000e+00, v11;
	v35 =	vadd.f32 $-1.000000000e+00, v16;
	v34 =	vsel vm7, $0x10, v1  }
0x150: {  	v30 =	vand.u32 $0x3FFF, v18;
	v18 =	vadd.s32 v18, v34;
	v13 =	vmax.f32 v17, v13  }
0x151: {  	vm10 =	vgt.f32 v24, v13;
	v17 =	vmax.f32 v13, v32;
	v59 =	vand.u32 $0x3FFF, v18  }
0x152: {  	v58 =	vadd.f32 $-1.000000000e+00, v12;
	v36 =	vsel vm10, $0x10, v1;
	vm3 =	vgt.f32 v15, v17  }
0x153: {  	v13 =	vld [tilespmem:s31+$0x60];
	v27 =	vmax.f32 v17, v27;
	v37 =	vadd.f32 $-1.000000000e+00, v9;
	v17 =	vadd.s32 v18, v36  }
0x154: {  	v18 =	vsel vm3, $0x10, v1;
	v20 =	vmax.f32 v27, v20;
	vm5 =	vgt.f32 v10, v27  }
0x155: {  	v18 =	vadd.s32 v17, v18;
	v27 =	vmax.f32 v20, v35;
	v60 =	vsel vm5, $0x10, v1  }
0x156: {  	vm1 =	vgt.f32 v16, v20;
	v33 =	vmax.f32 v27, v33;
	v20 =	vadd.s32 v18, v60  }
0x157: {  	v61 =	vsel vm1, $0x10, v1;
	vm2 =	vgt.f32 v11, v27;
	v62 =	vmax.f32 v33, v21  }
0x158: {  	v38 =	vadd.f32 $-1.000000000e+00, v13;
	v21 =	vadd.s32 v20, v61;
	v27 =	vmax.f32 v62, v22  }
0x159: {  	[tilespmem:v26+s16+$0x0] =	vst.idx.msk vm0, v19;
	vm9 =	vgt.f32 v14, v33;
	v22 =	vsel vm2, $0x10, v1;
	v63 =	vmax.f32 v27, v58  }
0x15a: {  	[tilespmem:v30+s16+$0x0] =	vst.idx.msk vm7, v23;
	v19 =	vsel vm9, $0x10, v1;
	v26 =	vadd.s32 v21, v22;
	v31 =	vmax.f32 v63, v31  }
0x15b: {  	vm6 =	vgt.f32 v7, v62;
	v22 =	vadd.s32 v26, v19;
	v19 =	vmax.f32 v31, v29  }
0x15c: {  	vm4 =	vgt.f32 v12, v27;
	vm8 =	vgt.f32 v8, v63;
	v27 =	vmax.f32 v19, v25  }
0x15d: {  	[tilespmem:v59+s16+$0x0] =	vst.idx.msk vm10, v24;
	v24 =	vsel vm4, $0x10, v1;
	v25 =	vsel vm6, $0x10, v1;
	v23 =	vmax.f32 v27, v28  }
0x15e: {  	vm0 =	vgt.f32 v4, v31;
	v28 =	vadd.s32 v22, v25;
	v25 =	vmax.f32 v23, v38  }
0x15f: {  	s26 =	simm.s32 $0x8180;
	s25 =	simm.s32 $0x0;
	vm7 =	vgt.f32 v6, v19;
	v24 =	vadd.s32 v28, v24;
	v19 =	vmax.f32 v25, v37  }
.LBB2_27:
0x160: {  	v29 =	vld [tilespmem:s26+$0xFFFFFF80];
	s25 =	sadd.s32 $0x10, s25;
	v26 =	vand.u32 $0x3FFF, v26;
	v28 =	vand.u32 $0x3FFF, v28;
	vm10 =	vgt.f32 v5, v27  }
0x161: {  	v17 =	vand.u32 $0x3FFF, v17;
	v21 =	vand.u32 $0x3FFF, v21;
	v22 =	vand.u32 $0x3FFF, v22;
	v27 =	vld [tilespmem:s26+$0x20];
	p0 =	slt.u32 s25, $0x7F0  }
0x162: {  	v18 =	vand.u32 $0x3FFF, v18;
	v20 =	vand.u32 $0x3FFF, v20;
	v30 =	vld [tilespmem:s26+$0x50]  }
0x163: {  	v32 =	vand.u32 $0x3FFF, v24;
	v31 =	vld [tilespmem:s26+$0x30]  }
0x164: {  	vm12 =	vgt.f32 v13, v23;
	vm11 =	vgt.f32 v9, v25;
	v34 =	vsel vm10, $0x10, v1;
	v33 =	vld [tilespmem:s26+$0x40]  }
0x165: {  	v23 =	vadd.f32 $-1.000000000e+00, v29;
	v25 =	vld [tilespmem:s26+$0x0];
	[tilespmem:v26+s16+$0x0] =	vst.idx.msk vm9, v14;
	v14 =	vsel vm8, $0x10, v1;
	v26 =	vsel vm7, $0x10, v1  }
0x166: {  	vm9 =	vgt.f32 v29, v19;
	v35 =	vld [tilespmem:s26+$0xFFFFFFE0];
	[tilespmem:v17+s16+$0x0] =	vst.idx.msk vm3, v15;
	v15 =	vadd.s32 v24, v14;
	v17 =	vsel vm0, $0x10, v1  }
0x167: {  	v19 =	vmax.f32 v19, v23;
	v23 =	vsel vm9, $0x10, v1;
	v14 =	vld [tilespmem:s26+$0xFFFFFFF0];
	[tilespmem:v18+s16+$0x0] =	vst.idx.msk vm5, v10;
	v17 =	vadd.s32 v15, v17  }
0x168: {  	v18 =	vand.u32 $0x3FFF, v15;
	v10 =	vld [tilespmem:s26+$0xFFFFFFC0];
	[tilespmem:v32+s16+$0x0] =	vst.idx.msk vm8, v8;
	v24 =	vand.u32 $0x3FFF, v17;
	v17 =	vadd.s32 v17, v26;
	v8 =	vmovc v27  }
0x169: {  	v15 =	vld [tilespmem:s26+$0xFFFFFFB0];
	[tilespmem:v20+s16+$0x0] =	vst.idx.msk vm1, v16;
	v20 =	vand.u32 $0x3FFF, v17;
	v16 =	vadd.s32 v17, v34;
	v17 =	vsel vm12, $0x10, v1  }
0x16a: {  	v26 =	vld [tilespmem:s26+$0xFFFFFFA0];
	[tilespmem:v21+s16+$0x0] =	vst.idx.msk vm2, v11;
	v21 =	vand.u32 $0x3FFF, v16;
	v34 =	vadd.s32 v16, v17;
	v16 =	vsel vm11, $0x10, v1  }
0x16b: {  	v32 =	vadd.f32 $-1.000000000e+00, v30;
	v27 =	vadd.f32 $-1.000000000e+00, v33;
	v17 =	vld [tilespmem:s26+$0xFFFFFF90];
	[tilespmem:v22+s16+$0x0] =	vst.idx.msk vm6, v7;
	v22 =	vadd.s32 v34, v16;
	v7 =	vmovc v25  }
0x16c: {  	v11 =	vmovc v35;
	v23 =	vadd.s32 v22, v23;
	v16 =	vld [tilespmem:s26+$0xFFFFFFD0];
	v25 =	vadd.f32 $-1.000000000e+00, v7;
	[tilespmem:v28+s16+$0x0] =	vst.idx.msk vm4, v12;
	v28 =	vand.u32 $0x3FFF, v34  }
0x16d: {  	v22 =	vand.u32 $0x3FFF, v22;
	v35 =	vadd.f32 $-1.000000000e+00, v14;
	v34 =	vadd.f32 $-1.000000000e+00, v10;
	v12 =	vld [tilespmem:s26+$0x10];
	[tilespmem:v24+s16+$0x0] =	vst.idx.msk vm7, v6;
	v6 =	vmovc v33  }
0x16e: {  	v33 =	vadd.f32 $-1.000000000e+00, v31;
	v24 =	vadd.f32 $-1.000000000e+00, v15;
	v36 =	vld [tilespmem:s26+$0x70];
	[tilespmem:v20+s16+$0x0] =	vst.idx.msk vm10, v5;
	v5 =	vmov v30  }
0x16f: {  	v20 =	vand.u32 $0x3FFF, v23;
	v30 =	vadd.f32 $-1.000000000e+00, v8;
	[tilespmem:v21+s16+$0x0] =	vst.idx.msk vm12, v13;
	v13 =	vld [tilespmem:s26+$0x60]  }
0x170: {  	v37 =	vadd.f32 $-1.000000000e+00, v11;
	v21 =	vadd.f32 $-1.000000000e+00, v26;
	vm1 =	vgt.f32 v17, v19;
	[tilespmem:v18+s16+$0x0] =	vst.idx.msk vm0, v4;
	v4 =	vmovc v31  }
0x171: {  	v18 =	vadd.f32 $-1.000000000e+00, v17;
	v31 =	vsel vm1, $0x10, v1;
	v38 =	vadd.f32 $-1.000000000e+00, v16;
	[tilespmem:v28+s16+$0x0] =	vst.idx.msk vm11, v9  }
0x172: {  	[tilespmem:v22+s16+$0x0] =	vst.idx.msk vm9, v29;
	v22 =	vadd.s32 v23, v31;
	v23 =	vadd.f32 $-1.000000000e+00, v12  }
0x173: {  	v18 =	vmax.f32 v19, v18;
	v19 =	vand.u32 $0x3FFF, v22;
	v29 =	vadd.f32 $-1.000000000e+00, v36;
	v9 =	vmovc v36  }
0x174: {  	vm0 =	vgt.f32 v26, v18;
	v18 =	vmax.f32 v18, v21;
	v31 =	vadd.f32 $-1.000000000e+00, v13  }
0x175: {  	v21 =	vsel vm0, $0x10, v1;
	vm3 =	vgt.f32 v15, v18;
	v24 =	vmax.f32 v18, v24  }
0x176: {  	v18 =	vsel vm3, $0x10, v1;
	[tilespmem:v20+s16+$0x0] =	vst.idx.msk vm1, v17;
	v17 =	vadd.s32 v22, v21;
	v20 =	vmax.f32 v24, v34  }
0x177: {  	vm5 =	vgt.f32 v10, v24;
	v18 =	vadd.s32 v17, v18;
	v22 =	vmax.f32 v20, v38  }
0x178: {  	v21 =	vsel vm5, $0x10, v1;
	vm1 =	vgt.f32 v16, v20;
	v24 =	vmax.f32 v22, v37  }
0x179: {  	v20 =	vadd.s32 v18, v21;
	v21 =	vsel vm1, $0x10, v1;
	v28 =	vmax.f32 v24, v35  }
0x17a: {  	vm2 =	vgt.f32 v11, v22;
	v21 =	vadd.s32 v20, v21;
	v25 =	vmax.f32 v28, v25  }
0x17b: {  	vm9 =	vgt.f32 v14, v24;
	[tilespmem:v19+s16+$0x0] =	vst.idx.msk vm0, v26;
	v19 =	vsel vm2, $0x10, v1;
	v23 =	vmax.f32 v25, v23  }
0x17c: {  	v26 =	vadd.s32 v21, v19;
	v19 =	vsel vm9, $0x10, v1;
	v24 =	vmax.f32 v23, v30  }
.Ltmp19:
0x17d: {  	vm4 =	vgt.f32 v12, v25;
	v22 =	vadd.s32 v26, v19;
	v19 =	vmax.f32 v24, v33;
	(pc) =	sbr.rel @p0 .LBB2_27-.Ltmp19, $4  }
0x17e: {  	vm6 =	vgt.f32 v7, v28;
	vm8 =	vgt.f32 v8, v23;
	v27 =	vmax.f32 v19, v27  }
0x17f: {  	v25 =	vsel vm6, $0x10, v1;
	vm0 =	vgt.f32 v4, v24;
	v23 =	vmax.f32 v27, v32  }
0x180: {  	v24 =	vsel vm4, $0x10, v1;
	v28 =	vadd.s32 v22, v25;
	v25 =	vmax.f32 v23, v31  }
0x181: {  	s26 =	sadd.s32 $0x100, s26;
	vm7 =	vgt.f32 v6, v19;
	v24 =	vadd.s32 v28, v24;
	v19 =	vmax.f32 v25, v29  }
0x182: {  	v26 =	vand.u32 $0x3FFF, v26  }
0x183: {  	v17 =	vand.u32 $0x3FFF, v17  }
0x184: {  	v18 =	vand.u32 $0x3FFF, v18  }
0x185: {  	v29 =	vand.u32 $0x3FFF, v24;
	v28 =	vand.u32 $0x3FFF, v28  }
0x186: {  	vm10 =	vgt.f32 v5, v27;
	v20 =	vand.u32 $0x3FFF, v20;
	v21 =	vand.u32 $0x3FFF, v21  }
0x187: {  	v22 =	vand.u32 $0x3FFF, v22;
	v53 =	vsel vm8, $0x10, v1;
	v55 =	vsel vm0, $0x10, v1;
	[tilespmem:v26+s16+$0x0] =	vst.idx.msk vm9, v14  }
0x188: {  	vm12 =	vgt.f32 v13, v23;
	v56 =	vsel vm7, $0x10, v1;
	[tilespmem:v17+s16+$0x0] =	vst.idx.msk vm3, v15;
	v14 =	vadd.s32 v24, v53  }
0x189: {  	vm13 =	vgt.f32 v9, v25;
	v54 =	vsel vm10, $0x10, v1;
	[tilespmem:v18+s16+$0x0] =	vst.idx.msk vm5, v10;
	v57 =	vadd.s32 v14, v55  }
0x18a: {  	v60 =	vsel vm12, $0x10, v1;
	[tilespmem:v29+s16+$0x0] =	vst.idx.msk vm8, v8;
	v58 =	vand.u32 $0x3FFF, v57;
	v10 =	vadd.s32 v57, v56  }
0x18b: {  	v62 =	vsel vm13, $0x10, v1;
	[tilespmem:v20+s16+$0x0] =	vst.idx.msk vm1, v16;
	v59 =	vand.u32 $0x3FFF, v10;
	v10 =	vadd.s32 v10, v54  }
0x18c: {  	[tilespmem:v21+s16+$0x0] =	vst.idx.msk vm2, v11;
	v14 =	vand.u32 $0x3FFF, v14;
	v61 =	vand.u32 $0x3FFF, v10;
	v10 =	vadd.s32 v10, v60  }
0x18d: {  	[tilespmem:v22+s16+$0x0] =	vst.idx.msk vm6, v7;
	v7 =	vadd.s32 v10, v62  }
0x18e: {  	[tilespmem:v28+s16+$0x0] =	vst.idx.msk vm4, v12;
	v10 =	vand.u32 $0x3FFF, v10;
	v7 =	vadd.s32 v2, v7  }
0x18f: {  	[tilespmem:v58+s16+$0x0] =	vst.idx.msk vm7, v6;
	v6 =	vshra.s32 v7, $0x1F;
	v63 =	vand.u32 $0xF, v7  }
0x190: {  	vm14 =	vlt.s32 v7, $0x1;
	[tilespmem:v59+s16+$0x0] =	vst.idx.msk vm10, v5;
	v5 =	vshrl.u32 v6, $0x1C;
	vm15 =	vne.s32 v63, $0x0  }
0x191: {  	[tilespmem:v14+s16+$0x0] =	vst.idx.msk vm0, v4;
	v5 =	vadd.s32 v5, v7;
	vm1 =	vmand vm14, vm15  }
0x192: {  	[tilespmem:v61+s16+$0x0] =	vst.idx.msk vm12, v13;
	v4 =	vshra.s32 v5, $0x4;
	v5 =	vsel vm1, $0xFFFFFFFF, v1  }
0x193: {  	[tilespmem:v10+s16+$0x0] =	vst.idx.msk vm13, v9;
	v4 =	vadd.s32 v5, v4  }
0x194: {  	_ =	swait.ge [sflag:s20], $0x8000;
	v5 =	vxor.u32 $0x80000000, v4  }
0x195: {  	(xrf0) =	vmax.scan.msk.u32 $0xffff, v5;
	_ =	sdelay $0x3  }
0x196: {  	(xrf0) =	vmax.scan.msk.f32 $0xffff, v19;
	_ =	sdelay $0x1  }
0x197: {  	v5, _, _ =	vpop (xrf0)  }
0x198: {  	(v2sf) =	vpush v5, $0xF;
	_ =	sdelay $0x2  }
0x199: {  	v5, _, _ =	vpop (xrf0)  }
0x19a: {  	(v2sf) =	vpush v5, $0xF;
	_ =	sdelay $0xa  }
0x19b: {  	s25 =	spop (v2sf)  }
0x19c: {  	s31 =	sadd.s32 $0x7FFFFFFF, s25  }
0x19d: {  	p0 =	sgt.u32 s31, $0x3FF  }
.Ltmp20:
0x19e: {  	_ = 	snop;
	(pc) =	sbr.rel @p0 .LBB2_29-.Ltmp20, $4  }
0x19f: {  	[sflag:s20] =	ssyncset.done $0x0;
	s26 =	spop (v2sf)  }
0x1a0: {  	[sflag:s20] =	ssyncadd.s32 $0xFFFF8000;
	s28 =	sadd.f32 $1.000000000e+00, s26  }
0x1a1: {  	[tilespmem:s2], [sflag:$0x1] =	stream.strided.gather [hbm4b:s7+s18], $0x8000, s12, s18, $0x38;
	[tilespmem:$0x1C800] =	vst v63  }
0x1a2: {  	s26 =	sxor.u32 $0x80000000, s25;
	s25 =	sadd.f32 $-1.000000000e+00, s28  }
0x1a3: {  	v5 =	vimm.f32 $0.0e+00  }
0x1a4: {  	v8 =	vlaneseq.u32;
	s29 =	simm.s32 $0x1;
	s28 =	simm.s32 $0x18000;
	p0 =	sgt.s32 s26, $0x400;
	v6 =	vimm.f32 $0.0e+00;
	v7 =	vmov s25  }
.LBB2_31:
0x1a5: {  	v9 =	vld [tilespmem:s28+$0x0];
	_ =	sdelay $0x2  }
0x1a6: {  	s30 =	sadd.s32 $0xFFFFFFFF, s29  }
0x1a7: {  	v10 =	vmov s30  }
0x1a8: {  	vm1 =	vlt.s32 v10, v4;
	vm0 =	vgt.f32 v9, v7  }
0x1a9: {  	vm0 =	vmand vm1, vm0  }
0x1aa: {  	p1 =	sgt.s32 @!p0 s26, s29;
	v10 =	vand.u32 $0x7FF, v8  }
0x1ab: {  	p1 =	por p0, !p1  }
.Ltmp21:
0x1ac: {  	_ = 	snop;
	(pc) =	sbr.rel @!p1 .LBB2_31-.Ltmp21, $3  }
0x1ad: {  	_ =	sdelay $0x1  }
0x1ae: {  	v11 =	vsel vm0, $0x3F800000, v3;
	[tilespmem:v10+s17+$0x0] =	vst.idx.msk vm0, v9;
	v10 =	vsel vm0, $0x10, v1;
	v9 =	vnsel vm0, $0x0, v9  }
0x1af: {  	s29 =	sadd.s32 $0x1, s29;
	s28 =	sadd.s32 $0x10, s28;
	v5 =	vadd.f32 v11, v5;
	v8 =	vadd.s32 v8, v10;
	v6 =	vadd.f32 v9, v6  }
.Ltmp22:
0x1b0: {  	(pc) =	sbr.rel .LBB2_33-.Ltmp22, $2  }
0x1b1: {  	_ =	sdelay $0x2  }
0x1b2: {  	v4 =	vadd.s32 v2, v8  }
.LBB2_29:
0x1b3: {  	v4 =	vimm.s32 $0x0;
	v6 =	vimm.f32 $0.0e+00;
	v5 =	vimm.f32 $0.0e+00  }
.LBB2_33:
0x1b4: {  	v7 =	vshra.s32 v4, $0x1F;
	v8 =	vand.u32 $0xF, v4  }
0x1b5: {  	vm1 =	vlt.s32 v4, $0x1;
	vm0 =	vne.s32 v8, $0x0;
	v7 =	vshrl.u32 v7, $0x1C  }
0x1b6: {  	v4 =	vadd.s32 v7, v4;
	vm0 =	vmand vm1, vm0  }
0x1b7: {  	v4 =	vshra.s32 v4, $0x4;
	v7 =	vsel vm0, $0xFFFFFFFF, v1  }
0x1b8: {  	v4 =	vadd.s32 v7, v4  }
0x1b9: {  	v7 =	vxor.u32 $0x80000000, v4  }
0x1ba: {  	(xrf0) =	vmax.scan.msk.u32 $0xffff, v7;
	_ =	sdelay $0x5  }
0x1bb: {  	v7, _, _ =	vpop (xrf0)  }
0x1bc: {  	(v2sf) =	vpush v7, $0xF;
	_ =	sdelay $0xe  }
0x1bd: {  	s28 =	spop (v2sf)  }
0x1be: {  	p0 =	sgt.s32 s26, $0x400;
	s26 =	sxor.u32 $0x80000000, s28  }
0x1bf: {  	p1 =	sgt.s32 @!p0 s26, $0x80  }
0x1c0: {  	p0 =	por p0, p1  }
.Ltmp23:
0x1c1: {  	_ = 	snop;
	(pc) =	sbr.rel @p0 .LBB2_45-.Ltmp23, $1  }
0x1c2: {  	_ =	sdelay $0x3  }
0x1c3: {  	(xrf2) =	vadd.scan.msk.f32 $0xffff, v6  }
0x1c4: {  	(xrf2) =	vadd.scan.msk.f32 $0xffff, v5;
	_ =	sdelay $0x8  }
0x1c5: {  	v5, _, _ =	vpop (xrf2)  }
0x1c6: {  	v6, _, _ =	vpop (xrf2)  }
0x1c7: {  	v6 =	vbroadcast v6, $0xF;
	_ =	sdelay $0x1  }
0x1c8: {  	(erf) = vrcp.f32 v6;
	_ =	sdelay $0x5  }
0x1c9: {  	v5 =	vadd.f32 $-1.000000000e+00, v5;
	_ =	sdelay $0x1  }
0x1ca: {  	v5 =	vbroadcast v5, $0xF  }
0x1cb: {  	v6 =	vpop (erf)  }
0x1cc: {  	v5 =	vmul.f32 v6, v5;
	_ =	sdelay $0x1  }
0x1cd: {  	(v2sf) =	vpush v5, $0x0;
	_ =	sdelay $0xe  }
0x1ce: {  	s28 =	spop (v2sf)  }
0x1cf: {  	s28 =	smax.f32 s25, s28  }
0x1d0: {  	p0 =	sgt.f32 s28, s25  }
.Ltmp24:
0x1d1: {  	_ = 	snop;
	(pc) =	sbr.rel @!p0 .LBB2_49-.Ltmp24, $4  }
.Ltmp25:
0x1d2: {  	_ = 	snop;
	(pc) =	sbr.rel @p0 .LBB2_35-.Ltmp25, $4  }
0x1d3: {  	_ = 	snop  }
0x1d4: {  	_ = 	snop  }
0x1d5: {  	s29 =	smov.u32 s28  }
0x1d6: {  	_ = 	snop  }
.LBB2_36:
0x1d7: {  	v5 =	vimm.f32 $0.0e+00;
	v6 =	vimm.f32 $0.0e+00  }
.LBB2_44:
0x1d8: {  	(xrf2) =	vadd.scan.msk.f32 $0xffff, v5  }
0x1d9: {  	(xrf2) =	vadd.scan.msk.f32 $0xffff, v6;
	_ =	sdelay $0x8  }
0x1da: {  	v5, _, _ =	vpop (xrf2)  }
0x1db: {  	v6, _, _ =	vpop (xrf2)  }
0x1dc: {  	v6 =	vbroadcast v6, $0xF;
	_ =	sdelay $0x1  }
0x1dd: {  	(erf) = vrcp.f32 v6;
	_ =	sdelay $0x5  }
0x1de: {  	v5 =	vadd.f32 $-1.000000000e+00, v5;
	_ =	sdelay $0x1  }
0x1df: {  	v5 =	vbroadcast v5, $0xF  }
0x1e0: {  	v6 =	vpop (erf)  }
0x1e1: {  	v5 =	vmul.f32 v6, v5;
	_ =	sdelay $0x1  }
0x1e2: {  	(v2sf) =	vpush v5, $0x0;
	_ =	sdelay $0xe  }
0x1e3: {  	s25 =	spop (v2sf)  }
0x1e4: {  	s29 =	smax.f32 s28, s25  }
0x1e5: {  	p0 =	sgt.f32 s29, s28  }
.Ltmp26:
0x1e6: {  	_ = 	snop;
	(pc) =	sbr.rel @!p0 .LBB2_49-.Ltmp26, $2  }
0x1e7: {  	_ =	sdelay $0x2  }
0x1e8: {  	s28 =	smov.u32 s29  }
.LBB2_35:
0x1e9: {  	p0 =	slt.s32 s26, $0x1  }
.Ltmp27:
0x1ea: {  	_ = 	snop;
	(pc) =	sbr.rel @p0 .LBB2_36-.Ltmp27, $1  }
0x1eb: {  	_ =	sdelay $0x3  }
0x1ec: {  	p1 =	sne.s32 s26, $0x1  }
.Ltmp28:
0x1ed: {  	_ = 	snop;
	(pc) =	sbr.rel @!p1 .LBB2_38-.Ltmp28, $3  }
0x1ee: {  	_ =	sdelay $0x1  }
0x1ef: {  	s30 =	simm.s32 $0x1C000  }
0x1f0: {  	v6 =	vmov s28;
	s29 =	simm.s32 $0x0;
	v5 =	vimm.f32 $0.0e+00;
	s25 =	simm.s32 $0x1;
	p0 =	por $0x0, $0x0;
	v9 =	vld [tilespmem:s30+$0x0]  }
0x1f1: {  	_ = 	snop  }
0x1f2: {  	p1 =	sne.s32 s26, $0x2  }
.Ltmp29:
0x1f3: {  	_ = 	snop;
	(pc) =	sbr.rel @!p1 .LBB2_40-.Ltmp29, $4  }
0x1f4: {  	v7 =	vmov s29  }
0x1f5: {  	vm1 =	vlt.s32 v7, v4;
	vm0 =	vgt.f32 v9, v6  }
0x1f6: {  	s29 =	simm.s32 $0x1C010;
	v8 =	vimm.f32 $0.0e+00;
	vm0 =	vmand vm1, vm0  }
0x1f7: {  	s30 =	simm.s32 $0x2;
	p0 =	por $0x1, $0x1;
	v7 =	vimm.f32 $0.0e+00;
	v10 =	vnsel vm0, $0x0, v9;
	v9 =	vld [tilespmem:s29+$0x0];
	v11 =	vsel vm0, $0x3F800000, v3  }
.LBB2_41:
0x1f8: {  	s31 =	smov.u32 s30;
	s30 =	sadd.s32 $0x1, s30  }
0x1f9: {  	v7 =	vadd.f32 v10, v7;
	v8 =	vadd.f32 v11, v8;
	p1 =	sne.s32 s26, s30  }
.Ltmp30:
0x1fa: {  	(pc) =	sbr.rel @p1 .LBB2_41-.Ltmp30, $4  }
0x1fb: {  	v11 =	vmov s25;
	s25 =	smov.u32 s31  }
0x1fc: {  	s29 =	sadd.s32 $0x10, s29;
	vm1 =	vlt.s32 v11, v4;
	vm0 =	vgt.f32 v9, v6;
	v10 =	vmov v9  }
0x1fd: {  	v9 =	vld [tilespmem:s29+$0x0];
	vm0 =	vmand vm1, vm0  }
0x1fe: {  	v10 =	vnsel vm0, $0x0, v10;
	v11 =	vsel vm0, $0x3F800000, v3  }
0x1ff: {  	s29 =	smov.u32 s25  }
.LBB2_43:
0x200: {  	_ = 	snop  }
0x201: {  	v12 =	vmov s29  }
.Ltmp31:
0x202: {  	vm1 =	vlt.s32 v12, v4;
	vm0 =	vgt.f32 v9, v6;
	v6 =	vadd.f32 @p0 v10, v7;
	(pc) =	sbr.rel .LBB2_44-.Ltmp31, $4  }
0x203: {  	v7 =	vadd.f32 @p0 v11, v8;
	vm0 =	vmand vm1, vm0  }
0x204: {  	v8 =	vnsel vm0, $0x0, v9;
	v6 =	vpsel p0, v6, v5  }
0x205: {  	v63 =	vsel vm0, $0x3F800000, v3;
	v7 =	vpsel p0, v7, v5;
	v5 =	vadd.f32 v8, v6  }
0x206: {  	v6 =	vadd.f32 v63, v7  }
.LBB2_38:
.Ltmp32:
0x207: {  	(pc) =	sbr.rel .LBB2_43-.Ltmp32, $2  }
0x208: {  	_ =	sdelay $0x2  }
0x209: {  	v7 =	vimm.f32 $0.0e+00;
	v8 =	vimm.f32 $0.0e+00  }
.LBB2_40:
.Ltmp33:
0x20a: {  	(pc) =	sbr.rel .LBB2_43-.Ltmp33, $2  }
0x20b: {  	_ =	sdelay $0x2  }
0x20c: {  	v7 =	vimm.f32 $0.0e+00;
	v8 =	vimm.f32 $0.0e+00;
	s29 =	simm.s32 $0x1  }
.LBB2_45:
0x20d: {  	s26 =	sadd.f32 $-1.000000000e+00, s25;
	_ =	sdelay $0x1  }
0x20e: {  	p0 =	sgt.f32 s25, s26  }
.Ltmp34:
0x20f: {  	_ = 	snop;
	(pc) =	sbr.rel @!p0 .LBB2_49-.Ltmp34, $2  }
0x210: {  	_ =	sdelay $0x2  }
0x211: {  	s29 =	smov.u32 s25  }
.LBB2_46:
0x212: {  	s28 =	simm.s32 $0x0  }
0x213: {  	v7 =	vld [tilespmem:s28+$0x8000]  }
0x214: {  	v5 =	vmov s25;
	v4 =	vimm.f32 $0.0e+00;
	s26 =	simm.s32 $0x40;
	v6 =	vimm.f32 $0.0e+00  }
.LBB2_47:
0x215: {  	p0 =	sne.s32 s26, $0x1FFC0  }
.Ltmp35:
0x216: {  	_ = 	snop;
	(pc) =	sbr.rel @p0 .LBB2_47-.Ltmp35, $4  }
0x217: {  	_ = 	snop  }
0x218: {  	s28 =	sshra.s32 s26, $0x2;
	s26 =	sadd.s32 $0x40, s26;
	vm0 =	vgt.f32 v7, v5  }
0x219: {  	v8 =	vnsel vm0, $0x0, v7;
	v7 =	vld [tilespmem:s28+$0x8000];
	v9 =	vsel vm0, $0x3F800000, v3  }
0x21a: {  	v4 =	vadd.f32 v8, v4;
	v6 =	vadd.f32 v9, v6  }
0x21b: {  	_ =	sdelay $0x2  }
0x21c: {  	vm0 =	vgt.f32 v7, v5  }
0x21d: {  	v5 =	vnsel vm0, $0x0, v7  }
0x21e: {  	v63 =	vsel vm0, $0x3F800000, v3;
	v4 =	vadd.f32 v5, v4  }
0x21f: {  	v5 =	vadd.f32 v63, v6  }
0x220: {  	(xrf2) =	vadd.scan.msk.f32 $0xffff, v4  }
0x221: {  	(xrf2) =	vadd.scan.msk.f32 $0xffff, v5;
	_ =	sdelay $0x8  }
0x222: {  	v4, _, _ =	vpop (xrf2)  }
0x223: {  	v5, _, _ =	vpop (xrf2)  }
0x224: {  	v5 =	vbroadcast v5, $0xF;
	_ =	sdelay $0x1  }
0x225: {  	(erf) = vrcp.f32 v5;
	_ =	sdelay $0x5  }
0x226: {  	v4 =	vadd.f32 $-1.000000000e+00, v4;
	_ =	sdelay $0x1  }
0x227: {  	v4 =	vbroadcast v4, $0xF  }
0x228: {  	v5 =	vpop (erf)  }
0x229: {  	v4 =	vmul.f32 v5, v4;
	_ =	sdelay $0x1  }
0x22a: {  	(v2sf) =	vpush v4, $0x0;
	_ =	sdelay $0xe  }
0x22b: {  	s26 =	spop (v2sf)  }
0x22c: {  	s29 =	smax.f32 s25, s26  }
0x22d: {  	p0 =	sgt.f32 s29, s25  }
.Ltmp36:
0x22e: {  	_ = 	snop;
	(pc) =	sbr.rel @p0 .LBB2_46-.Ltmp36, $2  }
0x22f: {  	_ =	sdelay $0x2  }
0x230: {  	s25 =	smov.u32 s29  }
.LBB2_49:
0x231: {  	s25 =	simm.s32 $0x8080  }
0x232: {  	v5 =	vld [tilespmem:s25+$0x70]  }
0x233: {  	v6 =	vld [tilespmem:s25+$0xFFFFFF90]  }
0x234: {  	v7 =	vld [tilespmem:s25+$0xFFFFFFA0]  }
0x235: {  	v8 =	vld [tilespmem:s25+$0xFFFFFFB0]  }
0x236: {  	v4 =	vmov s29;
	v9 =	vld [tilespmem:s25+$0xFFFFFFC0]  }
0x237: {  	v10 =	vld [tilespmem:s25+$0xFFFFFFD0];
	v5 =	vsub.f32 v5, v4  }
0x238: {  	v11 =	vld [tilespmem:s25+$0xFFFFFFE0];
	v6 =	vsub.f32 v6, v4  }
0x239: {  	v12 =	vld [tilespmem:s25+$0xFFFFFFF0];
	v7 =	vsub.f32 v7, v4;
	v5 =	vmax.f32 v5, $0.0e+00  }
0x23a: {  	v13 =	vld [tilespmem:s25+$0x0];
	v8 =	vsub.f32 v8, v4;
	v6 =	vmax.f32 v6, $0.0e+00;
	[tilespmem:s25+$0x70] =	vst v5  }
0x23b: {  	[tilespmem:s25+$0xFFFFFF90] =	vst v6;
	v5 =	vmax.f32 v7, $0.0e+00;
	v6 =	vsub.f32 v9, v4;
	v9 =	vld [tilespmem:s25+$0x10]  }
0x23c: {  	v14 =	vld [tilespmem:s25+$0x20];
	v7 =	vsub.f32 v10, v4;
	[tilespmem:s25+$0xFFFFFFA0] =	vst v5;
	v5 =	vmax.f32 v8, $0.0e+00  }
0x23d: {  	v8 =	vsub.f32 v11, v4;
	[tilespmem:s25+$0xFFFFFFB0] =	vst v5;
	v6 =	vmax.f32 v6, $0.0e+00;
	v5 =	vld [tilespmem:s25+$0x30]  }
0x23e: {  	v10 =	vsub.f32 v12, v4;
	v7 =	vmax.f32 v7, $0.0e+00;
	[tilespmem:s25+$0xFFFFFFC0] =	vst v6;
	v6 =	vld [tilespmem:s25+$0x40]  }
0x23f: {  	v11 =	vsub.f32 v13, v4;
	[tilespmem:s25+$0xFFFFFFD0] =	vst v7;
	v8 =	vmax.f32 v8, $0.0e+00;
	v7 =	vld [tilespmem:s25+$0x50]  }
0x240: {  	v12 =	vmax.f32 v10, $0.0e+00;
	[tilespmem:s25+$0xFFFFFFE0] =	vst v8;
	v8 =	vld [tilespmem:s25+$0x60];
	v10 =	vsub.f32 v9, v4  }
0x241: {  	s26 =	simm.s32 $0x0;
	s28 =	simm.s32 $0x8180;
	[tilespmem:s25+$0xFFFFFFF0] =	vst v12;
	v12 =	vmax.f32 v11, $0.0e+00;
	v11 =	vsub.f32 v14, v4;
	v9 =	vld [tilespmem:s25+$0xFFFFFF80]  }
.LBB2_50:
0x242: {  	v13 =	vld [tilespmem:s28+$0x70];
	s26 =	sadd.s32 $0x10, s26;
	[tilespmem:s25+$0x0] =	vst v12;
	v10 =	vmax.f32 v10, $0.0e+00;
	v5 =	vsub.f32 v5, v4  }
0x243: {  	v12 =	vld [tilespmem:s28+$0xFFFFFF90];
	p0 =	slt.u32 s26, $0x7F0;
	[tilespmem:s25+$0x10] =	vst v10;
	v10 =	vmax.f32 v11, $0.0e+00;
	v6 =	vsub.f32 v6, v4  }
0x244: {  	v11 =	vld [tilespmem:s28+$0xFFFFFFA0];
	[tilespmem:s25+$0x20] =	vst v10;
	v5 =	vmax.f32 v5, $0.0e+00;
	v7 =	vsub.f32 v7, v4  }
0x245: {  	v10 =	vld [tilespmem:s28+$0xFFFFFFB0];
	[tilespmem:s25+$0x30] =	vst v5;
	v5 =	vmax.f32 v6, $0.0e+00;
	v6 =	vsub.f32 v8, v4  }
0x246: {  	v8 =	vld [tilespmem:s28+$0xFFFFFFC0];
	v9 =	vsub.f32 v9, v4;
	[tilespmem:s25+$0x40] =	vst v5;
	v5 =	vmax.f32 v7, $0.0e+00  }
0x247: {  	v7 =	vld [tilespmem:s28+$0xFFFFFFD0];
	v13 =	vsub.f32 v13, v4;
	[tilespmem:s25+$0x50] =	vst v5;
	v5 =	vmax.f32 v6, $0.0e+00  }
0x248: {  	v6 =	vsub.f32 v12, v4;
	v12 =	vld [tilespmem:s28+$0xFFFFFFE0];
	v9 =	vmax.f32 v9, $0.0e+00;
	[tilespmem:s25+$0x60] =	vst v5  }
0x249: {  	v5 =	vsub.f32 v11, v4;
	v11 =	vld [tilespmem:s28+$0xFFFFFFF0];
	v13 =	vmax.f32 v13, $0.0e+00;
	[tilespmem:s25+$0xFFFFFF80] =	vst v9;
	s25 =	smov.u32 s28  }
0x24a: {  	v6 =	vmax.f32 v6, $0.0e+00;
	v9 =	vsub.f32 v10, v4;
	v10 =	vld [tilespmem:s28+$0x0];
	[tilespmem:s28+$0x70] =	vst v13  }
0x24b: {  	[tilespmem:s28+$0xFFFFFF90] =	vst v6;
	v5 =	vmax.f32 v5, $0.0e+00;
	v6 =	vsub.f32 v8, v4;
	v8 =	vld [tilespmem:s28+$0x10]  }
0x24c: {  	[tilespmem:s28+$0xFFFFFFA0] =	vst v5;
	v5 =	vmax.f32 v9, $0.0e+00;
	v7 =	vsub.f32 v7, v4;
	v13 =	vld [tilespmem:s28+$0x20]  }
.Ltmp37:
0x24d: {  	[tilespmem:s28+$0xFFFFFFB0] =	vst v5;
	v6 =	vmax.f32 v6, $0.0e+00;
	v9 =	vsub.f32 v12, v4;
	v5 =	vld [tilespmem:s28+$0x30];
	(pc) =	sbr.rel @p0 .LBB2_50-.Ltmp37, $4  }
0x24e: {  	[tilespmem:s28+$0xFFFFFFC0] =	vst v6;
	v7 =	vmax.f32 v7, $0.0e+00;
	v11 =	vsub.f32 v11, v4;
	v6 =	vld [tilespmem:s28+$0x40]  }
0x24f: {  	[tilespmem:s28+$0xFFFFFFD0] =	vst v7;
	v9 =	vmax.f32 v9, $0.0e+00;
	v12 =	vsub.f32 v10, v4;
	v7 =	vld [tilespmem:s28+$0x50]  }
0x250: {  	[tilespmem:s28+$0xFFFFFFE0] =	vst v9;
	v11 =	vmax.f32 v11, $0.0e+00;
	v10 =	vsub.f32 v8, v4;
	v8 =	vld [tilespmem:s28+$0x60]  }
0x251: {  	s28 =	sadd.s32 $0x100, s28;
	v9 =	vld [tilespmem:s25+$0xFFFFFF80];
	[tilespmem:s25+$0xFFFFFFF0] =	vst v11;
	v12 =	vmax.f32 v12, $0.0e+00;
	v11 =	vsub.f32 v13, v4  }
0x252: {  	[tilespmem:s25+$0x0] =	vst v12;
	v10 =	vmax.f32 v10, $0.0e+00;
	v5 =	vsub.f32 v5, v4  }
0x253: {  	[tilespmem:s25+$0x10] =	vst v10;
	v10 =	vmax.f32 v11, $0.0e+00;
	v6 =	vsub.f32 v6, v4  }
0x254: {  	[tilespmem:s25+$0x20] =	vst v10;
	v5 =	vmax.f32 v5, $0.0e+00;
	v7 =	vsub.f32 v7, v4  }
0x255: {  	[tilespmem:s25+$0x30] =	vst v5;
	v5 =	vmax.f32 v6, $0.0e+00;
	v6 =	vsub.f32 v8, v4  }
0x256: {  	v4 =	vsub.f32 v9, v4;
	[tilespmem:s25+$0x40] =	vst v5;
	v5 =	vmax.f32 v7, $0.0e+00  }
0x257: {  	[tilespmem:s25+$0x50] =	vst v5;
	v5 =	vmax.f32 v6, $0.0e+00  }
0x258: {  	v4 =	vmax.f32 v4, $0.0e+00;
	[tilespmem:s25+$0x60] =	vst v5  }
0x259: {  	[tilespmem:s25+$0xFFFFFF80] =	vst v4  }
0x25a: {  	[hbm4b:s8+s18] =	stream.strided.scatter [tilespmem:s13], [sflag:$0x5], $0x8000, s12, s18, $0x38;
	[tilespmem:$0x1C800] =	vst v63  }
0x25b: {  	_ =	swait.ge [sflag:s21], $0x8000  }
0x25c: {  	[sflag:s21] =	ssyncset.done $0x0  }
0x25d: {  	s31 =	simm.s32 $0x10080;
	[sflag:s21] =	ssyncadd.s32 $0xFFFF8000  }
0x25e: {  	v21 =	vld [tilespmem:s31+$0xFFFFFF80]  }
0x25f: {  	v8 =	vld [tilespmem:s31+$0x20]  }
0x260: {  	v5 =	vld [tilespmem:s31+$0x50]  }
0x261: {  	v4 =	vld [tilespmem:s31+$0x30]  }
0x262: {  	v6 =	vld [tilespmem:s31+$0x40]  }
0x263: {  	v7 =	vld [tilespmem:s31+$0x0]  }
0x264: {  	v12 =	vld [tilespmem:s31+$0xFFFFFFF0]  }
0x265: {  	v9 =	vld [tilespmem:s31+$0xFFFFFFC0]  }
0x266: {  	v14 =	vld [tilespmem:s31+$0xFFFFFFB0]  }
0x267: {  	v10 =	vld [tilespmem:s31+$0xFFFFFFE0]  }
0x268: {  	v24 =	vld [tilespmem:s31+$0xFFFFFFA0];
	v13 =	vadd.f32 $-1.000000000e+00, v21  }
0x269: {  	v15 =	vlaneseq.u32;
	v23 =	vld [tilespmem:s31+$0xFFFFFF90];
	v25 =	vadd.f32 $-1.000000000e+00, v6;
	v26 =	vadd.f32 $-1.000000000e+00, v5  }
0x26a: {  	v11 =	vimm.f32 $-3.000000010e+38;
	v16 =	vld [tilespmem:s31+$0xFFFFFFD0];
	v22 =	vadd.f32 $-1.000000000e+00, v7;
	v19 =	vadd.f32 $-1.000000000e+00, v9  }
0x26b: {  	v27 =	vand.u32 $0x3FFF, v15;
	v20 =	vadd.f32 $-1.000000000e+00, v12;
	v28 =	vadd.f32 $-1.000000000e+00, v14  }
0x26c: {  	vm0 =	vgt.f32 v21, v11;
	v29 =	vadd.f32 $-1.000000000e+00, v4;
	v31 =	vadd.f32 $-1.000000000e+00, v8  }
0x26d: {  	v32 =	vadd.f32 $-1.000000000e+00, v24;
	v17 =	vmax.f32 v11, v13;
	v11 =	vsel vm0, $0x10, v1;
	v13 =	vld [tilespmem:s31+$0x10]  }
0x26e: {  	v18 =	vadd.s32 v15, v11;
	v11 =	vld [tilespmem:s31+$0x70];
	vm7 =	vgt.f32 v23, v17;
	v15 =	vadd.f32 $-1.000000000e+00, v23  }
0x26f: {  	v33 =	vadd.f32 $-1.000000000e+00, v10;
	v35 =	vadd.f32 $-1.000000000e+00, v16;
	v34 =	vsel vm7, $0x10, v1  }
0x270: {  	v30 =	vand.u32 $0x3FFF, v18;
	v18 =	vadd.s32 v18, v34;
	v15 =	vmax.f32 v17, v15  }
0x271: {  	vm10 =	vgt.f32 v24, v15;
	v17 =	vmax.f32 v15, v32;
	v59 =	vand.u32 $0x3FFF, v18  }
0x272: {  	v58 =	vadd.f32 $-1.000000000e+00, v13;
	v36 =	vsel vm10, $0x10, v1;
	vm1 =	vgt.f32 v14, v17  }
0x273: {  	v15 =	vld [tilespmem:s31+$0x60];
	v28 =	vmax.f32 v17, v28;
	v37 =	vadd.f32 $-1.000000000e+00, v11;
	v17 =	vadd.s32 v18, v36  }
0x274: {  	v18 =	vsel vm1, $0x10, v1;
	v19 =	vmax.f32 v28, v19;
	vm4 =	vgt.f32 v9, v28  }
0x275: {  	v18 =	vadd.s32 v17, v18;
	v28 =	vmax.f32 v19, v35;
	v60 =	vsel vm4, $0x10, v1  }
0x276: {  	vm2 =	vgt.f32 v16, v19;
	v33 =	vmax.f32 v28, v33;
	v19 =	vadd.s32 v18, v60  }
0x277: {  	v61 =	vsel vm2, $0x10, v1;
	vm3 =	vgt.f32 v10, v28;
	v62 =	vmax.f32 v33, v20  }
0x278: {  	v38 =	vadd.f32 $-1.000000000e+00, v15;
	v20 =	vadd.s32 v19, v61;
	v28 =	vmax.f32 v62, v22  }
0x279: {  	vm8 =	vgt.f32 v12, v33;
	v22 =	vsel vm3, $0x10, v1;
	v63 =	vmax.f32 v28, v58  }
0x27a: {  	[tilespmem:v27+s16+$0x0] =	vst.idx.msk vm0, v21;
	v21 =	vsel vm8, $0x10, v1;
	vm6 =	vgt.f32 v7, v62;
	v27 =	vmax.f32 v63, v31  }
0x27b: {  	v22 =	vadd.s32 v20, v22;
	vm5 =	vgt.f32 v13, v28;
	v29 =	vmax.f32 v27, v29  }
0x27c: {  	[tilespmem:v30+s16+$0x0] =	vst.idx.msk vm7, v23;
	v23 =	vsel vm6, $0x10, v1;
	v21 =	vadd.s32 v22, v21;
	v28 =	vmax.f32 v29, v25  }
0x27d: {  	vm9 =	vgt.f32 v8, v63;
	vm0 =	vgt.f32 v4, v27;
	v25 =	vmax.f32 v28, v26  }
0x27e: {  	[tilespmem:v59+s16+$0x0] =	vst.idx.msk vm10, v24;
	v26 =	vadd.s32 v21, v23;
	v23 =	vsel vm5, $0x10, v1;
	v27 =	vmax.f32 v25, v38  }
0x27f: {  	s26 =	simm.s32 $0x10180;
	s25 =	simm.s32 $0x0;
	vm7 =	vgt.f32 v6, v29;
	v23 =	vadd.s32 v26, v23;
	v24 =	vmax.f32 v27, v37  }
.LBB2_52:
0x280: {  	v29 =	vld [tilespmem:s26+$0xFFFFFF80];
	s25 =	sadd.s32 $0x10, s25;
	v22 =	vand.u32 $0x3FFF, v22;
	v26 =	vand.u32 $0x3FFF, v26;
	vm10 =	vgt.f32 v5, v28  }
0x281: {  	v17 =	vand.u32 $0x3FFF, v17;
	v20 =	vand.u32 $0x3FFF, v20;
	v21 =	vand.u32 $0x3FFF, v21;
	v28 =	vld [tilespmem:s26+$0x20];
	p0 =	slt.u32 s25, $0x7F0  }
0x282: {  	v18 =	vand.u32 $0x3FFF, v18;
	v19 =	vand.u32 $0x3FFF, v19;
	v30 =	vld [tilespmem:s26+$0x50]  }
0x283: {  	v32 =	vand.u32 $0x3FFF, v23;
	v31 =	vld [tilespmem:s26+$0x30]  }
0x284: {  	vm12 =	vgt.f32 v15, v25;
	vm11 =	vgt.f32 v11, v27;
	v34 =	vsel vm10, $0x10, v1;
	v33 =	vld [tilespmem:s26+$0x40]  }
0x285: {  	v25 =	vadd.f32 $-1.000000000e+00, v29;
	v27 =	vld [tilespmem:s26+$0x0];
	[tilespmem:v22+s16+$0x0] =	vst.idx.msk vm8, v12;
	v12 =	vsel vm9, $0x10, v1;
	v22 =	vsel vm7, $0x10, v1  }
0x286: {  	vm8 =	vgt.f32 v29, v24;
	v35 =	vld [tilespmem:s26+$0xFFFFFFE0];
	[tilespmem:v17+s16+$0x0] =	vst.idx.msk vm1, v14;
	v14 =	vadd.s32 v23, v12;
	v17 =	vsel vm0, $0x10, v1  }
0x287: {  	v23 =	vmax.f32 v24, v25;
	v24 =	vsel vm8, $0x10, v1;
	v12 =	vld [tilespmem:s26+$0xFFFFFFF0];
	[tilespmem:v18+s16+$0x0] =	vst.idx.msk vm4, v9;
	v17 =	vadd.s32 v14, v17  }
0x288: {  	v18 =	vand.u32 $0x3FFF, v14;
	v9 =	vld [tilespmem:s26+$0xFFFFFFC0];
	[tilespmem:v32+s16+$0x0] =	vst.idx.msk vm9, v8;
	v25 =	vand.u32 $0x3FFF, v17;
	v17 =	vadd.s32 v17, v22;
	v8 =	vmovc v28  }
0x289: {  	v14 =	vld [tilespmem:s26+$0xFFFFFFB0];
	[tilespmem:v19+s16+$0x0] =	vst.idx.msk vm2, v16;
	v19 =	vand.u32 $0x3FFF, v17;
	v16 =	vadd.s32 v17, v34;
	v17 =	vsel vm12, $0x10, v1  }
0x28a: {  	v22 =	vld [tilespmem:s26+$0xFFFFFFA0];
	[tilespmem:v20+s16+$0x0] =	vst.idx.msk vm3, v10;
	v20 =	vand.u32 $0x3FFF, v16;
	v34 =	vadd.s32 v16, v17;
	v16 =	vsel vm11, $0x10, v1  }
0x28b: {  	v32 =	vadd.f32 $-1.000000000e+00, v30;
	v28 =	vadd.f32 $-1.000000000e+00, v33;
	v17 =	vld [tilespmem:s26+$0xFFFFFF90];
	[tilespmem:v21+s16+$0x0] =	vst.idx.msk vm6, v7;
	v21 =	vadd.s32 v34, v16;
	v7 =	vmovc v27  }
0x28c: {  	v10 =	vmovc v35;
	v24 =	vadd.s32 v21, v24;
	v16 =	vld [tilespmem:s26+$0xFFFFFFD0];
	v27 =	vadd.f32 $-1.000000000e+00, v7;
	[tilespmem:v26+s16+$0x0] =	vst.idx.msk vm5, v13;
	v26 =	vand.u32 $0x3FFF, v34  }
0x28d: {  	v21 =	vand.u32 $0x3FFF, v21;
	v35 =	vadd.f32 $-1.000000000e+00, v12;
	v34 =	vadd.f32 $-1.000000000e+00, v9;
	v13 =	vld [tilespmem:s26+$0x10];
	[tilespmem:v25+s16+$0x0] =	vst.idx.msk vm7, v6;
	v6 =	vmovc v33  }
0x28e: {  	v33 =	vadd.f32 $-1.000000000e+00, v31;
	v25 =	vadd.f32 $-1.000000000e+00, v14;
	v36 =	vld [tilespmem:s26+$0x70];
	[tilespmem:v19+s16+$0x0] =	vst.idx.msk vm10, v5;
	v5 =	vmov v30  }
0x28f: {  	v19 =	vand.u32 $0x3FFF, v24;
	v30 =	vadd.f32 $-1.000000000e+00, v8;
	[tilespmem:v20+s16+$0x0] =	vst.idx.msk vm12, v15;
	v15 =	vld [tilespmem:s26+$0x60]  }
0x290: {  	v37 =	vadd.f32 $-1.000000000e+00, v10;
	v20 =	vadd.f32 $-1.000000000e+00, v22;
	vm2 =	vgt.f32 v17, v23;
	[tilespmem:v18+s16+$0x0] =	vst.idx.msk vm0, v4;
	v4 =	vmovc v31  }
0x291: {  	v18 =	vadd.f32 $-1.000000000e+00, v17;
	v31 =	vsel vm2, $0x10, v1;
	v38 =	vadd.f32 $-1.000000000e+00, v16;
	[tilespmem:v26+s16+$0x0] =	vst.idx.msk vm11, v11  }
0x292: {  	[tilespmem:v21+s16+$0x0] =	vst.idx.msk vm8, v29;
	v21 =	vadd.s32 v24, v31;
	v24 =	vadd.f32 $-1.000000000e+00, v13  }
0x293: {  	v18 =	vmax.f32 v23, v18;
	v23 =	vand.u32 $0x3FFF, v21;
	v29 =	vadd.f32 $-1.000000000e+00, v36;
	v11 =	vmovc v36  }
0x294: {  	vm0 =	vgt.f32 v22, v18;
	v18 =	vmax.f32 v18, v20;
	v31 =	vadd.f32 $-1.000000000e+00, v15  }
0x295: {  	v20 =	vsel vm0, $0x10, v1;
	vm1 =	vgt.f32 v14, v18;
	v25 =	vmax.f32 v18, v25  }
0x296: {  	v18 =	vsel vm1, $0x10, v1;
	[tilespmem:v19+s16+$0x0] =	vst.idx.msk vm2, v17;
	v17 =	vadd.s32 v21, v20;
	v19 =	vmax.f32 v25, v34  }
0x297: {  	vm4 =	vgt.f32 v9, v25;
	v18 =	vadd.s32 v17, v18;
	v21 =	vmax.f32 v19, v38  }
0x298: {  	v20 =	vsel vm4, $0x10, v1;
	vm2 =	vgt.f32 v16, v19;
	v25 =	vmax.f32 v21, v37  }
0x299: {  	v19 =	vadd.s32 v18, v20;
	v20 =	vsel vm2, $0x10, v1;
	v26 =	vmax.f32 v25, v35  }
0x29a: {  	vm3 =	vgt.f32 v10, v21;
	v20 =	vadd.s32 v19, v20;
	v27 =	vmax.f32 v26, v27  }
0x29b: {  	v21 =	vsel vm3, $0x10, v1;
	vm8 =	vgt.f32 v12, v25;
	[tilespmem:v23+s16+$0x0] =	vst.idx.msk vm0, v22;
	v23 =	vmax.f32 v27, v24  }
0x29c: {  	v22 =	vadd.s32 v20, v21;
	v21 =	vsel vm8, $0x10, v1;
	v24 =	vmax.f32 v23, v30  }
.Ltmp38:
0x29d: {  	vm5 =	vgt.f32 v13, v27;
	v21 =	vadd.s32 v22, v21;
	v30 =	vmax.f32 v24, v33;
	(pc) =	sbr.rel @p0 .LBB2_52-.Ltmp38, $4  }
0x29e: {  	vm6 =	vgt.f32 v7, v26;
	vm9 =	vgt.f32 v8, v23;
	v28 =	vmax.f32 v30, v28  }
0x29f: {  	v23 =	vsel vm6, $0x10, v1;
	vm0 =	vgt.f32 v4, v24;
	v25 =	vmax.f32 v28, v32  }
0x2a0: {  	v26 =	vadd.s32 v21, v23;
	v23 =	vsel vm5, $0x10, v1;
	v27 =	vmax.f32 v25, v31  }
0x2a1: {  	s26 =	sadd.s32 $0x100, s26;
	v23 =	vadd.s32 v26, v23;
	vm7 =	vgt.f32 v6, v30;
	v24 =	vmax.f32 v27, v29  }
0x2a2: {  	v29 =	vsel vm9, $0x10, v1  }
0x2a3: {  	v30 =	vsel vm0, $0x10, v1;
	v29 =	vadd.s32 v23, v29  }
0x2a4: {  	vm11 =	vgt.f32 v5, v28;
	v53 =	vsel vm7, $0x10, v1;
	v30 =	vadd.s32 v29, v30  }
0x2a5: {  	vm12 =	vgt.f32 v15, v25;
	v31 =	vsel vm11, $0x10, v1;
	v28 =	vadd.s32 v30, v53  }
0x2a6: {  	vm10 =	vgt.f32 v11, v27;
	v25 =	vsel vm12, $0x10, v1;
	v27 =	vadd.s32 v28, v31  }
0x2a7: {  	v31 =	vadd.s32 v27, v25;
	v25 =	vsel vm10, $0x10, v1  }
0x2a8: {  	v25 =	vadd.s32 v31, v25  }
0x2a9: {  	v25 =	vadd.s32 v2, v25  }
0x2aa: {  	v32 =	vshra.s32 v25, $0x1F;
	v33 =	vand.u32 $0xF, v25  }
0x2ab: {  	vm14 =	vlt.s32 v25, $0x1;
	vm13 =	vne.s32 v33, $0x0;
	v32 =	vshrl.u32 v32, $0x1C  }
0x2ac: {  	vm13 =	vmand vm14, vm13;
	v25 =	vadd.s32 v32, v25  }
0x2ad: {  	v54 =	vsel vm13, $0xFFFFFFFF, v1;
	v25 =	vshra.s32 v25, $0x4  }
0x2ae: {  	v25 =	vadd.s32 v54, v25  }
0x2af: {  	v32 =	vxor.u32 $0x80000000, v25  }
0x2b0: {  	(xrf0) =	vmax.scan.msk.u32 $0xffff, v32;
	_ =	sdelay $0x3  }
0x2b1: {  	(xrf0) =	vmax.scan.msk.f32 $0xffff, v24;
	_ =	sdelay $0x1  }
0x2b2: {  	v24, _, _ =	vpop (xrf0)  }
0x2b3: {  	(v2sf) =	vpush v24, $0xF;
	_ =	sdelay $0x2  }
0x2b4: {  	v24, _, _ =	vpop (xrf0)  }
0x2b5: {  	(v2sf) =	vpush v24, $0xF  }
0x2b6: {  	v22 =	vand.u32 $0x3FFF, v22  }
0x2b7: {  	v17 =	vand.u32 $0x3FFF, v17  }
0x2b8: {  	v18 =	vand.u32 $0x3FFF, v18  }
0x2b9: {  	v55 =	vand.u32 $0x3FFF, v23  }
0x2ba: {  	v19 =	vand.u32 $0x3FFF, v19  }
0x2bb: {  	v56 =	vand.u32 $0x3FFF, v20;
	[tilespmem:v22+s16+$0x0] =	vst.idx.msk vm8, v12  }
0x2bc: {  	v57 =	vand.u32 $0x3FFF, v21;
	[tilespmem:v17+s16+$0x0] =	vst.idx.msk vm1, v14  }
0x2bd: {  	v58 =	vand.u32 $0x3FFF, v26;
	[tilespmem:v18+s16+$0x0] =	vst.idx.msk vm4, v9  }
0x2be: {  	v62 =	vand.u32 $0x3FFF, v29;
	[tilespmem:v55+s16+$0x0] =	vst.idx.msk vm9, v8  }
0x2bf: {  	v59 =	vand.u32 $0x3FFF, v30;
	[tilespmem:v19+s16+$0x0] =	vst.idx.msk vm2, v16  }
0x2c0: {  	v60 =	vand.u32 $0x3FFF, v28;
	[tilespmem:v56+s16+$0x0] =	vst.idx.msk vm3, v10;
	s25 =	spop (v2sf)  }
0x2c1: {  	v61 =	vand.u32 $0x3FFF, v27;
	[tilespmem:v57+s16+$0x0] =	vst.idx.msk vm6, v7;
	s31 =	sadd.s32 $0x7FFFFFFF, s25  }
0x2c2: {  	[tilespmem:v58+s16+$0x0] =	vst.idx.msk vm5, v13;
	v63 =	vand.u32 $0x3FFF, v31;
	p0 =	sgt.u32 s31, $0x3FF  }
.Ltmp39:
0x2c3: {  	[tilespmem:v62+s16+$0x0] =	vst.idx.msk vm0, v4;
	(pc) =	sbr.rel @p0 .LBB2_54-.Ltmp39, $4  }
0x2c4: {  	[tilespmem:v59+s16+$0x0] =	vst.idx.msk vm7, v6;
	s26 =	spop (v2sf)  }
0x2c5: {  	[tilespmem:v60+s16+$0x0] =	vst.idx.msk vm11, v5;
	s28 =	sadd.f32 $1.000000000e+00, s26  }
0x2c6: {  	[tilespmem:v61+s16+$0x0] =	vst.idx.msk vm12, v15  }
0x2c7: {  	[tilespmem:v63+s16+$0x0] =	vst.idx.msk vm10, v11;
	s26 =	sxor.u32 $0x80000000, s25;
	s25 =	sadd.f32 $-1.000000000e+00, s28  }
0x2c8: {  	v5 =	vimm.f32 $0.0e+00  }
0x2c9: {  	v7 =	vlaneseq.u32;
	s29 =	simm.s32 $0x1;
	s28 =	simm.s32 $0x18000;
	p0 =	sgt.s32 s26, $0x400;
	v6 =	vimm.f32 $0.0e+00;
	v4 =	vmov s25  }
.LBB2_56:
0x2ca: {  	v8 =	vld [tilespmem:s28+$0x0];
	_ =	sdelay $0x2  }
0x2cb: {  	s30 =	sadd.s32 $0xFFFFFFFF, s29  }
0x2cc: {  	v9 =	vmov s30  }
0x2cd: {  	vm1 =	vlt.s32 v9, v25;
	vm0 =	vgt.f32 v8, v4  }
0x2ce: {  	vm0 =	vmand vm1, vm0  }
0x2cf: {  	v62 =	vand.u32 $0x7FF, v7;
	p1 =	sgt.s32 @!p0 s26, s29  }
0x2d0: {  	p1 =	por p0, !p1  }
.Ltmp40:
0x2d1: {  	_ = 	snop;
	(pc) =	sbr.rel @!p1 .LBB2_56-.Ltmp40, $3  }
0x2d2: {  	_ =	sdelay $0x1  }
0x2d3: {  	v63 =	vsel vm0, $0x10, v1;
	v10 =	vsel vm0, $0x3F800000, v3;
	[tilespmem:v62+s17+$0x0] =	vst.idx.msk vm0, v8;
	v8 =	vnsel vm0, $0x0, v8  }
0x2d4: {  	s29 =	sadd.s32 $0x1, s29;
	s28 =	sadd.s32 $0x10, s28;
	v7 =	vadd.s32 v7, v63;
	v5 =	vadd.f32 v10, v5;
	v6 =	vadd.f32 v8, v6  }
.Ltmp41:
0x2d5: {  	(pc) =	sbr.rel .LBB2_58-.Ltmp41, $2  }
0x2d6: {  	_ =	sdelay $0x2  }
0x2d7: {  	v4 =	vadd.s32 v2, v7  }
.LBB2_54:
0x2d8: {  	v4 =	vimm.s32 $0x0;
	v6 =	vimm.f32 $0.0e+00;
	v5 =	vimm.f32 $0.0e+00  }
.LBB2_58:
0x2d9: {  	v7 =	vshra.s32 v4, $0x1F;
	v8 =	vand.u32 $0xF, v4  }
0x2da: {  	vm1 =	vlt.s32 v4, $0x1;
	vm0 =	vne.s32 v8, $0x0;
	v7 =	vshrl.u32 v7, $0x1C  }
0x2db: {  	v4 =	vadd.s32 v7, v4;
	vm0 =	vmand vm1, vm0  }
0x2dc: {  	v4 =	vshra.s32 v4, $0x4;
	v7 =	vsel vm0, $0xFFFFFFFF, v1  }
0x2dd: {  	v4 =	vadd.s32 v7, v4  }
0x2de: {  	v7 =	vxor.u32 $0x80000000, v4  }
0x2df: {  	(xrf0) =	vmax.scan.msk.u32 $0xffff, v7;
	_ =	sdelay $0x5  }
0x2e0: {  	v7, _, _ =	vpop (xrf0)  }
0x2e1: {  	(v2sf) =	vpush v7, $0xF;
	_ =	sdelay $0xe  }
0x2e2: {  	s28 =	spop (v2sf)  }
0x2e3: {  	p0 =	sgt.s32 s26, $0x400;
	s26 =	sxor.u32 $0x80000000, s28  }
0x2e4: {  	p1 =	sgt.s32 @!p0 s26, $0x80  }
0x2e5: {  	p0 =	por p0, p1  }
.Ltmp42:
0x2e6: {  	_ = 	snop;
	(pc) =	sbr.rel @p0 .LBB2_70-.Ltmp42, $1  }
0x2e7: {  	_ =	sdelay $0x3  }
0x2e8: {  	(xrf2) =	vadd.scan.msk.f32 $0xffff, v6  }
0x2e9: {  	(xrf2) =	vadd.scan.msk.f32 $0xffff, v5;
	_ =	sdelay $0x8  }
0x2ea: {  	v5, _, _ =	vpop (xrf2)  }
0x2eb: {  	v6, _, _ =	vpop (xrf2)  }
0x2ec: {  	v6 =	vbroadcast v6, $0xF;
	_ =	sdelay $0x1  }
0x2ed: {  	(erf) = vrcp.f32 v6;
	_ =	sdelay $0x5  }
0x2ee: {  	v5 =	vadd.f32 $-1.000000000e+00, v5;
	_ =	sdelay $0x1  }
0x2ef: {  	v5 =	vbroadcast v5, $0xF  }
0x2f0: {  	v6 =	vpop (erf)  }
0x2f1: {  	v5 =	vmul.f32 v6, v5;
	_ =	sdelay $0x1  }
0x2f2: {  	(v2sf) =	vpush v5, $0x0;
	_ =	sdelay $0xe  }
0x2f3: {  	s28 =	spop (v2sf)  }
0x2f4: {  	s28 =	smax.f32 s25, s28  }
0x2f5: {  	p0 =	sgt.f32 s28, s25  }
.Ltmp43:
0x2f6: {  	_ = 	snop;
	(pc) =	sbr.rel @!p0 .LBB2_74-.Ltmp43, $4  }
.Ltmp44:
0x2f7: {  	_ = 	snop;
	(pc) =	sbr.rel @p0 .LBB2_60-.Ltmp44, $4  }
0x2f8: {  	_ = 	snop  }
0x2f9: {  	_ = 	snop  }
0x2fa: {  	s29 =	smov.u32 s28  }
0x2fb: {  	_ = 	snop  }
.LBB2_61:
0x2fc: {  	v5 =	vimm.f32 $0.0e+00;
	v6 =	vimm.f32 $0.0e+00  }
.LBB2_69:
0x2fd: {  	(xrf2) =	vadd.scan.msk.f32 $0xffff, v5  }
0x2fe: {  	(xrf2) =	vadd.scan.msk.f32 $0xffff, v6;
	_ =	sdelay $0x8  }
0x2ff: {  	v5, _, _ =	vpop (xrf2)  }
0x300: {  	v6, _, _ =	vpop (xrf2)  }
0x301: {  	v6 =	vbroadcast v6, $0xF;
	_ =	sdelay $0x1  }
0x302: {  	(erf) = vrcp.f32 v6;
	_ =	sdelay $0x5  }
0x303: {  	v5 =	vadd.f32 $-1.000000000e+00, v5;
	_ =	sdelay $0x1  }
0x304: {  	v5 =	vbroadcast v5, $0xF  }
0x305: {  	v6 =	vpop (erf)  }
0x306: {  	v5 =	vmul.f32 v6, v5;
	_ =	sdelay $0x1  }
0x307: {  	(v2sf) =	vpush v5, $0x0;
	_ =	sdelay $0xe  }
0x308: {  	s25 =	spop (v2sf)  }
0x309: {  	s29 =	smax.f32 s28, s25  }
0x30a: {  	p0 =	sgt.f32 s29, s28  }
.Ltmp45:
0x30b: {  	_ = 	snop;
	(pc) =	sbr.rel @!p0 .LBB2_74-.Ltmp45, $2  }
0x30c: {  	_ =	sdelay $0x2  }
0x30d: {  	s28 =	smov.u32 s29  }
.LBB2_60:
0x30e: {  	p0 =	slt.s32 s26, $0x1  }
.Ltmp46:
0x30f: {  	_ = 	snop;
	(pc) =	sbr.rel @p0 .LBB2_61-.Ltmp46, $1  }
0x310: {  	_ =	sdelay $0x3  }
0x311: {  	p1 =	sne.s32 s26, $0x1  }
.Ltmp47:
0x312: {  	_ = 	snop;
	(pc) =	sbr.rel @!p1 .LBB2_63-.Ltmp47, $3  }
0x313: {  	_ =	sdelay $0x1  }
0x314: {  	s30 =	simm.s32 $0x1C000  }
0x315: {  	v6 =	vmov s28;
	s29 =	simm.s32 $0x0;
	v5 =	vimm.f32 $0.0e+00;
	s25 =	simm.s32 $0x1;
	p0 =	por $0x0, $0x0;
	v9 =	vld [tilespmem:s30+$0x0]  }
0x316: {  	_ = 	snop  }
0x317: {  	p1 =	sne.s32 s26, $0x2  }
.Ltmp48:
0x318: {  	_ = 	snop;
	(pc) =	sbr.rel @!p1 .LBB2_65-.Ltmp48, $4  }
0x319: {  	v7 =	vmov s29  }
0x31a: {  	vm1 =	vlt.s32 v7, v4;
	vm0 =	vgt.f32 v9, v6  }
0x31b: {  	s29 =	simm.s32 $0x1C010;
	v8 =	vimm.f32 $0.0e+00;
	vm0 =	vmand vm1, vm0  }
0x31c: {  	s30 =	simm.s32 $0x2;
	p0 =	por $0x1, $0x1;
	v7 =	vimm.f32 $0.0e+00;
	v10 =	vnsel vm0, $0x0, v9;
	v9 =	vld [tilespmem:s29+$0x0];
	v11 =	vsel vm0, $0x3F800000, v3  }
.LBB2_66:
0x31d: {  	s31 =	smov.u32 s30;
	s30 =	sadd.s32 $0x1, s30  }
0x31e: {  	v7 =	vadd.f32 v10, v7;
	v8 =	vadd.f32 v11, v8;
	p1 =	sne.s32 s26, s30  }
.Ltmp49:
0x31f: {  	(pc) =	sbr.rel @p1 .LBB2_66-.Ltmp49, $4  }
0x320: {  	v11 =	vmov s25;
	s25 =	smov.u32 s31  }
0x321: {  	s29 =	sadd.s32 $0x10, s29;
	vm1 =	vlt.s32 v11, v4;
	vm0 =	vgt.f32 v9, v6;
	v10 =	vmov v9  }
0x322: {  	v9 =	vld [tilespmem:s29+$0x0];
	vm0 =	vmand vm1, vm0  }
0x323: {  	v10 =	vnsel vm0, $0x0, v10;
	v11 =	vsel vm0, $0x3F800000, v3  }
0x324: {  	s29 =	smov.u32 s25  }
.LBB2_68:
0x325: {  	_ = 	snop  }
0x326: {  	v12 =	vmov s29  }
.Ltmp50:
0x327: {  	vm1 =	vlt.s32 v12, v4;
	vm0 =	vgt.f32 v9, v6;
	v6 =	vadd.f32 @p0 v10, v7;
	(pc) =	sbr.rel .LBB2_69-.Ltmp50, $4  }
0x328: {  	v7 =	vadd.f32 @p0 v11, v8;
	vm0 =	vmand vm1, vm0  }
0x329: {  	v8 =	vnsel vm0, $0x0, v9;
	v6 =	vpsel p0, v6, v5  }
0x32a: {  	v63 =	vsel vm0, $0x3F800000, v3;
	v7 =	vpsel p0, v7, v5;
	v5 =	vadd.f32 v8, v6  }
0x32b: {  	v6 =	vadd.f32 v63, v7  }
.LBB2_63:
.Ltmp51:
0x32c: {  	(pc) =	sbr.rel .LBB2_68-.Ltmp51, $2  }
0x32d: {  	_ =	sdelay $0x2  }
0x32e: {  	v7 =	vimm.f32 $0.0e+00;
	v8 =	vimm.f32 $0.0e+00  }
.LBB2_65:
.Ltmp52:
0x32f: {  	(pc) =	sbr.rel .LBB2_68-.Ltmp52, $2  }
0x330: {  	_ =	sdelay $0x2  }
0x331: {  	v7 =	vimm.f32 $0.0e+00;
	v8 =	vimm.f32 $0.0e+00;
	s29 =	simm.s32 $0x1  }
.LBB2_70:
0x332: {  	s26 =	sadd.f32 $-1.000000000e+00, s25;
	_ =	sdelay $0x1  }
0x333: {  	p0 =	sgt.f32 s25, s26  }
.Ltmp53:
0x334: {  	_ = 	snop;
	(pc) =	sbr.rel @!p0 .LBB2_74-.Ltmp53, $2  }
0x335: {  	_ =	sdelay $0x2  }
0x336: {  	s29 =	smov.u32 s25  }
.LBB2_71:
0x337: {  	s28 =	simm.s32 $0x0  }
0x338: {  	v7 =	vld [tilespmem:s28+$0x10000]  }
0x339: {  	v5 =	vmov s25;
	v4 =	vimm.f32 $0.0e+00;
	s26 =	simm.s32 $0x40;
	v6 =	vimm.f32 $0.0e+00  }
.LBB2_72:
0x33a: {  	p0 =	sne.s32 s26, $0x1FFC0  }
.Ltmp54:
0x33b: {  	_ = 	snop;
	(pc) =	sbr.rel @p0 .LBB2_72-.Ltmp54, $4  }
0x33c: {  	_ = 	snop  }
0x33d: {  	s28 =	sshra.s32 s26, $0x2;
	s26 =	sadd.s32 $0x40, s26;
	vm0 =	vgt.f32 v7, v5  }
0x33e: {  	v8 =	vnsel vm0, $0x0, v7;
	v7 =	vld [tilespmem:s28+$0x10000];
	v9 =	vsel vm0, $0x3F800000, v3  }
0x33f: {  	v4 =	vadd.f32 v8, v4;
	v6 =	vadd.f32 v9, v6  }
0x340: {  	_ =	sdelay $0x2  }
0x341: {  	vm0 =	vgt.f32 v7, v5  }
0x342: {  	v5 =	vnsel vm0, $0x0, v7  }
0x343: {  	v63 =	vsel vm0, $0x3F800000, v3;
	v4 =	vadd.f32 v5, v4  }
0x344: {  	v5 =	vadd.f32 v63, v6  }
0x345: {  	(xrf2) =	vadd.scan.msk.f32 $0xffff, v4  }
0x346: {  	(xrf2) =	vadd.scan.msk.f32 $0xffff, v5;
	_ =	sdelay $0x8  }
0x347: {  	v4, _, _ =	vpop (xrf2)  }
0x348: {  	v5, _, _ =	vpop (xrf2)  }
0x349: {  	v5 =	vbroadcast v5, $0xF;
	_ =	sdelay $0x1  }
0x34a: {  	(erf) = vrcp.f32 v5;
	_ =	sdelay $0x5  }
0x34b: {  	v4 =	vadd.f32 $-1.000000000e+00, v4;
	_ =	sdelay $0x1  }
0x34c: {  	v4 =	vbroadcast v4, $0xF  }
0x34d: {  	v5 =	vpop (erf)  }
0x34e: {  	v4 =	vmul.f32 v5, v4;
	_ =	sdelay $0x1  }
0x34f: {  	(v2sf) =	vpush v4, $0x0;
	_ =	sdelay $0xe  }
0x350: {  	s26 =	spop (v2sf)  }
0x351: {  	s29 =	smax.f32 s25, s26  }
0x352: {  	p0 =	sgt.f32 s29, s25  }
.Ltmp55:
0x353: {  	_ = 	snop;
	(pc) =	sbr.rel @p0 .LBB2_71-.Ltmp55, $2  }
0x354: {  	_ =	sdelay $0x2  }
0x355: {  	s25 =	smov.u32 s29  }
.LBB2_74:
0x356: {  	s25 =	simm.s32 $0x10080  }
0x357: {  	v5 =	vld [tilespmem:s25+$0x70]  }
0x358: {  	v6 =	vld [tilespmem:s25+$0xFFFFFF90]  }
0x359: {  	v7 =	vld [tilespmem:s25+$0xFFFFFFA0]  }
0x35a: {  	v8 =	vld [tilespmem:s25+$0xFFFFFFB0]  }
0x35b: {  	v4 =	vmov s29;
	v9 =	vld [tilespmem:s25+$0xFFFFFFC0]  }
0x35c: {  	v10 =	vld [tilespmem:s25+$0xFFFFFFD0];
	v5 =	vsub.f32 v5, v4  }
0x35d: {  	v11 =	vld [tilespmem:s25+$0xFFFFFFE0];
	v6 =	vsub.f32 v6, v4  }
0x35e: {  	v12 =	vld [tilespmem:s25+$0xFFFFFFF0];
	v7 =	vsub.f32 v7, v4;
	v5 =	vmax.f32 v5, $0.0e+00  }
0x35f: {  	v13 =	vld [tilespmem:s25+$0x0];
	v8 =	vsub.f32 v8, v4;
	v6 =	vmax.f32 v6, $0.0e+00;
	[tilespmem:s25+$0x70] =	vst v5  }
0x360: {  	[tilespmem:s25+$0xFFFFFF90] =	vst v6;
	v5 =	vmax.f32 v7, $0.0e+00;
	v6 =	vsub.f32 v9, v4;
	v9 =	vld [tilespmem:s25+$0x10]  }
0x361: {  	v14 =	vld [tilespmem:s25+$0x20];
	v7 =	vsub.f32 v10, v4;
	[tilespmem:s25+$0xFFFFFFA0] =	vst v5;
	v5 =	vmax.f32 v8, $0.0e+00  }
0x362: {  	v8 =	vsub.f32 v11, v4;
	[tilespmem:s25+$0xFFFFFFB0] =	vst v5;
	v6 =	vmax.f32 v6, $0.0e+00;
	v5 =	vld [tilespmem:s25+$0x30]  }
0x363: {  	v10 =	vsub.f32 v12, v4;
	v7 =	vmax.f32 v7, $0.0e+00;
	[tilespmem:s25+$0xFFFFFFC0] =	vst v6;
	v6 =	vld [tilespmem:s25+$0x40]  }
0x364: {  	v11 =	vsub.f32 v13, v4;
	[tilespmem:s25+$0xFFFFFFD0] =	vst v7;
	v8 =	vmax.f32 v8, $0.0e+00;
	v7 =	vld [tilespmem:s25+$0x50]  }
0x365: {  	v12 =	vmax.f32 v10, $0.0e+00;
	[tilespmem:s25+$0xFFFFFFE0] =	vst v8;
	v8 =	vld [tilespmem:s25+$0x60];
	v10 =	vsub.f32 v9, v4  }
0x366: {  	s26 =	simm.s32 $0x0;
	s28 =	simm.s32 $0x10180;
	[tilespmem:s25+$0xFFFFFFF0] =	vst v12;
	v12 =	vmax.f32 v11, $0.0e+00;
	v11 =	vsub.f32 v14, v4;
	v9 =	vld [tilespmem:s25+$0xFFFFFF80]  }
.LBB2_75:
0x367: {  	v13 =	vld [tilespmem:s28+$0x70];
	s26 =	sadd.s32 $0x10, s26;
	[tilespmem:s25+$0x0] =	vst v12;
	v10 =	vmax.f32 v10, $0.0e+00;
	v5 =	vsub.f32 v5, v4  }
0x368: {  	v12 =	vld [tilespmem:s28+$0xFFFFFF90];
	p0 =	slt.u32 s26, $0x7F0;
	[tilespmem:s25+$0x10] =	vst v10;
	v10 =	vmax.f32 v11, $0.0e+00;
	v6 =	vsub.f32 v6, v4  }
0x369: {  	v11 =	vld [tilespmem:s28+$0xFFFFFFA0];
	[tilespmem:s25+$0x20] =	vst v10;
	v5 =	vmax.f32 v5, $0.0e+00;
	v7 =	vsub.f32 v7, v4  }
0x36a: {  	v10 =	vld [tilespmem:s28+$0xFFFFFFB0];
	[tilespmem:s25+$0x30] =	vst v5;
	v5 =	vmax.f32 v6, $0.0e+00;
	v6 =	vsub.f32 v8, v4  }
0x36b: {  	v8 =	vld [tilespmem:s28+$0xFFFFFFC0];
	v9 =	vsub.f32 v9, v4;
	[tilespmem:s25+$0x40] =	vst v5;
	v5 =	vmax.f32 v7, $0.0e+00  }
0x36c: {  	v7 =	vld [tilespmem:s28+$0xFFFFFFD0];
	v13 =	vsub.f32 v13, v4;
	[tilespmem:s25+$0x50] =	vst v5;
	v5 =	vmax.f32 v6, $0.0e+00  }
0x36d: {  	v6 =	vsub.f32 v12, v4;
	v12 =	vld [tilespmem:s28+$0xFFFFFFE0];
	v9 =	vmax.f32 v9, $0.0e+00;
	[tilespmem:s25+$0x60] =	vst v5  }
0x36e: {  	v5 =	vsub.f32 v11, v4;
	v11 =	vld [tilespmem:s28+$0xFFFFFFF0];
	v13 =	vmax.f32 v13, $0.0e+00;
	[tilespmem:s25+$0xFFFFFF80] =	vst v9;
	s25 =	smov.u32 s28  }
0x36f: {  	v6 =	vmax.f32 v6, $0.0e+00;
	v9 =	vsub.f32 v10, v4;
	v10 =	vld [tilespmem:s28+$0x0];
	[tilespmem:s28+$0x70] =	vst v13  }
0x370: {  	[tilespmem:s28+$0xFFFFFF90] =	vst v6;
	v5 =	vmax.f32 v5, $0.0e+00;
	v6 =	vsub.f32 v8, v4;
	v8 =	vld [tilespmem:s28+$0x10]  }
0x371: {  	[tilespmem:s28+$0xFFFFFFA0] =	vst v5;
	v5 =	vmax.f32 v9, $0.0e+00;
	v7 =	vsub.f32 v7, v4;
	v13 =	vld [tilespmem:s28+$0x20]  }
.Ltmp56:
0x372: {  	[tilespmem:s28+$0xFFFFFFB0] =	vst v5;
	v6 =	vmax.f32 v6, $0.0e+00;
	v9 =	vsub.f32 v12, v4;
	v5 =	vld [tilespmem:s28+$0x30];
	(pc) =	sbr.rel @p0 .LBB2_75-.Ltmp56, $4  }
0x373: {  	[tilespmem:s28+$0xFFFFFFC0] =	vst v6;
	v7 =	vmax.f32 v7, $0.0e+00;
	v11 =	vsub.f32 v11, v4;
	v6 =	vld [tilespmem:s28+$0x40]  }
0x374: {  	[tilespmem:s28+$0xFFFFFFD0] =	vst v7;
	v9 =	vmax.f32 v9, $0.0e+00;
	v12 =	vsub.f32 v10, v4;
	v7 =	vld [tilespmem:s28+$0x50]  }
0x375: {  	[tilespmem:s28+$0xFFFFFFE0] =	vst v9;
	v11 =	vmax.f32 v11, $0.0e+00;
	v10 =	vsub.f32 v8, v4;
	v8 =	vld [tilespmem:s28+$0x60]  }
0x376: {  	s28 =	sadd.s32 $0x100, s28;
	v9 =	vld [tilespmem:s25+$0xFFFFFF80];
	[tilespmem:s25+$0xFFFFFFF0] =	vst v11;
	v12 =	vmax.f32 v12, $0.0e+00;
	v11 =	vsub.f32 v13, v4  }
0x377: {  	[tilespmem:s25+$0x0] =	vst v12;
	v10 =	vmax.f32 v10, $0.0e+00;
	v5 =	vsub.f32 v5, v4  }
0x378: {  	[tilespmem:s25+$0x10] =	vst v10;
	v10 =	vmax.f32 v11, $0.0e+00;
	v6 =	vsub.f32 v6, v4  }
0x379: {  	[tilespmem:s25+$0x20] =	vst v10;
	v5 =	vmax.f32 v5, $0.0e+00;
	v7 =	vsub.f32 v7, v4  }
0x37a: {  	[tilespmem:s25+$0x30] =	vst v5;
	v5 =	vmax.f32 v6, $0.0e+00;
	v6 =	vsub.f32 v8, v4  }
0x37b: {  	v4 =	vsub.f32 v9, v4;
	[tilespmem:s25+$0x40] =	vst v5;
	v5 =	vmax.f32 v7, $0.0e+00  }
0x37c: {  	[tilespmem:s25+$0x50] =	vst v5;
	v5 =	vmax.f32 v6, $0.0e+00  }
0x37d: {  	v4 =	vmax.f32 v4, $0.0e+00;
	[tilespmem:s25+$0x60] =	vst v5  }
0x37e: {  	s31 =	simm.s32 $0x80;
	[tilespmem:s25+$0xFFFFFF80] =	vst v4  }
0x37f: {  	[hbm4b:s9+s31] =	stream.strided.scatter [tilespmem:s14], [sflag:$0x6], $0x8000, s12, s31, $0x38;
	[tilespmem:$0x1C800] =	vst v63  }
0x380: {  	_ =	swait.ge [sflag:s15], $0x8000  }
0x381: {  	[sflag:s15] =	ssyncset.done $0x0  }
0x382: {  	[sflag:s15] =	ssyncadd.s32 $0xFFFF8000  }
0x383: {  	v21 =	vld [tilespmem:s31+$0xFFFFFF80]  }
0x384: {  	v8 =	vld [tilespmem:s31+$0x20]  }
0x385: {  	v5 =	vld [tilespmem:s31+$0x50]  }
0x386: {  	v4 =	vld [tilespmem:s31+$0x30]  }
0x387: {  	v6 =	vld [tilespmem:s31+$0x40]  }
0x388: {  	v7 =	vld [tilespmem:s31+$0x0]  }
0x389: {  	v12 =	vld [tilespmem:s31+$0xFFFFFFF0]  }
0x38a: {  	v9 =	vld [tilespmem:s31+$0xFFFFFFC0]  }
0x38b: {  	v14 =	vld [tilespmem:s31+$0xFFFFFFB0]  }
0x38c: {  	v10 =	vld [tilespmem:s31+$0xFFFFFFE0]  }
0x38d: {  	v24 =	vld [tilespmem:s31+$0xFFFFFFA0];
	v13 =	vadd.f32 $-1.000000000e+00, v21  }
0x38e: {  	v15 =	vlaneseq.u32;
	v23 =	vld [tilespmem:s31+$0xFFFFFF90];
	v25 =	vadd.f32 $-1.000000000e+00, v6;
	v26 =	vadd.f32 $-1.000000000e+00, v5  }
0x38f: {  	v11 =	vimm.f32 $-3.000000010e+38;
	v16 =	vld [tilespmem:s31+$0xFFFFFFD0];
	v22 =	vadd.f32 $-1.000000000e+00, v7;
	v19 =	vadd.f32 $-1.000000000e+00, v9  }
0x390: {  	v27 =	vand.u32 $0x3FFF, v15;
	v20 =	vadd.f32 $-1.000000000e+00, v12;
	v28 =	vadd.f32 $-1.000000000e+00, v14  }
0x391: {  	vm0 =	vgt.f32 v21, v11;
	v29 =	vadd.f32 $-1.000000000e+00, v4;
	v31 =	vadd.f32 $-1.000000000e+00, v8  }
0x392: {  	v32 =	vadd.f32 $-1.000000000e+00, v24;
	v17 =	vmax.f32 v11, v13;
	v11 =	vsel vm0, $0x10, v1;
	v13 =	vld [tilespmem:s31+$0x10]  }
0x393: {  	v18 =	vadd.s32 v15, v11;
	v11 =	vld [tilespmem:s31+$0x70];
	vm7 =	vgt.f32 v23, v17;
	v15 =	vadd.f32 $-1.000000000e+00, v23  }
0x394: {  	v33 =	vadd.f32 $-1.000000000e+00, v10;
	v35 =	vadd.f32 $-1.000000000e+00, v16;
	v34 =	vsel vm7, $0x10, v1  }
0x395: {  	v30 =	vand.u32 $0x3FFF, v18;
	v18 =	vadd.s32 v18, v34;
	v15 =	vmax.f32 v17, v15  }
0x396: {  	vm10 =	vgt.f32 v24, v15;
	v17 =	vmax.f32 v15, v32;
	v59 =	vand.u32 $0x3FFF, v18  }
0x397: {  	v58 =	vadd.f32 $-1.000000000e+00, v13;
	v36 =	vsel vm10, $0x10, v1;
	vm1 =	vgt.f32 v14, v17  }
0x398: {  	v15 =	vld [tilespmem:s31+$0x60];
	v28 =	vmax.f32 v17, v28;
	v37 =	vadd.f32 $-1.000000000e+00, v11;
	v17 =	vadd.s32 v18, v36  }
0x399: {  	v18 =	vsel vm1, $0x10, v1;
	v19 =	vmax.f32 v28, v19;
	vm4 =	vgt.f32 v9, v28  }
0x39a: {  	v18 =	vadd.s32 v17, v18;
	v28 =	vmax.f32 v19, v35;
	v60 =	vsel vm4, $0x10, v1  }
0x39b: {  	vm2 =	vgt.f32 v16, v19;
	v33 =	vmax.f32 v28, v33;
	v19 =	vadd.s32 v18, v60  }
0x39c: {  	v61 =	vsel vm2, $0x10, v1;
	vm3 =	vgt.f32 v10, v28;
	v62 =	vmax.f32 v33, v20  }
0x39d: {  	v38 =	vadd.f32 $-1.000000000e+00, v15;
	v20 =	vadd.s32 v19, v61;
	v28 =	vmax.f32 v62, v22  }
0x39e: {  	vm8 =	vgt.f32 v12, v33;
	v22 =	vsel vm3, $0x10, v1;
	v63 =	vmax.f32 v28, v58  }
0x39f: {  	[tilespmem:v27+s16+$0x0] =	vst.idx.msk vm0, v21;
	v21 =	vsel vm8, $0x10, v1;
	vm6 =	vgt.f32 v7, v62;
	v27 =	vmax.f32 v63, v31  }
0x3a0: {  	v22 =	vadd.s32 v20, v22;
	vm5 =	vgt.f32 v13, v28;
	v29 =	vmax.f32 v27, v29  }
0x3a1: {  	[tilespmem:v30+s16+$0x0] =	vst.idx.msk vm7, v23;
	v23 =	vsel vm6, $0x10, v1;
	v21 =	vadd.s32 v22, v21;
	v28 =	vmax.f32 v29, v25  }
0x3a2: {  	vm9 =	vgt.f32 v8, v63;
	vm0 =	vgt.f32 v4, v27;
	v25 =	vmax.f32 v28, v26  }
0x3a3: {  	[tilespmem:v59+s16+$0x0] =	vst.idx.msk vm10, v24;
	v26 =	vadd.s32 v21, v23;
	v23 =	vsel vm5, $0x10, v1;
	v27 =	vmax.f32 v25, v38  }
0x3a4: {  	s26 =	simm.s32 $0x180;
	s25 =	simm.s32 $0x0;
	vm7 =	vgt.f32 v6, v29;
	v23 =	vadd.s32 v26, v23;
	v24 =	vmax.f32 v27, v37  }
.LBB2_77:
0x3a5: {  	v29 =	vld [tilespmem:s26+$0xFFFFFF80];
	s25 =	sadd.s32 $0x10, s25;
	v22 =	vand.u32 $0x3FFF, v22;
	v26 =	vand.u32 $0x3FFF, v26;
	vm10 =	vgt.f32 v5, v28  }
0x3a6: {  	v17 =	vand.u32 $0x3FFF, v17;
	v20 =	vand.u32 $0x3FFF, v20;
	v21 =	vand.u32 $0x3FFF, v21;
	v28 =	vld [tilespmem:s26+$0x20];
	p0 =	slt.u32 s25, $0x7F0  }
0x3a7: {  	v18 =	vand.u32 $0x3FFF, v18;
	v19 =	vand.u32 $0x3FFF, v19;
	v30 =	vld [tilespmem:s26+$0x50]  }
0x3a8: {  	v32 =	vand.u32 $0x3FFF, v23;
	v31 =	vld [tilespmem:s26+$0x30]  }
0x3a9: {  	vm12 =	vgt.f32 v15, v25;
	vm11 =	vgt.f32 v11, v27;
	v34 =	vsel vm10, $0x10, v1;
	v33 =	vld [tilespmem:s26+$0x40]  }
0x3aa: {  	v25 =	vadd.f32 $-1.000000000e+00, v29;
	v27 =	vld [tilespmem:s26+$0x0];
	[tilespmem:v22+s16+$0x0] =	vst.idx.msk vm8, v12;
	v12 =	vsel vm9, $0x10, v1;
	v22 =	vsel vm7, $0x10, v1  }
0x3ab: {  	vm8 =	vgt.f32 v29, v24;
	v35 =	vld [tilespmem:s26+$0xFFFFFFE0];
	[tilespmem:v17+s16+$0x0] =	vst.idx.msk vm1, v14;
	v14 =	vadd.s32 v23, v12;
	v17 =	vsel vm0, $0x10, v1  }
0x3ac: {  	v23 =	vmax.f32 v24, v25;
	v24 =	vsel vm8, $0x10, v1;
	v12 =	vld [tilespmem:s26+$0xFFFFFFF0];
	[tilespmem:v18+s16+$0x0] =	vst.idx.msk vm4, v9;
	v17 =	vadd.s32 v14, v17  }
0x3ad: {  	v18 =	vand.u32 $0x3FFF, v14;
	v9 =	vld [tilespmem:s26+$0xFFFFFFC0];
	[tilespmem:v32+s16+$0x0] =	vst.idx.msk vm9, v8;
	v25 =	vand.u32 $0x3FFF, v17;
	v17 =	vadd.s32 v17, v22;
	v8 =	vmovc v28  }
0x3ae: {  	v14 =	vld [tilespmem:s26+$0xFFFFFFB0];
	[tilespmem:v19+s16+$0x0] =	vst.idx.msk vm2, v16;
	v19 =	vand.u32 $0x3FFF, v17;
	v16 =	vadd.s32 v17, v34;
	v17 =	vsel vm12, $0x10, v1  }
0x3af: {  	v22 =	vld [tilespmem:s26+$0xFFFFFFA0];
	[tilespmem:v20+s16+$0x0] =	vst.idx.msk vm3, v10;
	v20 =	vand.u32 $0x3FFF, v16;
	v34 =	vadd.s32 v16, v17;
	v16 =	vsel vm11, $0x10, v1  }
0x3b0: {  	v32 =	vadd.f32 $-1.000000000e+00, v30;
	v28 =	vadd.f32 $-1.000000000e+00, v33;
	v17 =	vld [tilespmem:s26+$0xFFFFFF90];
	[tilespmem:v21+s16+$0x0] =	vst.idx.msk vm6, v7;
	v21 =	vadd.s32 v34, v16;
	v7 =	vmovc v27  }
0x3b1: {  	v10 =	vmovc v35;
	v24 =	vadd.s32 v21, v24;
	v16 =	vld [tilespmem:s26+$0xFFFFFFD0];
	v27 =	vadd.f32 $-1.000000000e+00, v7;
	[tilespmem:v26+s16+$0x0] =	vst.idx.msk vm5, v13;
	v26 =	vand.u32 $0x3FFF, v34  }
0x3b2: {  	v21 =	vand.u32 $0x3FFF, v21;
	v35 =	vadd.f32 $-1.000000000e+00, v12;
	v34 =	vadd.f32 $-1.000000000e+00, v9;
	v13 =	vld [tilespmem:s26+$0x10];
	[tilespmem:v25+s16+$0x0] =	vst.idx.msk vm7, v6;
	v6 =	vmovc v33  }
0x3b3: {  	v33 =	vadd.f32 $-1.000000000e+00, v31;
	v25 =	vadd.f32 $-1.000000000e+00, v14;
	v36 =	vld [tilespmem:s26+$0x70];
	[tilespmem:v19+s16+$0x0] =	vst.idx.msk vm10, v5;
	v5 =	vmov v30  }
0x3b4: {  	v19 =	vand.u32 $0x3FFF, v24;
	v30 =	vadd.f32 $-1.000000000e+00, v8;
	[tilespmem:v20+s16+$0x0] =	vst.idx.msk vm12, v15;
	v15 =	vld [tilespmem:s26+$0x60]  }
0x3b5: {  	v37 =	vadd.f32 $-1.000000000e+00, v10;
	v20 =	vadd.f32 $-1.000000000e+00, v22;
	vm2 =	vgt.f32 v17, v23;
	[tilespmem:v18+s16+$0x0] =	vst.idx.msk vm0, v4;
	v4 =	vmovc v31  }
0x3b6: {  	v18 =	vadd.f32 $-1.000000000e+00, v17;
	v31 =	vsel vm2, $0x10, v1;
	v38 =	vadd.f32 $-1.000000000e+00, v16;
	[tilespmem:v26+s16+$0x0] =	vst.idx.msk vm11, v11  }
0x3b7: {  	[tilespmem:v21+s16+$0x0] =	vst.idx.msk vm8, v29;
	v21 =	vadd.s32 v24, v31;
	v24 =	vadd.f32 $-1.000000000e+00, v13  }
0x3b8: {  	v18 =	vmax.f32 v23, v18;
	v23 =	vand.u32 $0x3FFF, v21;
	v29 =	vadd.f32 $-1.000000000e+00, v36;
	v11 =	vmovc v36  }
0x3b9: {  	vm0 =	vgt.f32 v22, v18;
	v18 =	vmax.f32 v18, v20;
	v31 =	vadd.f32 $-1.000000000e+00, v15  }
0x3ba: {  	v20 =	vsel vm0, $0x10, v1;
	vm1 =	vgt.f32 v14, v18;
	v25 =	vmax.f32 v18, v25  }
0x3bb: {  	v18 =	vsel vm1, $0x10, v1;
	[tilespmem:v19+s16+$0x0] =	vst.idx.msk vm2, v17;
	v17 =	vadd.s32 v21, v20;
	v19 =	vmax.f32 v25, v34  }
0x3bc: {  	vm4 =	vgt.f32 v9, v25;
	v18 =	vadd.s32 v17, v18;
	v21 =	vmax.f32 v19, v38  }
0x3bd: {  	v20 =	vsel vm4, $0x10, v1;
	vm2 =	vgt.f32 v16, v19;
	v25 =	vmax.f32 v21, v37  }
0x3be: {  	v19 =	vadd.s32 v18, v20;
	v20 =	vsel vm2, $0x10, v1;
	v26 =	vmax.f32 v25, v35  }
0x3bf: {  	vm3 =	vgt.f32 v10, v21;
	v20 =	vadd.s32 v19, v20;
	v27 =	vmax.f32 v26, v27  }
0x3c0: {  	v21 =	vsel vm3, $0x10, v1;
	vm8 =	vgt.f32 v12, v25;
	[tilespmem:v23+s16+$0x0] =	vst.idx.msk vm0, v22;
	v23 =	vmax.f32 v27, v24  }
0x3c1: {  	v22 =	vadd.s32 v20, v21;
	v21 =	vsel vm8, $0x10, v1;
	v24 =	vmax.f32 v23, v30  }
.Ltmp57:
0x3c2: {  	vm5 =	vgt.f32 v13, v27;
	v21 =	vadd.s32 v22, v21;
	v30 =	vmax.f32 v24, v33;
	(pc) =	sbr.rel @p0 .LBB2_77-.Ltmp57, $4  }
0x3c3: {  	vm6 =	vgt.f32 v7, v26;
	vm9 =	vgt.f32 v8, v23;
	v28 =	vmax.f32 v30, v28  }
0x3c4: {  	v23 =	vsel vm6, $0x10, v1;
	vm0 =	vgt.f32 v4, v24;
	v25 =	vmax.f32 v28, v32  }
0x3c5: {  	v26 =	vadd.s32 v21, v23;
	v23 =	vsel vm5, $0x10, v1;
	v27 =	vmax.f32 v25, v31  }
0x3c6: {  	s26 =	sadd.s32 $0x100, s26;
	v23 =	vadd.s32 v26, v23;
	vm7 =	vgt.f32 v6, v30;
	v24 =	vmax.f32 v27, v29  }
0x3c7: {  	v29 =	vsel vm9, $0x10, v1  }
0x3c8: {  	v30 =	vsel vm0, $0x10, v1;
	v29 =	vadd.s32 v23, v29  }
0x3c9: {  	vm11 =	vgt.f32 v5, v28;
	v53 =	vsel vm7, $0x10, v1;
	v30 =	vadd.s32 v29, v30  }
0x3ca: {  	vm12 =	vgt.f32 v15, v25;
	v31 =	vsel vm11, $0x10, v1;
	v28 =	vadd.s32 v30, v53  }
0x3cb: {  	vm10 =	vgt.f32 v11, v27;
	v25 =	vsel vm12, $0x10, v1;
	v27 =	vadd.s32 v28, v31  }
0x3cc: {  	v31 =	vadd.s32 v27, v25;
	v25 =	vsel vm10, $0x10, v1  }
0x3cd: {  	v25 =	vadd.s32 v31, v25  }
0x3ce: {  	v25 =	vadd.s32 v2, v25  }
0x3cf: {  	v32 =	vshra.s32 v25, $0x1F;
	v33 =	vand.u32 $0xF, v25  }
0x3d0: {  	vm14 =	vlt.s32 v25, $0x1;
	vm13 =	vne.s32 v33, $0x0;
	v32 =	vshrl.u32 v32, $0x1C  }
0x3d1: {  	vm13 =	vmand vm14, vm13;
	v25 =	vadd.s32 v32, v25  }
0x3d2: {  	v54 =	vsel vm13, $0xFFFFFFFF, v1;
	v25 =	vshra.s32 v25, $0x4  }
0x3d3: {  	v25 =	vadd.s32 v54, v25  }
0x3d4: {  	v32 =	vxor.u32 $0x80000000, v25  }
0x3d5: {  	(xrf0) =	vmax.scan.msk.u32 $0xffff, v32;
	_ =	sdelay $0x3  }
0x3d6: {  	(xrf0) =	vmax.scan.msk.f32 $0xffff, v24;
	_ =	sdelay $0x1  }
0x3d7: {  	v24, _, _ =	vpop (xrf0)  }
0x3d8: {  	(v2sf) =	vpush v24, $0xF;
	_ =	sdelay $0x2  }
0x3d9: {  	v24, _, _ =	vpop (xrf0)  }
0x3da: {  	(v2sf) =	vpush v24, $0xF  }
0x3db: {  	v22 =	vand.u32 $0x3FFF, v22  }
0x3dc: {  	v17 =	vand.u32 $0x3FFF, v17  }
0x3dd: {  	v18 =	vand.u32 $0x3FFF, v18  }
0x3de: {  	v55 =	vand.u32 $0x3FFF, v23  }
0x3df: {  	v19 =	vand.u32 $0x3FFF, v19  }
0x3e0: {  	v56 =	vand.u32 $0x3FFF, v20;
	[tilespmem:v22+s16+$0x0] =	vst.idx.msk vm8, v12  }
0x3e1: {  	v57 =	vand.u32 $0x3FFF, v21;
	[tilespmem:v17+s16+$0x0] =	vst.idx.msk vm1, v14  }
0x3e2: {  	v58 =	vand.u32 $0x3FFF, v26;
	[tilespmem:v18+s16+$0x0] =	vst.idx.msk vm4, v9  }
0x3e3: {  	v62 =	vand.u32 $0x3FFF, v29;
	[tilespmem:v55+s16+$0x0] =	vst.idx.msk vm9, v8  }
0x3e4: {  	v59 =	vand.u32 $0x3FFF, v30;
	[tilespmem:v19+s16+$0x0] =	vst.idx.msk vm2, v16  }
0x3e5: {  	v60 =	vand.u32 $0x3FFF, v28;
	[tilespmem:v56+s16+$0x0] =	vst.idx.msk vm3, v10;
	s25 =	spop (v2sf)  }
0x3e6: {  	v61 =	vand.u32 $0x3FFF, v27;
	[tilespmem:v57+s16+$0x0] =	vst.idx.msk vm6, v7;
	s31 =	sadd.s32 $0x7FFFFFFF, s25  }
0x3e7: {  	[tilespmem:v58+s16+$0x0] =	vst.idx.msk vm5, v13;
	v63 =	vand.u32 $0x3FFF, v31;
	p0 =	sgt.u32 s31, $0x3FF  }
.Ltmp58:
0x3e8: {  	[tilespmem:v62+s16+$0x0] =	vst.idx.msk vm0, v4;
	(pc) =	sbr.rel @p0 .LBB2_79-.Ltmp58, $4  }
0x3e9: {  	[tilespmem:v59+s16+$0x0] =	vst.idx.msk vm7, v6;
	s26 =	spop (v2sf)  }
0x3ea: {  	[tilespmem:v60+s16+$0x0] =	vst.idx.msk vm11, v5;
	s28 =	sadd.f32 $1.000000000e+00, s26  }
0x3eb: {  	[tilespmem:v61+s16+$0x0] =	vst.idx.msk vm12, v15  }
0x3ec: {  	[tilespmem:v63+s16+$0x0] =	vst.idx.msk vm10, v11;
	s26 =	sxor.u32 $0x80000000, s25;
	s25 =	sadd.f32 $-1.000000000e+00, s28  }
0x3ed: {  	v5 =	vimm.f32 $0.0e+00  }
0x3ee: {  	v7 =	vlaneseq.u32;
	s29 =	simm.s32 $0x1;
	s28 =	simm.s32 $0x18000;
	p0 =	sgt.s32 s26, $0x400;
	v6 =	vimm.f32 $0.0e+00;
	v4 =	vmov s25  }
.LBB2_81:
0x3ef: {  	v8 =	vld [tilespmem:s28+$0x0];
	_ =	sdelay $0x2  }
0x3f0: {  	s30 =	sadd.s32 $0xFFFFFFFF, s29  }
0x3f1: {  	v9 =	vmov s30  }
0x3f2: {  	vm1 =	vlt.s32 v9, v25;
	vm0 =	vgt.f32 v8, v4  }
0x3f3: {  	vm0 =	vmand vm1, vm0  }
0x3f4: {  	v62 =	vand.u32 $0x7FF, v7;
	p1 =	sgt.s32 @!p0 s26, s29  }
0x3f5: {  	p1 =	por p0, !p1  }
.Ltmp59:
0x3f6: {  	_ = 	snop;
	(pc) =	sbr.rel @!p1 .LBB2_81-.Ltmp59, $3  }
0x3f7: {  	_ =	sdelay $0x1  }
0x3f8: {  	v63 =	vsel vm0, $0x10, v1;
	v10 =	vsel vm0, $0x3F800000, v3;
	[tilespmem:v62+s17+$0x0] =	vst.idx.msk vm0, v8;
	v8 =	vnsel vm0, $0x0, v8  }
0x3f9: {  	s29 =	sadd.s32 $0x1, s29;
	s28 =	sadd.s32 $0x10, s28;
	v7 =	vadd.s32 v7, v63;
	v5 =	vadd.f32 v10, v5;
	v6 =	vadd.f32 v8, v6  }
.Ltmp60:
0x3fa: {  	(pc) =	sbr.rel .LBB2_83-.Ltmp60, $2  }
0x3fb: {  	_ =	sdelay $0x2  }
0x3fc: {  	v4 =	vadd.s32 v2, v7  }
.LBB2_79:
0x3fd: {  	v4 =	vimm.s32 $0x0;
	v6 =	vimm.f32 $0.0e+00;
	v5 =	vimm.f32 $0.0e+00  }
.LBB2_83:
0x3fe: {  	v7 =	vshra.s32 v4, $0x1F;
	v8 =	vand.u32 $0xF, v4  }
0x3ff: {  	vm1 =	vlt.s32 v4, $0x1;
	vm0 =	vne.s32 v8, $0x0;
	v7 =	vshrl.u32 v7, $0x1C  }
0x400: {  	v4 =	vadd.s32 v7, v4;
	vm0 =	vmand vm1, vm0  }
0x401: {  	v4 =	vshra.s32 v4, $0x4;
	v7 =	vsel vm0, $0xFFFFFFFF, v1  }
0x402: {  	v4 =	vadd.s32 v7, v4  }
0x403: {  	v7 =	vxor.u32 $0x80000000, v4  }
0x404: {  	(xrf0) =	vmax.scan.msk.u32 $0xffff, v7;
	_ =	sdelay $0x5  }
0x405: {  	v7, _, _ =	vpop (xrf0)  }
0x406: {  	(v2sf) =	vpush v7, $0xF;
	_ =	sdelay $0xe  }
0x407: {  	s28 =	spop (v2sf)  }
0x408: {  	p0 =	sgt.s32 s26, $0x400;
	s26 =	sxor.u32 $0x80000000, s28  }
0x409: {  	p1 =	sgt.s32 @!p0 s26, $0x80  }
0x40a: {  	p0 =	por p0, p1  }
.Ltmp61:
0x40b: {  	_ = 	snop;
	(pc) =	sbr.rel @p0 .LBB2_95-.Ltmp61, $1  }
0x40c: {  	_ =	sdelay $0x3  }
0x40d: {  	(xrf2) =	vadd.scan.msk.f32 $0xffff, v6  }
0x40e: {  	(xrf2) =	vadd.scan.msk.f32 $0xffff, v5;
	_ =	sdelay $0x8  }
0x40f: {  	v5, _, _ =	vpop (xrf2)  }
0x410: {  	v6, _, _ =	vpop (xrf2)  }
0x411: {  	v6 =	vbroadcast v6, $0xF;
	_ =	sdelay $0x1  }
0x412: {  	(erf) = vrcp.f32 v6;
	_ =	sdelay $0x5  }
0x413: {  	v5 =	vadd.f32 $-1.000000000e+00, v5;
	_ =	sdelay $0x1  }
0x414: {  	v5 =	vbroadcast v5, $0xF  }
0x415: {  	v6 =	vpop (erf)  }
0x416: {  	v5 =	vmul.f32 v6, v5;
	_ =	sdelay $0x1  }
0x417: {  	(v2sf) =	vpush v5, $0x0;
	_ =	sdelay $0xe  }
0x418: {  	s28 =	spop (v2sf)  }
0x419: {  	s28 =	smax.f32 s25, s28  }
0x41a: {  	p0 =	sgt.f32 s28, s25  }
.Ltmp62:
0x41b: {  	_ = 	snop;
	(pc) =	sbr.rel @!p0 .LBB2_99-.Ltmp62, $4  }
.Ltmp63:
0x41c: {  	_ = 	snop;
	(pc) =	sbr.rel @p0 .LBB2_85-.Ltmp63, $4  }
0x41d: {  	_ = 	snop  }
0x41e: {  	_ = 	snop  }
0x41f: {  	s29 =	smov.u32 s28  }
0x420: {  	_ = 	snop  }
.LBB2_86:
0x421: {  	v5 =	vimm.f32 $0.0e+00;
	v6 =	vimm.f32 $0.0e+00  }
.LBB2_94:
0x422: {  	(xrf2) =	vadd.scan.msk.f32 $0xffff, v5  }
0x423: {  	(xrf2) =	vadd.scan.msk.f32 $0xffff, v6;
	_ =	sdelay $0x8  }
0x424: {  	v5, _, _ =	vpop (xrf2)  }
0x425: {  	v6, _, _ =	vpop (xrf2)  }
0x426: {  	v6 =	vbroadcast v6, $0xF;
	_ =	sdelay $0x1  }
0x427: {  	(erf) = vrcp.f32 v6;
	_ =	sdelay $0x5  }
0x428: {  	v5 =	vadd.f32 $-1.000000000e+00, v5;
	_ =	sdelay $0x1  }
0x429: {  	v5 =	vbroadcast v5, $0xF  }
0x42a: {  	v6 =	vpop (erf)  }
0x42b: {  	v5 =	vmul.f32 v6, v5;
	_ =	sdelay $0x1  }
0x42c: {  	(v2sf) =	vpush v5, $0x0;
	_ =	sdelay $0xe  }
0x42d: {  	s25 =	spop (v2sf)  }
0x42e: {  	s29 =	smax.f32 s28, s25  }
0x42f: {  	p0 =	sgt.f32 s29, s28  }
.Ltmp64:
0x430: {  	_ = 	snop;
	(pc) =	sbr.rel @!p0 .LBB2_99-.Ltmp64, $2  }
0x431: {  	_ =	sdelay $0x2  }
0x432: {  	s28 =	smov.u32 s29  }
.LBB2_85:
0x433: {  	p0 =	slt.s32 s26, $0x1  }
.Ltmp65:
0x434: {  	_ = 	snop;
	(pc) =	sbr.rel @p0 .LBB2_86-.Ltmp65, $1  }
0x435: {  	_ =	sdelay $0x3  }
0x436: {  	p1 =	sne.s32 s26, $0x1  }
.Ltmp66:
0x437: {  	_ = 	snop;
	(pc) =	sbr.rel @!p1 .LBB2_88-.Ltmp66, $3  }
0x438: {  	_ =	sdelay $0x1  }
0x439: {  	s30 =	simm.s32 $0x1C000  }
0x43a: {  	v6 =	vmov s28;
	s29 =	simm.s32 $0x0;
	v5 =	vimm.f32 $0.0e+00;
	s25 =	simm.s32 $0x1;
	p0 =	por $0x0, $0x0;
	v9 =	vld [tilespmem:s30+$0x0]  }
0x43b: {  	_ = 	snop  }
0x43c: {  	p1 =	sne.s32 s26, $0x2  }
.Ltmp67:
0x43d: {  	_ = 	snop;
	(pc) =	sbr.rel @!p1 .LBB2_90-.Ltmp67, $4  }
0x43e: {  	v7 =	vmov s29  }
0x43f: {  	vm1 =	vlt.s32 v7, v4;
	vm0 =	vgt.f32 v9, v6  }
0x440: {  	s29 =	simm.s32 $0x1C010;
	v8 =	vimm.f32 $0.0e+00;
	vm0 =	vmand vm1, vm0  }
0x441: {  	s30 =	simm.s32 $0x2;
	p0 =	por $0x1, $0x1;
	v7 =	vimm.f32 $0.0e+00;
	v10 =	vnsel vm0, $0x0, v9;
	v9 =	vld [tilespmem:s29+$0x0];
	v11 =	vsel vm0, $0x3F800000, v3  }
.LBB2_91:
0x442: {  	s31 =	smov.u32 s30;
	s30 =	sadd.s32 $0x1, s30  }
0x443: {  	v7 =	vadd.f32 v10, v7;
	v8 =	vadd.f32 v11, v8;
	p1 =	sne.s32 s26, s30  }
.Ltmp68:
0x444: {  	(pc) =	sbr.rel @p1 .LBB2_91-.Ltmp68, $4  }
0x445: {  	v11 =	vmov s25;
	s25 =	smov.u32 s31  }
0x446: {  	s29 =	sadd.s32 $0x10, s29;
	vm1 =	vlt.s32 v11, v4;
	vm0 =	vgt.f32 v9, v6;
	v10 =	vmov v9  }
0x447: {  	v9 =	vld [tilespmem:s29+$0x0];
	vm0 =	vmand vm1, vm0  }
0x448: {  	v10 =	vnsel vm0, $0x0, v10;
	v11 =	vsel vm0, $0x3F800000, v3  }
0x449: {  	s29 =	smov.u32 s25  }
.LBB2_93:
0x44a: {  	_ = 	snop  }
0x44b: {  	v12 =	vmov s29  }
.Ltmp69:
0x44c: {  	vm1 =	vlt.s32 v12, v4;
	vm0 =	vgt.f32 v9, v6;
	v6 =	vadd.f32 @p0 v10, v7;
	(pc) =	sbr.rel .LBB2_94-.Ltmp69, $4  }
0x44d: {  	v7 =	vadd.f32 @p0 v11, v8;
	vm0 =	vmand vm1, vm0  }
0x44e: {  	v8 =	vnsel vm0, $0x0, v9;
	v6 =	vpsel p0, v6, v5  }
0x44f: {  	v63 =	vsel vm0, $0x3F800000, v3;
	v7 =	vpsel p0, v7, v5;
	v5 =	vadd.f32 v8, v6  }
0x450: {  	v6 =	vadd.f32 v63, v7  }
.LBB2_88:
.Ltmp70:
0x451: {  	(pc) =	sbr.rel .LBB2_93-.Ltmp70, $2  }
0x452: {  	_ =	sdelay $0x2  }
0x453: {  	v7 =	vimm.f32 $0.0e+00;
	v8 =	vimm.f32 $0.0e+00  }
.LBB2_90:
.Ltmp71:
0x454: {  	(pc) =	sbr.rel .LBB2_93-.Ltmp71, $2  }
0x455: {  	_ =	sdelay $0x2  }
0x456: {  	v7 =	vimm.f32 $0.0e+00;
	v8 =	vimm.f32 $0.0e+00;
	s29 =	simm.s32 $0x1  }
.LBB2_95:
0x457: {  	s26 =	sadd.f32 $-1.000000000e+00, s25;
	_ =	sdelay $0x1  }
0x458: {  	p0 =	sgt.f32 s25, s26  }
.Ltmp72:
0x459: {  	_ = 	snop;
	(pc) =	sbr.rel @!p0 .LBB2_99-.Ltmp72, $2  }
0x45a: {  	_ =	sdelay $0x2  }
0x45b: {  	s29 =	smov.u32 s25  }
.LBB2_96:
0x45c: {  	s28 =	simm.s32 $0x0  }
0x45d: {  	v7 =	vld [tilespmem:s28+$0x0]  }
0x45e: {  	v5 =	vmov s25;
	v4 =	vimm.f32 $0.0e+00;
	s26 =	simm.s32 $0x40;
	v6 =	vimm.f32 $0.0e+00  }
.LBB2_97:
0x45f: {  	p0 =	sne.s32 s26, $0x1FFC0  }
.Ltmp73:
0x460: {  	_ = 	snop;
	(pc) =	sbr.rel @p0 .LBB2_97-.Ltmp73, $4  }
0x461: {  	_ = 	snop  }
0x462: {  	s28 =	sshra.s32 s26, $0x2;
	s26 =	sadd.s32 $0x40, s26;
	vm0 =	vgt.f32 v7, v5  }
0x463: {  	v8 =	vnsel vm0, $0x0, v7;
	v7 =	vld [tilespmem:s28+$0x0];
	v9 =	vsel vm0, $0x3F800000, v3  }
0x464: {  	v4 =	vadd.f32 v8, v4;
	v6 =	vadd.f32 v9, v6  }
0x465: {  	_ =	sdelay $0x2  }
0x466: {  	vm0 =	vgt.f32 v7, v5  }
0x467: {  	v5 =	vnsel vm0, $0x0, v7  }
0x468: {  	v63 =	vsel vm0, $0x3F800000, v3;
	v4 =	vadd.f32 v5, v4  }
0x469: {  	v5 =	vadd.f32 v63, v6  }
0x46a: {  	(xrf2) =	vadd.scan.msk.f32 $0xffff, v4  }
0x46b: {  	(xrf2) =	vadd.scan.msk.f32 $0xffff, v5;
	_ =	sdelay $0x8  }
0x46c: {  	v4, _, _ =	vpop (xrf2)  }
0x46d: {  	v5, _, _ =	vpop (xrf2)  }
0x46e: {  	v5 =	vbroadcast v5, $0xF;
	_ =	sdelay $0x1  }
0x46f: {  	(erf) = vrcp.f32 v5;
	_ =	sdelay $0x5  }
0x470: {  	v4 =	vadd.f32 $-1.000000000e+00, v4;
	_ =	sdelay $0x1  }
0x471: {  	v4 =	vbroadcast v4, $0xF  }
0x472: {  	v5 =	vpop (erf)  }
0x473: {  	v4 =	vmul.f32 v5, v4;
	_ =	sdelay $0x1  }
0x474: {  	(v2sf) =	vpush v4, $0x0;
	_ =	sdelay $0xe  }
0x475: {  	s26 =	spop (v2sf)  }
0x476: {  	s29 =	smax.f32 s25, s26  }
0x477: {  	p0 =	sgt.f32 s29, s25  }
.Ltmp74:
0x478: {  	_ = 	snop;
	(pc) =	sbr.rel @p0 .LBB2_96-.Ltmp74, $2  }
0x479: {  	_ =	sdelay $0x2  }
0x47a: {  	s25 =	smov.u32 s29  }
.LBB2_99:
0x47b: {  	s25 =	simm.s32 $0x80  }
0x47c: {  	v5 =	vld [tilespmem:s25+$0x70]  }
0x47d: {  	v6 =	vld [tilespmem:s25+$0xFFFFFF90]  }
0x47e: {  	v7 =	vld [tilespmem:s25+$0xFFFFFFA0]  }
0x47f: {  	v8 =	vld [tilespmem:s25+$0xFFFFFFB0]  }
0x480: {  	v4 =	vmov s29;
	v9 =	vld [tilespmem:s25+$0xFFFFFFC0]  }
0x481: {  	v10 =	vld [tilespmem:s25+$0xFFFFFFD0];
	v5 =	vsub.f32 v5, v4  }
0x482: {  	v11 =	vld [tilespmem:s25+$0xFFFFFFE0];
	v6 =	vsub.f32 v6, v4  }
0x483: {  	v12 =	vld [tilespmem:s25+$0xFFFFFFF0];
	v7 =	vsub.f32 v7, v4;
	v5 =	vmax.f32 v5, $0.0e+00  }
0x484: {  	v13 =	vld [tilespmem:s25+$0x0];
	v8 =	vsub.f32 v8, v4;
	v6 =	vmax.f32 v6, $0.0e+00;
	[tilespmem:s25+$0x70] =	vst v5  }
0x485: {  	[tilespmem:s25+$0xFFFFFF90] =	vst v6;
	v5 =	vmax.f32 v7, $0.0e+00;
	v6 =	vsub.f32 v9, v4;
	v9 =	vld [tilespmem:s25+$0x10]  }
0x486: {  	v14 =	vld [tilespmem:s25+$0x20];
	v7 =	vsub.f32 v10, v4;
	[tilespmem:s25+$0xFFFFFFA0] =	vst v5;
	v5 =	vmax.f32 v8, $0.0e+00  }
0x487: {  	v8 =	vsub.f32 v11, v4;
	[tilespmem:s25+$0xFFFFFFB0] =	vst v5;
	v6 =	vmax.f32 v6, $0.0e+00;
	v5 =	vld [tilespmem:s25+$0x30]  }
0x488: {  	v10 =	vsub.f32 v12, v4;
	v7 =	vmax.f32 v7, $0.0e+00;
	[tilespmem:s25+$0xFFFFFFC0] =	vst v6;
	v6 =	vld [tilespmem:s25+$0x40]  }
0x489: {  	v11 =	vsub.f32 v13, v4;
	[tilespmem:s25+$0xFFFFFFD0] =	vst v7;
	v8 =	vmax.f32 v8, $0.0e+00;
	v7 =	vld [tilespmem:s25+$0x50]  }
0x48a: {  	v12 =	vmax.f32 v10, $0.0e+00;
	[tilespmem:s25+$0xFFFFFFE0] =	vst v8;
	v8 =	vld [tilespmem:s25+$0x60];
	v10 =	vsub.f32 v9, v4  }
0x48b: {  	s26 =	simm.s32 $0x0;
	s28 =	simm.s32 $0x180;
	[tilespmem:s25+$0xFFFFFFF0] =	vst v12;
	v12 =	vmax.f32 v11, $0.0e+00;
	v11 =	vsub.f32 v14, v4;
	v9 =	vld [tilespmem:s25+$0xFFFFFF80]  }
.LBB2_100:
0x48c: {  	v13 =	vld [tilespmem:s28+$0x70];
	s26 =	sadd.s32 $0x10, s26;
	[tilespmem:s25+$0x0] =	vst v12;
	v10 =	vmax.f32 v10, $0.0e+00;
	v5 =	vsub.f32 v5, v4  }
0x48d: {  	v12 =	vld [tilespmem:s28+$0xFFFFFF90];
	p0 =	slt.u32 s26, $0x7F0;
	[tilespmem:s25+$0x10] =	vst v10;
	v10 =	vmax.f32 v11, $0.0e+00;
	v6 =	vsub.f32 v6, v4  }
0x48e: {  	v11 =	vld [tilespmem:s28+$0xFFFFFFA0];
	[tilespmem:s25+$0x20] =	vst v10;
	v5 =	vmax.f32 v5, $0.0e+00;
	v7 =	vsub.f32 v7, v4  }
0x48f: {  	v10 =	vld [tilespmem:s28+$0xFFFFFFB0];
	[tilespmem:s25+$0x30] =	vst v5;
	v5 =	vmax.f32 v6, $0.0e+00;
	v6 =	vsub.f32 v8, v4  }
0x490: {  	v8 =	vld [tilespmem:s28+$0xFFFFFFC0];
	v9 =	vsub.f32 v9, v4;
	[tilespmem:s25+$0x40] =	vst v5;
	v5 =	vmax.f32 v7, $0.0e+00  }
0x491: {  	v7 =	vld [tilespmem:s28+$0xFFFFFFD0];
	v13 =	vsub.f32 v13, v4;
	[tilespmem:s25+$0x50] =	vst v5;
	v5 =	vmax.f32 v6, $0.0e+00  }
0x492: {  	v6 =	vsub.f32 v12, v4;
	v12 =	vld [tilespmem:s28+$0xFFFFFFE0];
	v9 =	vmax.f32 v9, $0.0e+00;
	[tilespmem:s25+$0x60] =	vst v5  }
0x493: {  	v5 =	vsub.f32 v11, v4;
	v11 =	vld [tilespmem:s28+$0xFFFFFFF0];
	v13 =	vmax.f32 v13, $0.0e+00;
	[tilespmem:s25+$0xFFFFFF80] =	vst v9;
	s25 =	smov.u32 s28  }
0x494: {  	v6 =	vmax.f32 v6, $0.0e+00;
	v9 =	vsub.f32 v10, v4;
	v10 =	vld [tilespmem:s28+$0x0];
	[tilespmem:s28+$0x70] =	vst v13  }
0x495: {  	[tilespmem:s28+$0xFFFFFF90] =	vst v6;
	v5 =	vmax.f32 v5, $0.0e+00;
	v6 =	vsub.f32 v8, v4;
	v8 =	vld [tilespmem:s28+$0x10]  }
0x496: {  	[tilespmem:s28+$0xFFFFFFA0] =	vst v5;
	v5 =	vmax.f32 v9, $0.0e+00;
	v7 =	vsub.f32 v7, v4;
	v13 =	vld [tilespmem:s28+$0x20]  }
.Ltmp75:
0x497: {  	[tilespmem:s28+$0xFFFFFFB0] =	vst v5;
	v6 =	vmax.f32 v6, $0.0e+00;
	v9 =	vsub.f32 v12, v4;
	v5 =	vld [tilespmem:s28+$0x30];
	(pc) =	sbr.rel @p0 .LBB2_100-.Ltmp75, $4  }
0x498: {  	[tilespmem:s28+$0xFFFFFFC0] =	vst v6;
	v7 =	vmax.f32 v7, $0.0e+00;
	v11 =	vsub.f32 v11, v4;
	v6 =	vld [tilespmem:s28+$0x40]  }
0x499: {  	[tilespmem:s28+$0xFFFFFFD0] =	vst v7;
	v9 =	vmax.f32 v9, $0.0e+00;
	v12 =	vsub.f32 v10, v4;
	v7 =	vld [tilespmem:s28+$0x50]  }
0x49a: {  	[tilespmem:s28+$0xFFFFFFE0] =	vst v9;
	v11 =	vmax.f32 v11, $0.0e+00;
	v10 =	vsub.f32 v8, v4;
	v8 =	vld [tilespmem:s28+$0x60]  }
0x49b: {  	s28 =	sadd.s32 $0x100, s28;
	v9 =	vld [tilespmem:s25+$0xFFFFFF80];
	[tilespmem:s25+$0xFFFFFFF0] =	vst v11;
	v12 =	vmax.f32 v12, $0.0e+00;
	v11 =	vsub.f32 v13, v4  }
0x49c: {  	[tilespmem:s25+$0x0] =	vst v12;
	v10 =	vmax.f32 v10, $0.0e+00;
	v5 =	vsub.f32 v5, v4  }
0x49d: {  	[tilespmem:s25+$0x10] =	vst v10;
	v62 =	vmax.f32 v11, $0.0e+00;
	v6 =	vsub.f32 v6, v4  }
0x49e: {  	[tilespmem:s25+$0x20] =	vst v62;
	v5 =	vmax.f32 v5, $0.0e+00;
	v7 =	vsub.f32 v7, v4  }
0x49f: {  	[tilespmem:s25+$0x30] =	vst v5;
	v5 =	vmax.f32 v6, $0.0e+00;
	v63 =	vsub.f32 v8, v4  }
0x4a0: {  	v4 =	vsub.f32 v9, v4;
	[tilespmem:s25+$0x40] =	vst v5;
	v5 =	vmax.f32 v7, $0.0e+00  }
0x4a1: {  	[tilespmem:s25+$0x50] =	vst v5;
	v5 =	vmax.f32 v63, $0.0e+00  }
0x4a2: {  	v4 =	vmax.f32 v4, $0.0e+00;
	[tilespmem:s25+$0x60] =	vst v5  }
0x4a3: {  	[tilespmem:s25+$0xFFFFFF80] =	vst v4  }
0x4a4: {  	[hbm4b:s10+s18] =	stream.strided.scatter [tilespmem:s2], [sflag:$0x4], $0x8000, s12, s18, $0x38;
	[tilespmem:$0x1C800] =	vst v63  }
0x4a5: {  	_ =	swait.ge [sflag:s22], $0x8000  }
0x4a6: {  	[sflag:s22] =	ssyncset.done $0x0  }
0x4a7: {  	s24 =	sadd.s32 $0x1, s24;
	[sflag:s22] =	ssyncadd.s32 $0xFFFF8000  }
0x4a8: {  	p0 =	sne.s32 s24, s11;
	_ =	swait.ge [sflag:s23], $0x8000  }
.Ltmp76:
0x4a9: {  	[sflag:s23] =	ssyncset.done $0x0;
	(pc) =	sbr.rel @p0 .LBB2_1-.Ltmp76, $4  }
0x4aa: {  	[sflag:s23] =	ssyncadd.s32 $0xFFFF8000  }
0x4ab: {  	_ =	swait.ge [sflag:s20], $0x8000  }
0x4ac: {  	[sflag:s20] =	ssyncset.done $0x0  }
0x4ad: {  	[sflag:s20] =	ssyncadd.s32 $0xFFFF8000  }
0x4ae: {  	_ =	sfence.sel $0x180000  }
0x4af: {  	[bflag:$0x0] =	sbarrier.arrive $0xFFFF  }
0x4b0: {  	p0 =	sne.s32 s1, $0x0;
	_ =	strace $0x90000047  }
0x4b1: {  	s0 =	sadd.s32 @!p0 $0x100000, s0;
	[bflag:$0x2] =	sbarrier.arrive $0xFFFF  }
0x4b2: {  	[sflag:s0] =	ssyncadd.tile.s32 @!p0 $0x1;
	_ =	shalt  }
.Lfunc_end2:
_tile_overlayer_lowered:
.L_overlay_start_2:
0x4b3: {  	(tag) =	ssettag $0x2  }
0x4b4: {  	s0 =	rddreg [dreg:$0x0];
	s2 =	stileid.u32  }
0x4b5: {  	s1 =	rddreg [dreg:$0x1];
	p0 =	sne.s32 s2, $0x0  }
0x4b6: {  	s3 =	rddreg [dreg:$0x2];
	[bflag:$0x3] =	sbarrier.arrive $0xFFFF;
	s2 =	simm.s32 @!p0 $0x1C07  }
0x4b7: {  	[timem:s3], [sflag:s2] =	dma.local @!p0 [hbm:s0], s1  }
0x4b8: {  	s0 =	simm.s32 @!p0 $0x7  }
0x4b9: {  	_ =	swait.ge @!p0 [sflag:s0], s1  }
0x4ba: {  	s1 =	ssub.s32 @!p0 $0x0, s1;
	[sflag:s0] =	ssyncset.done @!p0 $0x0  }
0x4bb: {  	[sflag:s0] =	ssyncadd.s32 @!p0 s1  }
0x4bc: {  	[bflag:$0x3] =	sbarrier.arrive $0xFFFF  }
0x4bd: {  	_ =	shalt  }

</sc_bundles>
